<compile_context>
chip_gen: v7x
topology: tpu7x:2x2x1
jax: 0.10.2.dev20260603
libtpu: 0.0.44.dev20260713+nightly
codegen_flags: <defaults>
</compile_context>

<pallas_src>
import functools

import jax
import jax.numpy as jnp
from jax import lax
from jax.experimental import pallas as pl
from jax.experimental.pallas import tpu as pltpu
from jax.experimental.pallas import tpu_sc as plsc

N = 10000
NP_ = 10112
D = 128
HEADS = 8
DH = 16
NCLS = 40
NC, NS = 2, 16
CH = 80
RPS = NP_ // NS
DUMMY = 10048
BS = 2528
GRID = NP_ // BS

E_RAW = 320000
E_SL = E_RAW + N
NCHS_PLAIN = 250
NCHS_GAT = 258
NCHW_GCN = NCHS_GAT // 2
EPAD_PLAIN = NS * CH * NCHS_PLAIN
EPAD_SL = NS * CH * NCHS_GAT
f32 = jnp.float32



_MESH = plsc.VectorSubcoreMesh(core_axis_name="c", subcore_axis_name="s",
                               num_cores=NC, num_subcores=NS)


def _make_plain(nchunks):

    @functools.partial(
        pl.kernel,
        out_type=jax.ShapeDtypeStruct((NC, NP_, D), f32),
        mesh=_MESH,
        scratch_types=[
            pltpu.VMEM_SHARED((NP_, D), f32),
            pltpu.VMEM((CH,), jnp.int32),
            pltpu.VMEM((CH,), jnp.int32),
            pltpu.VMEM((CH, D), f32),
            pltpu.VMEM((CH, D), f32),
            pltpu.SemaphoreType.DMA,
        ],
    )
    def plain_pass(table, srci, dsti, zeros128, ones128,
                   out128,
                   acc128, idx_s, idx_d, rows, ones_v, sem):
        c = lax.axis_index("c")
        s = lax.axis_index("s")
        r0 = s * RPS
        pltpu.sync_copy(zeros128, acc128.at[pl.ds(r0, RPS)])
        pltpu.sync_copy(ones128, ones_v)
        plsc.subcore_barrier()

        base0 = s * (nchunks * CH)

        @pl.loop(0, nchunks)
        def _(i):
            b = base0 + i * CH
            pltpu.sync_copy(dsti.at[pl.ds(b, CH)], idx_d)

            @pl.when(c == 0)
            def _():
                pltpu.sync_copy(srci.at[pl.ds(b, CH)], idx_s)
                pltpu.async_copy(table.at[idx_s], rows, sem).wait()
                pltpu.sync_copy(rows, acc128.at[idx_d], add=True)

            @pl.when(c == 1)
            def _():
                pltpu.sync_copy(ones_v, acc128.at[idx_d], add=True)

        plsc.subcore_barrier()
        pltpu.sync_copy(acc128.at[pl.ds(r0, RPS)], out128.at[c, pl.ds(r0, RPS)])

    return plain_pass


def _make_plain_split(nchunks):

    @functools.partial(
        pl.kernel,
        out_type=jax.ShapeDtypeStruct((NC, NP_, D), f32),
        mesh=_MESH,
        scratch_types=[
            pltpu.VMEM_SHARED((NP_, D), f32),
            pltpu.VMEM((CH,), jnp.int32),
            pltpu.VMEM((CH,), jnp.int32),
            pltpu.VMEM((CH, D), f32),
            pltpu.SemaphoreType.DMA,
        ],
    )
    def plain_split(table, srci, dsti, zeros128,
                    out128,
                    acc128, idx_s, idx_d, rows, sem):
        c = lax.axis_index("c")
        s = lax.axis_index("s")
        w = c * NS + s
        r0 = s * RPS
        pltpu.sync_copy(zeros128, acc128.at[pl.ds(r0, RPS)])
        plsc.subcore_barrier()

        base0 = w * (nchunks * CH)

        @pl.loop(0, nchunks)
        def _(i):
            b = base0 + i * CH
            pltpu.sync_copy(srci.at[pl.ds(b, CH)], idx_s)
            pltpu.sync_copy(dsti.at[pl.ds(b, CH)], idx_d)
            pltpu.async_copy(table.at[idx_s], rows, sem).wait()
            pltpu.sync_copy(rows, acc128.at[idx_d], add=True)

        plsc.subcore_barrier()
        pltpu.sync_copy(acc128.at[pl.ds(r0, RPS)], out128.at[c, pl.ds(r0, RPS)])

    return plain_split


def _make_gat(nchunks):

    @functools.partial(
        pl.kernel,
        out_type=jax.ShapeDtypeStruct((NC, NP_, D), f32),
        mesh=_MESH,
        scratch_types=[
            pltpu.VMEM_SHARED((NP_, D), f32),
            pltpu.VMEM((CH,), jnp.int32),
            pltpu.VMEM((CH,), jnp.int32),
            pltpu.VMEM((CH, D), f32),
            pltpu.VMEM((CH, D), f32),
            pltpu.VMEM((CH, D), f32),
            pltpu.VMEM((CH, D), f32),
            pltpu.SemaphoreType.DMA,
        ],
    )
    def gat_pass(htab, acat, bcat, srci, dsti, zeros128,
                 out128,
                 acc128, idx_s, idx_d, hbuf, abuf, bbuf, wbuf, sem):
        c = lax.axis_index("c")
        s = lax.axis_index("s")
        r0 = s * RPS
        pltpu.sync_copy(zeros128, acc128.at[pl.ds(r0, RPS)])

        zero16 = jnp.zeros((16,), f32)

        @pl.when(c == 1)
        def _():
            @pl.loop(0, CH)
            def _(e):
                for k in range(1, HEADS):
                    wbuf[e, pl.ds(k * DH, DH)] = zero16

        plsc.subcore_barrier()

        base0 = s * (nchunks * CH)
        lanes = lax.iota(jnp.int32, 16)

        @pl.loop(0, nchunks)
        def _(i):
            b = base0 + i * CH
            pltpu.sync_copy(srci.at[pl.ds(b, CH)], idx_s)
            pltpu.sync_copy(dsti.at[pl.ds(b, CH)], idx_d)

            @pl.when(c == 0)
            def _():
                ca = pltpu.async_copy(acat.at[idx_s], abuf, sem)
                cb = pltpu.async_copy(bcat.at[idx_d], bbuf, sem)
                chh = pltpu.async_copy(htab.at[idx_s], hbuf, sem)
                ca.wait()
                cb.wait()
                chh.wait()

                @pl.loop(0, CH)
                def _(e):
                    v = abuf[e, pl.ds(0, 16)] + bbuf[e, pl.ds(0, 16)]
                    t = jnp.exp(jnp.where(v >= 0.0, v, 0.2 * v))
                    for j in range(HEADS):
                        hv = hbuf[e, pl.ds(j * DH, DH)]
                        wbuf[e, pl.ds(j * DH, DH)] = hv * t[j]

            @pl.when(c == 1)
            def _():
                ca = pltpu.async_copy(acat.at[idx_s], abuf, sem)
                cb = pltpu.async_copy(bcat.at[idx_d], bbuf, sem)
                ca.wait()
                cb.wait()

                @pl.loop(0, CH)
                def _(e):
                    v = abuf[e, pl.ds(0, 16)] + bbuf[e, pl.ds(0, 16)]
                    vc = jnp.where(lanes < 8,
                                   jnp.where(v >= 0.0, v, 0.2 * v), 0.0)
                    wbuf[e, pl.ds(0, 16)] = jnp.exp(vc)

            pltpu.sync_copy(wbuf, acc128.at[idx_d], add=True)

        plsc.subcore_barrier()
        pltpu.sync_copy(acc128.at[pl.ds(r0, RPS)], out128.at[c, pl.ds(r0, RPS)])

    return gat_pass


_PLAIN_P = _make_plain(NCHS_PLAIN)
_PLAIN_S = _make_plain_split(NCHW_GCN)
_GAT_G = _make_gat(NCHS_GAT)



def _lnk(x, g, b, eps=1e-5):
    m = jnp.mean(x, axis=-1, keepdims=True)
    v = jnp.mean((x - m) * (x - m), axis=-1, keepdims=True)
    return (x - m) * lax.rsqrt(v + eps) * g + b


def _geluk(x):
    return 0.5 * x * (1.0 + lax.erf(x * 0.7071067811865476))


def _dot(a, b):
    return jnp.dot(a, b, preferred_element_type=f32)


def _nspec(a):
    if a.ndim == 2 and a.shape[0] == NP_:
        w = a.shape[1]
        return pl.BlockSpec((BS, w), lambda i: (i, 0))
    if a.ndim == 3 and a.shape[1] == NP_:
        d0, _, w = a.shape
        return pl.BlockSpec((d0, BS, w), lambda i: (0, i, 0))
    nd = a.ndim
    return pl.BlockSpec(a.shape, lambda i: (0,) * nd)


def _tc_call(body, args, out_widths):
    outs = tuple(jax.ShapeDtypeStruct((NP_, w), f32) for w in out_widths)
    return pl.pallas_call(
        body,
        grid=(GRID,),
        in_specs=[_nspec(a) for a in args],
        out_specs=tuple(pl.BlockSpec((BS, w), lambda i: (i, 0)) for w in out_widths),
        out_shape=outs,
    )(*args)


def _t1_body(xp_r, xa_r, png, pnb, ang, anb,
             plW1, plb1, plg, plbln, plW2, plb2,
             alW1, alb1, alg, albln, alW2, alb2,
             g1W, g1as, g1ad,
             xp0_o, xa0_o, h1_o, acat_o, bcat_o):
    xp = _lnk(xp_r[...], png[...], pnb[...])
    xa = _lnk(xa_r[...], ang[...], anb[...])
    t = _geluk(_dot(xp, plW1[...]) + plb1[...])
    t = _lnk(t, plg[...], plbln[...])
    xp0 = _dot(t, plW2[...]) + plb2[...]
    t = _geluk(_dot(xa, alW1[...]) + alb1[...])
    t = _lnk(t, alg[...], albln[...])
    xa0 = _dot(t, alW2[...]) + alb2[...]
    h1 = _dot(xp0, g1W[...])
    hh = h1.reshape(BS, HEADS, DH)
    a_s = jnp.sum(hh * g1as[...], axis=-1)
    a_d = jnp.sum(hh * g1ad[...], axis=-1)
    xp0_o[...] = xp0
    xa0_o[...] = xa0
    h1_o[...] = h1
    acat_o[...] = jnp.concatenate([a_s, a_d], axis=-1)
    bcat_o[...] = jnp.concatenate([a_d, a_s], axis=-1)


def _t2_body(xp0_r, xa0_r, po, pa, ps, pc,
             g1b, n1g, n1b, sWl, sbl, sWr, n2g, n2b, gcnW,
             xp1_o, xp2_o, hs_o):
    o = po[...]
    pa_v = pa[...]
    asum = pa_v[:, :HEADS]
    att = (o.reshape(BS, HEADS, DH) / (asum[:, :, None] + 1e-16)).reshape(BS, D)
    att1 = _geluk(_lnk(att + g1b[...], n1g[...], n1b[...]))
    xp1 = att1 + xp0_r[...]
    ssum = ps[...]
    cnt = pc[...][:, 0:1]
    mean = ssum / jnp.maximum(cnt, 1.0)
    sage = _dot(mean, sWl[...]) + sbl[...] + _dot(xa0_r[...], sWr[...])
    a2p = _geluk(_lnk(sage, n2g[...], n2b[...]))
    xp2 = xp1 + 0.5 * a2p
    deg = pa_v[:, HEADS:HEADS + 1]
    dinv = jnp.where(deg > 0.0, lax.rsqrt(jnp.maximum(deg, 1e-30)), 0.0)
    hs = _dot(xp2, gcnW[...]) * dinv
    xp1_o[...] = xp1
    xp2_o[...] = xp2
    hs_o[...] = hs


def _t3_body(xp2_r, pg, pa, gcnb, g2W, g2as, g2ad,
             xp3_o, h2_o, acat_o, bcat_o):
    g = pg[0] + pg[1]
    deg = pa[...][:, HEADS:HEADS + 1]
    dinv = jnp.where(deg > 0.0, lax.rsqrt(jnp.maximum(deg, 1e-30)), 0.0)
    conv = _geluk(g * dinv + gcnb[...])
    xp3 = xp2_r[...] + 0.3 * conv
    h2 = _dot(xp3, g2W[...])
    hh = h2.reshape(BS, HEADS, DH)
    a_s = jnp.sum(hh * g2as[...], axis=-1)
    a_d = jnp.sum(hh * g2ad[...], axis=-1)
    xp3_o[...] = xp3
    h2_o[...] = h2
    acat_o[...] = jnp.concatenate([a_s, a_d], axis=-1)
    bcat_o[...] = jnp.concatenate([a_d, a_s], axis=-1)


def _t4_body(xp0_r, xp1_r, xp3_r, po, pa, g2b, n4g, n4b, sw,
             cW1, cb1, cg, cbln, cW2, cb2, cW3, cb3,
             out_o):
    o = po[...]
    asum = pa[...][:, :HEADS]
    att = (o.reshape(BS, HEADS, DH) / (asum[:, :, None] + 1e-16)).reshape(BS, D)
    att2 = _geluk(_lnk(att + g2b[...], n4g[...], n4b[...]))
    xp4 = xp3_r[...] + att2
    swv = sw[...]
    ms = swv[0, 0] * xp0_r[...] + swv[0, 1] * xp1_r[...] + swv[0, 2] * xp4
    comb = jnp.concatenate([ms, xp4], axis=-1)
    h1c = _geluk(_lnk(_dot(comb, cW1[...]) + cb1[...], cg[...], cbln[...]))
    h2c = _geluk(_dot(h1c, cW2[...]) + cb2[...])
    out_o[...] = _dot(h2c, cW3[...]) + cb3[...]



def _pad_edges(src, dst, epad):
    npad = epad - src.shape[0]
    src = jnp.concatenate([src, jnp.zeros((npad,), jnp.int32)])
    dst = jnp.concatenate([dst, jnp.full((npad,), DUMMY, jnp.int32)])
    return src, dst


def kernel(x_patent, x_author, edge_index_pp, edge_index_ap, edge_index_pa,
           params):
    P = params
    r1 = lambda p: p.reshape(1, -1)

    xp_in = jnp.pad(x_patent, ((0, NP_ - N), (0, 0)))
    xa_in = jnp.pad(x_author, ((0, NP_ - N), (0, 0)))

    loops = jnp.arange(N, dtype=jnp.int32)
    pp_src = jnp.concatenate([edge_index_pp[0], loops])
    pp_dst = jnp.concatenate([edge_index_pp[1], loops])
    pp_src, pp_dst = _pad_edges(pp_src, pp_dst, EPAD_SL)
    ap_src, ap_dst = _pad_edges(edge_index_ap[0], edge_index_ap[1], EPAD_PLAIN)

    zeros128 = jnp.zeros((RPS, D), f32)
    ones128 = jnp.ones((CH, D), f32)
    padw = ((0, 0), (0, D - 16))

    sw = jax.nn.softmax(P['scale_w'])
    sw_arr = jnp.zeros((1, D), f32).at[0, :3].set(sw)
    cW3 = jnp.pad(P['c_W3'], ((0, 0), (0, D - NCLS)))
    cb3 = jnp.pad(P['c_b3'], ((0, D - NCLS))).reshape(1, D)

    xp0, xa0, h1, acat1, bcat1 = _tc_call(
        _t1_body,
        [xp_in, xa_in, r1(P['pn_g']), r1(P['pn_b']), r1(P['an_g']), r1(P['an_b']),
         P['pl_W1'], r1(P['pl_b1']), r1(P['pl_g']), r1(P['pl_bln']), P['pl_W2'], r1(P['pl_b2']),
         P['al_W1'], r1(P['al_b1']), r1(P['al_g']), r1(P['al_bln']), P['al_W2'], r1(P['al_b2']),
         P['g1_W'], P['g1_as'], P['g1_ad']],
        (D, D, D, 16, 16))

    g1 = _GAT_G(h1, jnp.pad(acat1, padw), jnp.pad(bcat1, padw),
                pp_src, pp_dst, zeros128)
    g1_out, g1_aux = g1[0], g1[1]
    sage = _PLAIN_P(xa0, ap_src, ap_dst, zeros128, ones128)
    sage_sum, sage_cnt = sage[0], sage[1]

    xp1, xp2, hs = _tc_call(
        _t2_body,
        [xp0, xa0, g1_out, g1_aux, sage_sum, sage_cnt,
         r1(P['g1_b']), r1(P['n1_g']), r1(P['n1_b']),
         P['sap_Wl'], r1(P['sap_bl']), P['sap_Wr'],
         r1(P['n2_g']), r1(P['n2_b']), P['gcn_W']],
        (D, D, D))

    gcn = _PLAIN_S(hs, pp_src, pp_dst, zeros128)

    xp3, h2, acat2, bcat2 = _tc_call(
        _t3_body,
        [xp2, gcn, g1_aux, r1(P['gcn_b']), P['g2_W'], P['g2_as'], P['g2_ad']],
        (D, D, 16, 16))

    g2 = _GAT_G(h2, jnp.pad(acat2, padw), jnp.pad(bcat2, padw),
                pp_src, pp_dst, zeros128)

    out_pad, = _tc_call(
        _t4_body,
        [xp0, xp1, xp3, g2[0], g2[1],
         r1(P['g2_b']), r1(P['n4_g']), r1(P['n4_b']), sw_arr,
         P['c_W1'], r1(P['c_b1']), r1(P['c_g']), r1(P['c_bln']),
         P['c_W2'], r1(P['c_b2']), cW3, cb3],
        (D,))

    return out_pad[:N, :NCLS]

# --- scband reference (transcript-rebuilt; emitter-appended) ---
"""Pipeline reference for scband-transformer-hetero-gnn-7507602833970 (READ-ONLY COPY).

The authoritative reference and input builder live on the scoring server;
editing this copy changes nothing except your own understanding.
"""

import jax, jax.numpy as jnp
import numpy as np

N_P = 10000
N_A = 10000
E = 320000
D_P = 128
D_A = 128
H = 128
HEADS = 8
OUT_H = H // HEADS
NUM_CLASSES = 40


def _ln(x, g, b, eps=1e-5):
    m = jnp.mean(x, axis=-1, keepdims=True)
    v = jnp.var(x, axis=-1, keepdims=True)
    return (x - m) / jnp.sqrt(v + eps) * g + b


def _gelu(x):
    return jax.nn.gelu(x, approximate=False)


def _add_self_loops(ei, n):
    loop = jnp.arange(n, dtype=ei.dtype)
    return jnp.concatenate([ei, jnp.stack([loop, loop])], axis=1)


def _gat(x, ei, W, att_src, att_dst, bias, n):
    ei = _add_self_loops(ei, n)
    src, dst = ei[0], ei[1]
    h = (x @ W).reshape(n, HEADS, OUT_H)
    a_src = jnp.sum(h * att_src, axis=-1)
    a_dst = jnp.sum(h * att_dst, axis=-1)
    alpha = a_src[src] + a_dst[dst]
    alpha = jnp.where(alpha >= 0.0, alpha, 0.2 * alpha)
    amax = jax.ops.segment_max(alpha, dst, num_segments=n)
    alpha = jnp.exp(alpha - jax.lax.stop_gradient(amax)[dst])
    asum = jax.ops.segment_sum(alpha, dst, num_segments=n)
    alpha = alpha / (asum[dst] + 1e-16)
    out = jax.ops.segment_sum(h[src] * alpha[:, :, None], dst, num_segments=n)
    return out.reshape(n, HEADS * OUT_H) + bias


def _sage(x, ei, Wl, bl, Wr, n):
    src, dst = ei[0], ei[1]
    s = jax.ops.segment_sum(x[src], dst, num_segments=n)
    cnt = jax.ops.segment_sum(jnp.ones((src.shape[0],), x.dtype), dst, num_segments=n)
    mean = s / jnp.maximum(cnt, 1.0)[:, None]
    return mean @ Wl + bl + x @ Wr


def _gcn(x, ei, W, b, n):
    ei = _add_self_loops(ei, n)
    src, dst = ei[0], ei[1]
    deg = jax.ops.segment_sum(jnp.ones((src.shape[0],), x.dtype), dst, num_segments=n)
    dinv = jnp.where(deg > 0.0, deg ** -0.5, 0.0)
    norm = dinv[src] * dinv[dst]
    h = x @ W
    return jax.ops.segment_sum(h[src] * norm[:, None], dst, num_segments=n) + b


def _mlp_in(x, W1, b1, g, bln, W2, b2):
    x = _gelu(x @ W1 + b1)
    x = _ln(x, g, bln)
    return x @ W2 + b2


def _forward(x_patent, x_author, ei_pp, ei_ap, ei_pa, P):
    xp = _ln(x_patent, P['pn_g'], P['pn_b'])
    xa = _ln(x_author, P['an_g'], P['an_b'])
    xp0 = _mlp_in(xp, P['pl_W1'], P['pl_b1'], P['pl_g'], P['pl_bln'], P['pl_W2'], P['pl_b2'])
    xa0 = _mlp_in(xa, P['al_W1'], P['al_b1'], P['al_g'], P['al_bln'], P['al_W2'], P['al_b2'])
    xp = xp0
    xa = xa0
    feats = [xp0]
    att1 = _gat(xp, ei_pp, P['g1_W'], P['g1_as'], P['g1_ad'], P['g1_b'], N_P)
    att1 = _gelu(_ln(att1, P['n1_g'], P['n1_b']))
    xp = att1 + xp
    feats.append(xp)
    a2p = _gelu(_ln(_sage(xa, ei_ap, P['sap_Wl'], P['sap_bl'], P['sap_Wr'], N_A), P['n2_g'], P['n2_b']))
    p2a = _gelu(_ln(_sage(xp, ei_pa, P['spa_Wl'], P['spa_bl'], P['spa_Wr'], N_P), P['n3_g'], P['n3_b']))
    xp = xp + 0.5 * a2p
    xa = xa + 0.5 * p2a
    conv = _gelu(_gcn(xp, ei_pp, P['gcn_W'], P['gcn_b'], N_P))
    xp = xp + 0.3 * conv
    att2 = _gat(xp, ei_pp, P['g2_W'], P['g2_as'], P['g2_ad'], P['g2_b'], N_P)
    att2 = _gelu(_ln(att2, P['n4_g'], P['n4_b']))
    xp = xp + att2
    feats.append(xp)
    sw = jax.nn.softmax(P['scale_w'])
    ms = sw[0] * feats[0] + sw[1] * feats[1] + sw[2] * feats[2]
    comb = jnp.concatenate([ms, xp], axis=1)
    h1 = _gelu(_ln(comb @ P['c_W1'] + P['c_b1'], P['c_g'], P['c_bln']))
    h2 = _gelu(h1 @ P['c_W2'] + P['c_b2'])
    return h2 @ P['c_W3'] + P['c_b3']


def setup_inputs(seed: int = 0):
    key = jax.random.key(seed)
    ks = iter(jax.random.split(key, 40))

    def nrm(shape, s=0.05):
        return jax.random.normal(next(ks), shape, dtype=jnp.float32) * s

    x_patent = jax.random.normal(next(ks), (N_P, D_P), dtype=jnp.float32)
    x_author = jax.random.normal(next(ks), (N_A, D_A), dtype=jnp.float32)
    ei_pp = jax.random.randint(next(ks), (2, E), 0, N_P, dtype=jnp.int32)
    ei_ap = jax.random.randint(next(ks), (2, E), 0, N_P, dtype=jnp.int32)
    ei_pa = jax.random.randint(next(ks), (2, E), 0, N_A, dtype=jnp.int32)
    H2 = H * 2
    P = {
        'pn_g': jnp.ones((D_P,)), 'pn_b': jnp.zeros((D_P,)),
        'an_g': jnp.ones((D_A,)), 'an_b': jnp.zeros((D_A,)),
        'pl_W1': nrm((D_P, H2)), 'pl_b1': jnp.zeros((H2,)), 'pl_g': jnp.ones((H2,)), 'pl_bln': jnp.zeros((H2,)), 'pl_W2': nrm((H2, H)), 'pl_b2': jnp.zeros((H,)),
        'al_W1': nrm((D_A, H2)), 'al_b1': jnp.zeros((H2,)), 'al_g': jnp.ones((H2,)), 'al_bln': jnp.zeros((H2,)), 'al_W2': nrm((H2, H)), 'al_b2': jnp.zeros((H,)),
        'g1_W': nrm((H, H)), 'g1_as': nrm((HEADS, OUT_H)), 'g1_ad': nrm((HEADS, OUT_H)), 'g1_b': jnp.zeros((H,)),
        'g2_W': nrm((H, H)), 'g2_as': nrm((HEADS, OUT_H)), 'g2_ad': nrm((HEADS, OUT_H)), 'g2_b': jnp.zeros((H,)),
        'sap_Wl': nrm((H, H)), 'sap_bl': jnp.zeros((H,)), 'sap_Wr': nrm((H, H)),
        'spa_Wl': nrm((H, H)), 'spa_bl': jnp.zeros((H,)), 'spa_Wr': nrm((H, H)),
        'gcn_W': nrm((H, H)), 'gcn_b': jnp.zeros((H,)),
        'n1_g': jnp.ones((H,)), 'n1_b': jnp.zeros((H,)),
        'n2_g': jnp.ones((H,)), 'n2_b': jnp.zeros((H,)),
        'n3_g': jnp.ones((H,)), 'n3_b': jnp.zeros((H,)),
        'n4_g': jnp.ones((H,)), 'n4_b': jnp.zeros((H,)),
        'scale_w': jnp.ones((3,)),
        'c_W1': nrm((2 * H, H)), 'c_b1': jnp.zeros((H,)), 'c_g': jnp.ones((H,)), 'c_bln': jnp.zeros((H,)),
        'c_W2': nrm((H, H // 2)), 'c_b2': jnp.zeros((H // 2,)),
        'c_W3': nrm((H // 2, NUM_CLASSES)), 'c_b3': jnp.zeros((NUM_CLASSES,)),
    }
    return {'x_patent': x_patent, 'x_author': x_author, 'edge_index_pp': ei_pp, 'edge_index_ap': ei_ap, 'edge_index_pa': ei_pa, 'params': P}


def reference(x_patent, x_author, edge_index_pp, edge_index_ap, edge_index_pa, params):
    return _forward(x_patent, x_author, edge_index_pp, edge_index_ap, edge_index_pa, params)

if __name__ == "__main__":
    import jax
    _d = setup_inputs()
    print(jax.jit(kernel)(*tuple(_d.values())))

</pallas_src>

<mosaic_0001>
#map = affine_map<(d0, d1) -> (0, 0)>
#map1 = affine_map<(d0, d1) -> (0)>
#map2 = affine_map<(d0, d1) -> (0, 0, 0)>
module attributes {stable_mosaic.version = 14 : i64} {
  func.func @plain_split(%arg0: i32, %arg1: i32, %arg2: memref<10112x128xf32, #tpu.memory_space<hbm>>, %arg3: memref<330240xi32, #tpu.memory_space<hbm>>, %arg4: memref<330240xi32, #tpu.memory_space<hbm>>, %arg5: memref<632x128xf32, #tpu.memory_space<hbm>>, %arg6: memref<2x10112x128xf32, #tpu.memory_space<hbm>>, %arg7: memref<10112x128xf32, #tpu.memory_space<vmem_shared>>, %arg8: memref<80xi32, #tpu.memory_space<vmem>>, %arg9: memref<80xi32, #tpu.memory_space<vmem>>, %arg10: memref<80x128xf32, #tpu.memory_space<vmem>>, %arg11: memref<!tpu.dma_semaphore, #tpu.memory_space<semaphore_mem>>) attributes {dimension_semantics = [#tpu.dimension_semantics<core_parallel>, #tpu.dimension_semantics<subcore_parallel>], iteration_bounds = array<i64: 2, 16>, scalar_prefetch = 0 : i64, scratch_operands = 5 : i64, tpu.core_type = #tpu.core_type<sc_vector_subcore>, window_params = [{transform_indices = #map}, {transform_indices = #map1}, {transform_indices = #map1}, {transform_indices = #map}, {transform_indices = #map2}]} {
    %mul3A = arith.constant 16 : i32
    %mul3A_0 = arith.muli %arg0, %mul3A : i32
    %add3A = arith.addi %mul3A_0, %arg1 : i32
    %mul3A_1 = arith.constant 632 : i32
    %mul3A_2 = arith.muli %arg1, %mul3A_1 : i32
    "tpu.region"() ({
      %run_scoped3A = tpu.sem_alloc : memref<!tpu.dma_semaphore, #tpu.memory_space<semaphore_mem>>
      %dma_start3A = arith.constant 0 : i32
      %dma_start3A_10 = tpu.memref_slice %arg7[%mul3A_2, %dma_start3A] : memref<10112x128xf32, #tpu.memory_space<vmem_shared>> -> memref<632x128xf32, #tpu.memory_space<vmem_shared>>
      tpu.enqueue_dma source(%arg5 : memref<632x128xf32, #tpu.memory_space<hbm>>) target(%dma_start3A_10 : memref<632x128xf32, #tpu.memory_space<vmem_shared>>) target_semaphore(%run_scoped3A : memref<!tpu.dma_semaphore, #tpu.memory_space<semaphore_mem>>)
      %dma_wait3A = arith.constant 0 : i32
      %dma_wait3A_11 = tpu.memref_slice %arg7[%mul3A_2, %dma_wait3A] : memref<10112x128xf32, #tpu.memory_space<vmem_shared>> -> memref<632x128xf32, #tpu.memory_space<vmem_shared>>
      tpu.wait_dma2 semaphore(%run_scoped3A : memref<!tpu.dma_semaphore, #tpu.memory_space<semaphore_mem>>) src(%arg5 : memref<632x128xf32, #tpu.memory_space<hbm>>) dst(%dma_wait3A_11 : memref<632x128xf32, #tpu.memory_space<vmem_shared>>)
      tpu.yield
    }) : () -> ()
    %barrier3A = arith.constant 0 : index
    tpu.barrier barrier_id(%barrier3A)
    %mul3A_3 = arith.constant 10320 : i32
    %mul3A_4 = arith.muli %add3A, %mul3A_3 : i32
    %scan3A = arith.constant 0 : i32
    %scan3A_5 = arith.constant 129 : i32
    %scan3A_6 = arith.addi %scan3A, %scan3A_5 : i32
    %scan3A_7 = arith.constant 1 : i32
    scf.for %scan3A_10 = %scan3A to %scan3A_6 step %scan3A_7  : i32 {
      %mul3A_11 = arith.constant 1 : i32
      %mul3A_12 = arith.muli %scan3A_10, %mul3A_11 : i32
      %add3A_13 = arith.constant 0 : i32
      %add3A_14 = arith.addi %add3A_13, %mul3A_12 : i32
      %mul3A_15 = arith.constant 80 : i32
      %mul3A_16 = arith.muli %add3A_14, %mul3A_15 : i32
      %add3A_17 = arith.addi %mul3A_4, %mul3A_16 : i32
      "tpu.region"() ({
        %run_scoped3A = tpu.sem_alloc : memref<!tpu.dma_semaphore, #tpu.memory_space<semaphore_mem>>
        %dma_start3A_22 = tpu.memref_slice %arg3[%add3A_17] : memref<330240xi32, #tpu.memory_space<hbm>> -> memref<80xi32, #tpu.memory_space<hbm>>
        %dma_start3A_23 = tpu.memref_slice %arg3[%add3A_17] : memref<330240xi32, #tpu.memory_space<hbm>> -> memref<80xi32, #tpu.memory_space<hbm>>
        tpu.enqueue_dma source(%dma_start3A_23 : memref<80xi32, #tpu.memory_space<hbm>>) target(%arg8 : memref<80xi32, #tpu.memory_space<vmem>>) target_semaphore(%run_scoped3A : memref<!tpu.dma_semaphore, #tpu.memory_space<semaphore_mem>>)
        %dma_wait3A_24 = tpu.memref_slice %arg3[%add3A_17] : memref<330240xi32, #tpu.memory_space<hbm>> -> memref<80xi32, #tpu.memory_space<hbm>>
        %dma_wait3A_25 = tpu.memref_slice %arg3[%add3A_17] : memref<330240xi32, #tpu.memory_space<hbm>> -> memref<80xi32, #tpu.memory_space<hbm>>
        tpu.wait_dma2 semaphore(%run_scoped3A : memref<!tpu.dma_semaphore, #tpu.memory_space<semaphore_mem>>) src(%dma_wait3A_25 : memref<80xi32, #tpu.memory_space<hbm>>) dst(%arg8 : memref<80xi32, #tpu.memory_space<vmem>>)
        tpu.yield
      }) : () -> ()
      "tpu.region"() ({
        %run_scoped3A = tpu.sem_alloc : memref<!tpu.dma_semaphore, #tpu.memory_space<semaphore_mem>>
        %dma_start3A_22 = tpu.memref_slice %arg4[%add3A_17] : memref<330240xi32, #tpu.memory_space<hbm>> -> memref<80xi32, #tpu.memory_space<hbm>>
        %dma_start3A_23 = tpu.memref_slice %arg4[%add3A_17] : memref<330240xi32, #tpu.memory_space<hbm>> -> memref<80xi32, #tpu.memory_space<hbm>>
        tpu.enqueue_dma source(%dma_start3A_23 : memref<80xi32, #tpu.memory_space<hbm>>) target(%arg9 : memref<80xi32, #tpu.memory_space<vmem>>) target_semaphore(%run_scoped3A : memref<!tpu.dma_semaphore, #tpu.memory_space<semaphore_mem>>)
        %dma_wait3A_24 = tpu.memref_slice %arg4[%add3A_17] : memref<330240xi32, #tpu.memory_space<hbm>> -> memref<80xi32, #tpu.memory_space<hbm>>
        %dma_wait3A_25 = tpu.memref_slice %arg4[%add3A_17] : memref<330240xi32, #tpu.memory_space<hbm>> -> memref<80xi32, #tpu.memory_space<hbm>>
        tpu.wait_dma2 semaphore(%run_scoped3A : memref<!tpu.dma_semaphore, #tpu.memory_space<semaphore_mem>>) src(%dma_wait3A_25 : memref<80xi32, #tpu.memory_space<hbm>>) dst(%arg9 : memref<80xi32, #tpu.memory_space<vmem>>)
        tpu.yield
      }) : () -> ()
      %dma_start3A = arith.constant 0 : i32
      %dma_start3A_18 = arith.constant 0 : i32
      %dma_start3A_19 = tpu.memref_slice %arg2[%dma_start3A, %dma_start3A_18] : memref<10112x128xf32, #tpu.memory_space<hbm>> -> memref<10112x128xf32, #tpu.memory_space<hbm>>
      tpu.enqueue_indirect_dma source(%dma_start3A_19 : memref<10112x128xf32, #tpu.memory_space<hbm>>) target(%arg10 : memref<80x128xf32, #tpu.memory_space<vmem>>) offsets(%arg8 : memref<80xi32, #tpu.memory_space<vmem>>) semaphore(%arg11 : memref<!tpu.dma_semaphore, #tpu.memory_space<semaphore_mem>>)
      %dma_wait3A = arith.constant 0 : i32
      %dma_wait3A_20 = arith.constant 0 : i32
      %dma_wait3A_21 = tpu.memref_slice %arg2[%dma_wait3A, %dma_wait3A_20] : memref<10112x128xf32, #tpu.memory_space<hbm>> -> memref<10112x128xf32, #tpu.memory_space<hbm>>
      tpu.wait_indirect_dma semaphore(%arg11 : memref<!tpu.dma_semaphore, #tpu.memory_space<semaphore_mem>>) src(%dma_wait3A_21 : memref<10112x128xf32, #tpu.memory_space<hbm>>) dst(%arg10 : memref<80x128xf32, #tpu.memory_space<vmem>>)
      "tpu.region"() ({
        %run_scoped3A = tpu.sem_alloc : memref<!tpu.dma_semaphore, #tpu.memory_space<semaphore_mem>>
        %dma_start3A_22 = arith.constant 0 : i32
        %dma_start3A_23 = arith.constant 0 : i32
        %dma_start3A_24 = tpu.memref_slice %arg7[%dma_start3A_22, %dma_start3A_23] : memref<10112x128xf32, #tpu.memory_space<vmem_shared>> -> memref<10112x128xf32, #tpu.memory_space<vmem_shared>>
        tpu.enqueue_indirect_dma source(%arg10 : memref<80x128xf32, #tpu.memory_space<vmem>>) target(%dma_start3A_24 : memref<10112x128xf32, #tpu.memory_space<vmem_shared>>) offsets(%arg9 : memref<80xi32, #tpu.memory_space<vmem>>) semaphore(%run_scoped3A : memref<!tpu.dma_semaphore, #tpu.memory_space<semaphore_mem>>) {add = true}
        %dma_wait3A_25 = arith.constant 0 : i32
        %dma_wait3A_26 = arith.constant 0 : i32
        %dma_wait3A_27 = tpu.memref_slice %arg7[%dma_wait3A_25, %dma_wait3A_26] : memref<10112x128xf32, #tpu.memory_space<vmem_shared>> -> memref<10112x128xf32, #tpu.memory_space<vmem_shared>>
        tpu.wait_indirect_dma semaphore(%run_scoped3A : memref<!tpu.dma_semaphore, #tpu.memory_space<semaphore_mem>>) src(%arg10 : memref<80x128xf32, #tpu.memory_space<vmem>>) dst(%dma_wait3A_27 : memref<10112x128xf32, #tpu.memory_space<vmem_shared>>)
        tpu.yield
      }) : () -> ()
    }
    %scan3A_8 = arith.constant 129 : i32
    %barrier3A_9 = arith.constant 0 : index
    tpu.barrier barrier_id(%barrier3A_9)
    "tpu.region"() ({
      %run_scoped3A = tpu.sem_alloc : memref<!tpu.dma_semaphore, #tpu.memory_space<semaphore_mem>>
      %dma_start3A = arith.constant 0 : i32
      %dma_start3A_10 = tpu.memref_slice %arg6[%arg0, %mul3A_2, %dma_start3A] : memref<2x10112x128xf32, #tpu.memory_space<hbm>> -> memref<1x632x128xf32, #tpu.memory_space<hbm>>
      %dma_start3A_11 = tpu.memref_squeeze %dma_start3A_10 : memref<1x632x128xf32, #tpu.memory_space<hbm>> -> memref<632x128xf32, #tpu.memory_space<hbm>>
      %dma_start3A_12 = arith.constant 0 : i32
      %dma_start3A_13 = tpu.memref_slice %arg7[%mul3A_2, %dma_start3A_12] : memref<10112x128xf32, #tpu.memory_space<vmem_shared>> -> memref<632x128xf32, #tpu.memory_space<vmem_shared>>
      tpu.enqueue_dma source(%dma_start3A_13 : memref<632x128xf32, #tpu.memory_space<vmem_shared>>) target(%dma_start3A_11 : memref<632x128xf32, #tpu.memory_space<hbm>>) target_semaphore(%run_scoped3A : memref<!tpu.dma_semaphore, #tpu.memory_space<semaphore_mem>>)
      %dma_wait3A = arith.constant 0 : i32
      %dma_wait3A_14 = tpu.memref_slice %arg6[%arg0, %mul3A_2, %dma_wait3A] : memref<2x10112x128xf32, #tpu.memory_space<hbm>> -> memref<1x632x128xf32, #tpu.memory_space<hbm>>
      %dma_wait3A_15 = tpu.memref_squeeze %dma_wait3A_14 : memref<1x632x128xf32, #tpu.memory_space<hbm>> -> memref<632x128xf32, #tpu.memory_space<hbm>>
      %dma_wait3A_16 = arith.constant 0 : i32
      %dma_wait3A_17 = tpu.memref_slice %arg7[%mul3A_2, %dma_wait3A_16] : memref<10112x128xf32, #tpu.memory_space<vmem_shared>> -> memref<632x128xf32, #tpu.memory_space<vmem_shared>>
      tpu.wait_dma2 semaphore(%run_scoped3A : memref<!tpu.dma_semaphore, #tpu.memory_space<semaphore_mem>>) src(%dma_wait3A_17 : memref<632x128xf32, #tpu.memory_space<vmem_shared>>) dst(%dma_wait3A_15 : memref<632x128xf32, #tpu.memory_space<hbm>>)
      tpu.yield
    }) : () -> ()
    return
  }
}

#map = affine_map<(d0, d1) -> (0, 0)>
#map1 = affine_map<(d0, d1) -> (0)>
#map2 = affine_map<(d0, d1) -> (0, 0, 0)>
module attributes {stable_mosaic.version = 14 : i64} {
  func.func @gat_pass(%arg0: i32, %arg1: i32, %arg2: memref<10112x128xf32, #tpu.memory_space<hbm>>, %arg3: memref<10112x128xf32, #tpu.memory_space<hbm>>, %arg4: memref<10112x128xf32, #tpu.memory_space<hbm>>, %arg5: memref<330240xi32, #tpu.memory_space<hbm>>, %arg6: memref<330240xi32, #tpu.memory_space<hbm>>, %arg7: memref<632x128xf32, #tpu.memory_space<hbm>>, %arg8: memref<2x10112x128xf32, #tpu.memory_space<hbm>>, %arg9: memref<10112x128xf32, #tpu.memory_space<vmem_shared>>, %arg10: memref<80xi32, #tpu.memory_space<vmem>>, %arg11: memref<80xi32, #tpu.memory_space<vmem>>, %arg12: memref<80x128xf32, #tpu.memory_space<vmem>>, %arg13: memref<80x128xf32, #tpu.memory_space<vmem>>, %arg14: memref<80x128xf32, #tpu.memory_space<vmem>>, %arg15: memref<80x128xf32, #tpu.memory_space<vmem>>, %arg16: memref<!tpu.dma_semaphore, #tpu.memory_space<semaphore_mem>>) attributes {dimension_semantics = [#tpu.dimension_semantics<core_parallel>, #tpu.dimension_semantics<subcore_parallel>], iteration_bounds = array<i64: 2, 16>, scalar_prefetch = 0 : i64, scratch_operands = 8 : i64, tpu.core_type = #tpu.core_type<sc_vector_subcore>, window_params = [{transform_indices = #map}, {transform_indices = #map}, {transform_indices = #map}, {transform_indices = #map1}, {transform_indices = #map1}, {transform_indices = #map}, {transform_indices = #map2}]} {
    %mul3A = arith.constant 632 : i32
    %mul3A_0 = arith.muli %arg1, %mul3A : i32
    "tpu.region"() ({
      %run_scoped3A = tpu.sem_alloc : memref<!tpu.dma_semaphore, #tpu.memory_space<semaphore_mem>>
      %dma_start3A = arith.constant 0 : i32
      %dma_start3A_11 = tpu.memref_slice %arg9[%mul3A_0, %dma_start3A] : memref<10112x128xf32, #tpu.memory_space<vmem_shared>> -> memref<632x128xf32, #tpu.memory_space<vmem_shared>>
      tpu.enqueue_dma source(%arg7 : memref<632x128xf32, #tpu.memory_space<hbm>>) target(%dma_start3A_11 : memref<632x128xf32, #tpu.memory_space<vmem_shared>>) target_semaphore(%run_scoped3A : memref<!tpu.dma_semaphore, #tpu.memory_space<semaphore_mem>>)
      %dma_wait3A = arith.constant 0 : i32
      %dma_wait3A_12 = tpu.memref_slice %arg9[%mul3A_0, %dma_wait3A] : memref<10112x128xf32, #tpu.memory_space<vmem_shared>> -> memref<632x128xf32, #tpu.memory_space<vmem_shared>>
      tpu.wait_dma2 semaphore(%run_scoped3A : memref<!tpu.dma_semaphore, #tpu.memory_space<semaphore_mem>>) src(%arg7 : memref<632x128xf32, #tpu.memory_space<hbm>>) dst(%dma_wait3A_12 : memref<632x128xf32, #tpu.memory_space<vmem_shared>>)
      tpu.yield
    }) : () -> ()
    %broadcast_in_dim3A = arith.constant 0.000000e+00 : f32
    %broadcast_in_dim3A_1 = vector.broadcast %broadcast_in_dim3A : f32 to vector<16xf32>
    %eq3A = arith.constant 1 : i32
    %eq3A_2 = arith.cmpi eq, %arg0, %eq3A : i32
    %convert_element_type3A = arith.extui %eq3A_2 : i1 to i32
    %cond3A = arith.constant 0 : i32
    %cond3A_3 = arith.cmpi ne, %convert_element_type3A, %cond3A : i32
    scf.if %cond3A_3 {
      %scan3A_11 = arith.constant 0 : i32
      %scan3A_12 = arith.constant 80 : i32
      %scan3A_13 = arith.addi %scan3A_11, %scan3A_12 : i32
      %scan3A_14 = arith.constant 1 : i32
      scf.for %scan3A_16 = %scan3A_11 to %scan3A_13 step %scan3A_14  : i32 {
        %mul3A_17 = arith.constant 1 : i32
        %mul3A_18 = arith.muli %scan3A_16, %mul3A_17 : i32
        %add3A = arith.constant 0 : i32
        %add3A_19 = arith.addi %add3A, %mul3A_18 : i32
        %swap3A = arith.index_cast %add3A_19 : i32 to index
        %swap3A_20 = arith.constant 16 : index
        %swap3A_21 = tpu.vector_load %arg15[%swap3A, %swap3A_20] {strides = array<i32>} : memref<80x128xf32, #tpu.memory_space<vmem>>, vector<1x16xf32>,
        %swap3A_22 = vector.shape_cast %swap3A_21 : vector<1x16xf32> to vector<16xf32>
        %swap3A_23 = vector.shape_cast %broadcast_in_dim3A_1 : vector<16xf32> to vector<1x16xf32>
        tpu.vector_store %arg15[%swap3A, %swap3A_20], %swap3A_23 {strides = array<i32>} : memref<80x128xf32, #tpu.memory_space<vmem>>, vector<1x16xf32>,
        %swap3A_24 = arith.index_cast %add3A_19 : i32 to index
        %swap3A_25 = arith.constant 32 : index
        %swap3A_26 = tpu.vector_load %arg15[%swap3A_24, %swap3A_25] {strides = array<i32>} : memref<80x128xf32, #tpu.memory_space<vmem>>, vector<1x16xf32>,
        %swap3A_27 = vector.shape_cast %swap3A_26 : vector<1x16xf32> to vector<16xf32>
        %swap3A_28 = vector.shape_cast %broadcast_in_dim3A_1 : vector<16xf32> to vector<1x16xf32>
        tpu.vector_store %arg15[%swap3A_24, %swap3A_25], %swap3A_28 {strides = array<i32>} : memref<80x128xf32, #tpu.memory_space<vmem>>, vector<1x16xf32>,
        %swap3A_29 = arith.index_cast %add3A_19 : i32 to index
        %swap3A_30 = arith.constant 48 : index
        %swap3A_31 = tpu.vector_load %arg15[%swap3A_29, %swap3A_30] {strides = array<i32>} : memref<80x128xf32, #tpu.memory_space<vmem>>, vector<1x16xf32>,
        %swap3A_32 = vector.shape_cast %swap3A_31 : vector<1x16xf32> to vector<16xf32>
        %swap3A_33 = vector.shape_cast %broadcast_in_dim3A_1 : vector<16xf32> to vector<1x16xf32>
        tpu.vector_store %arg15[%swap3A_29, %swap3A_30], %swap3A_33 {strides = array<i32>} : memref<80x128xf32, #tpu.memory_space<vmem>>, vector<1x16xf32>,
        %swap3A_34 = arith.index_cast %add3A_19 : i32 to index
        %swap3A_35 = arith.constant 64 : index
        %swap3A_36 = tpu.vector_load %arg15[%swap3A_34, %swap3A_35] {strides = array<i32>} : memref<80x128xf32, #tpu.memory_space<vmem>>, vector<1x16xf32>,
        %swap3A_37 = vector.shape_cast %swap3A_36 : vector<1x16xf32> to vector<16xf32>
        %swap3A_38 = vector.shape_cast %broadcast_in_dim3A_1 : vector<16xf32> to vector<1x16xf32>
        tpu.vector_store %arg15[%swap3A_34, %swap3A_35], %swap3A_38 {strides = array<i32>} : memref<80x128xf32, #tpu.memory_space<vmem>>, vector<1x16xf32>,
        %swap3A_39 = arith.index_cast %add3A_19 : i32 to index
        %swap3A_40 = arith.constant 80 : index
        %swap3A_41 = tpu.vector_load %arg15[%swap3A_39, %swap3A_40] {strides = array<i32>} : memref<80x128xf32, #tpu.memory_space<vmem>>, vector<1x16xf32>,
        %swap3A_42 = vector.shape_cast %swap3A_41 : vector<1x16xf32> to vector<16xf32>
        %swap3A_43 = vector.shape_cast %broadcast_in_dim3A_1 : vector<16xf32> to vector<1x16xf32>
        tpu.vector_store %arg15[%swap3A_39, %swap3A_40], %swap3A_43 {strides = array<i32>} : memref<80x128xf32, #tpu.memory_space<vmem>>, vector<1x16xf32>,
        %swap3A_44 = arith.index_cast %add3A_19 : i32 to index
        %swap3A_45 = arith.constant 96 : index
        %swap3A_46 = tpu.vector_load %arg15[%swap3A_44, %swap3A_45] {strides = array<i32>} : memref<80x128xf32, #tpu.memory_space<vmem>>, vector<1x16xf32>,
        %swap3A_47 = vector.shape_cast %swap3A_46 : vector<1x16xf32> to vector<16xf32>
        %swap3A_48 = vector.shape_cast %broadcast_in_dim3A_1 : vector<16xf32> to vector<1x16xf32>
        tpu.vector_store %arg15[%swap3A_44, %swap3A_45], %swap3A_48 {strides = array<i32>} : memref<80x128xf32, #tpu.memory_space<vmem>>, vector<1x16xf32>,
        %swap3A_49 = arith.index_cast %add3A_19 : i32 to index
        %swap3A_50 = arith.constant 112 : index
        %swap3A_51 = tpu.vector_load %arg15[%swap3A_49, %swap3A_50] {strides = array<i32>} : memref<80x128xf32, #tpu.memory_space<vmem>>, vector<1x16xf32>,
        %swap3A_52 = vector.shape_cast %swap3A_51 : vector<1x16xf32> to vector<16xf32>
        %swap3A_53 = vector.shape_cast %broadcast_in_dim3A_1 : vector<16xf32> to vector<1x16xf32>
        tpu.vector_store %arg15[%swap3A_49, %swap3A_50], %swap3A_53 {strides = array<i32>} : memref<80x128xf32, #tpu.memory_space<vmem>>, vector<1x16xf32>,
      }
      %scan3A_15 = arith.constant 80 : i32
    } else {
    }
    %barrier3A = arith.constant 0 : index
    tpu.barrier barrier_id(%barrier3A)
    %mul3A_4 = arith.constant 20640 : i32
    %mul3A_5 = arith.muli %arg1, %mul3A_4 : i32
    %iota3A = tpu.iota {dimensions = array<i32: 0>} : vector<16xi32>
    %scan3A = arith.constant 0 : i32
    %scan3A_6 = arith.constant 258 : i32
    %scan3A_7 = arith.addi %scan3A, %scan3A_6 : i32
    %scan3A_8 = arith.constant 1 : i32
    scf.for %scan3A_11 = %scan3A to %scan3A_7 step %scan3A_8  : i32 {
      %mul3A_12 = arith.constant 1 : i32
      %mul3A_13 = arith.muli %scan3A_11, %mul3A_12 : i32
      %add3A = arith.constant 0 : i32
      %add3A_14 = arith.addi %add3A, %mul3A_13 : i32
      %mul3A_15 = arith.constant 80 : i32
      %mul3A_16 = arith.muli %add3A_14, %mul3A_15 : i32
      %add3A_17 = arith.addi %mul3A_5, %mul3A_16 : i32
      "tpu.region"() ({
        %run_scoped3A = tpu.sem_alloc : memref<!tpu.dma_semaphore, #tpu.memory_space<semaphore_mem>>
        %dma_start3A = tpu.memref_slice %arg5[%add3A_17] : memref<330240xi32, #tpu.memory_space<hbm>> -> memref<80xi32, #tpu.memory_space<hbm>>
        %dma_start3A_28 = tpu.memref_slice %arg5[%add3A_17] : memref<330240xi32, #tpu.memory_space<hbm>> -> memref<80xi32, #tpu.memory_space<hbm>>
        tpu.enqueue_dma source(%dma_start3A_28 : memref<80xi32, #tpu.memory_space<hbm>>) target(%arg10 : memref<80xi32, #tpu.memory_space<vmem>>) target_semaphore(%run_scoped3A : memref<!tpu.dma_semaphore, #tpu.memory_space<semaphore_mem>>)
        %dma_wait3A = tpu.memref_slice %arg5[%add3A_17] : memref<330240xi32, #tpu.memory_space<hbm>> -> memref<80xi32, #tpu.memory_space<hbm>>
        %dma_wait3A_29 = tpu.memref_slice %arg5[%add3A_17] : memref<330240xi32, #tpu.memory_space<hbm>> -> memref<80xi32, #tpu.memory_space<hbm>>
        tpu.wait_dma2 semaphore(%run_scoped3A : memref<!tpu.dma_semaphore, #tpu.memory_space<semaphore_mem>>) src(%dma_wait3A_29 : memref<80xi32, #tpu.memory_space<hbm>>) dst(%arg10 : memref<80xi32, #tpu.memory_space<vmem>>)
        tpu.yield
      }) : () -> ()
      "tpu.region"() ({
        %run_scoped3A = tpu.sem_alloc : memref<!tpu.dma_semaphore, #tpu.memory_space<semaphore_mem>>
        %dma_start3A = tpu.memref_slice %arg6[%add3A_17] : memref<330240xi32, #tpu.memory_space<hbm>> -> memref<80xi32, #tpu.memory_space<hbm>>
        %dma_start3A_28 = tpu.memref_slice %arg6[%add3A_17] : memref<330240xi32, #tpu.memory_space<hbm>> -> memref<80xi32, #tpu.memory_space<hbm>>
        tpu.enqueue_dma source(%dma_start3A_28 : memref<80xi32, #tpu.memory_space<hbm>>) target(%arg11 : memref<80xi32, #tpu.memory_space<vmem>>) target_semaphore(%run_scoped3A : memref<!tpu.dma_semaphore, #tpu.memory_space<semaphore_mem>>)
        %dma_wait3A = tpu.memref_slice %arg6[%add3A_17] : memref<330240xi32, #tpu.memory_space<hbm>> -> memref<80xi32, #tpu.memory_space<hbm>>
        %dma_wait3A_29 = tpu.memref_slice %arg6[%add3A_17] : memref<330240xi32, #tpu.memory_space<hbm>> -> memref<80xi32, #tpu.memory_space<hbm>>
        tpu.wait_dma2 semaphore(%run_scoped3A : memref<!tpu.dma_semaphore, #tpu.memory_space<semaphore_mem>>) src(%dma_wait3A_29 : memref<80xi32, #tpu.memory_space<hbm>>) dst(%arg11 : memref<80xi32, #tpu.memory_space<vmem>>)
        tpu.yield
      }) : () -> ()
      %eq3A_18 = arith.constant 0 : i32
      %eq3A_19 = arith.cmpi eq, %arg0, %eq3A_18 : i32
      %convert_element_type3A_20 = arith.extui %eq3A_19 : i1 to i32
      %cond3A_21 = arith.constant 0 : i32
      %cond3A_22 = arith.cmpi ne, %convert_element_type3A_20, %cond3A_21 : i32
      scf.if %cond3A_22 {
        %dma_start3A = arith.constant 0 : i32
        %dma_start3A_28 = arith.constant 0 : i32
        %dma_start3A_29 = tpu.memref_slice %arg3[%dma_start3A, %dma_start3A_28] : memref<10112x128xf32, #tpu.memory_space<hbm>> -> memref<10112x128xf32, #tpu.memory_space<hbm>>
        tpu.enqueue_indirect_dma source(%dma_start3A_29 : memref<10112x128xf32, #tpu.memory_space<hbm>>) target(%arg13 : memref<80x128xf32, #tpu.memory_space<vmem>>) offsets(%arg10 : memref<80xi32, #tpu.memory_space<vmem>>) semaphore(%arg16 : memref<!tpu.dma_semaphore, #tpu.memory_space<semaphore_mem>>)
        %dma_start3A_30 = arith.constant 0 : i32
        %dma_start3A_31 = arith.constant 0 : i32
        %dma_start3A_32 = tpu.memref_slice %arg4[%dma_start3A_30, %dma_start3A_31] : memref<10112x128xf32, #tpu.memory_space<hbm>> -> memref<10112x128xf32, #tpu.memory_space<hbm>>
        tpu.enqueue_indirect_dma source(%dma_start3A_32 : memref<10112x128xf32, #tpu.memory_space<hbm>>) target(%arg14 : memref<80x128xf32, #tpu.memory_space<vmem>>) offsets(%arg11 : memref<80xi32, #tpu.memory_space<vmem>>) semaphore(%arg16 : memref<!tpu.dma_semaphore, #tpu.memory_space<semaphore_mem>>)
        %dma_start3A_33 = arith.constant 0 : i32
        %dma_start3A_34 = arith.constant 0 : i32
        %dma_start3A_35 = tpu.memref_slice %arg2[%dma_start3A_33, %dma_start3A_34] : memref<10112x128xf32, #tpu.memory_space<hbm>> -> memref<10112x128xf32, #tpu.memory_space<hbm>>
        tpu.enqueue_indirect_dma source(%dma_start3A_35 : memref<10112x128xf32, #tpu.memory_space<hbm>>) target(%arg12 : memref<80x128xf32, #tpu.memory_space<vmem>>) offsets(%arg10 : memref<80xi32, #tpu.memory_space<vmem>>) semaphore(%arg16 : memref<!tpu.dma_semaphore, #tpu.memory_space<semaphore_mem>>)
        %dma_wait3A = arith.constant 0 : i32
        %dma_wait3A_36 = arith.constant 0 : i32
        %dma_wait3A_37 = tpu.memref_slice %arg3[%dma_wait3A, %dma_wait3A_36] : memref<10112x128xf32, #tpu.memory_space<hbm>> -> memref<10112x128xf32, #tpu.memory_space<hbm>>
        tpu.wait_indirect_dma semaphore(%arg16 : memref<!tpu.dma_semaphore, #tpu.memory_space<semaphore_mem>>) src(%dma_wait3A_37 : memref<10112x128xf32, #tpu.memory_space<hbm>>) dst(%arg13 : memref<80x128xf32, #tpu.memory_space<vmem>>)
        %dma_wait3A_38 = arith.constant 0 : i32
        %dma_wait3A_39 = arith.constant 0 : i32
        %dma_wait3A_40 = tpu.memref_slice %arg4[%dma_wait3A_38, %dma_wait3A_39] : memref<10112x128xf32, #tpu.memory_space<hbm>> -> memref<10112x128xf32, #tpu.memory_space<hbm>>
        tpu.wait_indirect_dma semaphore(%arg16 : memref<!tpu.dma_semaphore, #tpu.memory_space<semaphore_mem>>) src(%dma_wait3A_40 : memref<10112x128xf32, #tpu.memory_space<hbm>>) dst(%arg14 : memref<80x128xf32, #tpu.memory_space<vmem>>)
        %dma_wait3A_41 = arith.constant 0 : i32
        %dma_wait3A_42 = arith.constant 0 : i32
        %dma_wait3A_43 = tpu.memref_slice %arg2[%dma_wait3A_41, %dma_wait3A_42] : memref<10112x128xf32, #tpu.memory_space<hbm>> -> memref<10112x128xf32, #tpu.memory_space<hbm>>
        tpu.wait_indirect_dma semaphore(%arg16 : memref<!tpu.dma_semaphore, #tpu.memory_space<semaphore_mem>>) src(%dma_wait3A_43 : memref<10112x128xf32, #tpu.memory_space<hbm>>) dst(%arg12 : memref<80x128xf32, #tpu.memory_space<vmem>>)
        %scan3A_44 = arith.constant 0 : i32
        %scan3A_45 = arith.constant 80 : i32
        %scan3A_46 = arith.addi %scan3A_44, %scan3A_45 : i32
        %scan3A_47 = arith.constant 1 : i32
        scf.for %scan3A_49 = %scan3A_44 to %scan3A_46 step %scan3A_47  : i32 {
          %mul3A_50 = arith.constant 1 : i32
          %mul3A_51 = arith.muli %scan3A_49, %mul3A_50 : i32
          %add3A_52 = arith.constant 0 : i32
          %add3A_53 = arith.addi %add3A_52, %mul3A_51 : i32
          %get3A = arith.index_cast %add3A_53 : i32 to index
          %get3A_54 = arith.constant 0 : index
          %get3A_55 = tpu.vector_load %arg13[%get3A, %get3A_54] {strides = array<i32>} : memref<80x128xf32, #tpu.memory_space<vmem>>, vector<1x16xf32>,
          %get3A_56 = vector.shape_cast %get3A_55 : vector<1x16xf32> to vector<16xf32>
          %get3A_57 = arith.index_cast %add3A_53 : i32 to index
          %get3A_58 = arith.constant 0 : index
          %get3A_59 = tpu.vector_load %arg14[%get3A_57, %get3A_58] {strides = array<i32>} : memref<80x128xf32, #tpu.memory_space<vmem>>, vector<1x16xf32>,
          %get3A_60 = vector.shape_cast %get3A_59 : vector<1x16xf32> to vector<16xf32>
          %add3A_61 = arith.addf %get3A_56, %get3A_60 : vector<16xf32>
          %ge3A = arith.constant 0.000000e+00 : f32
          %ge3A_62 = vector.broadcast %ge3A : f32 to vector<16xf32>
          %ge3A_63 = arith.cmpf oge, %add3A_61, %ge3A_62 : vector<16xf32>
          %mul3A_64 = arith.constant 2.000000e-01 : f32
          %mul3A_65 = vector.broadcast %mul3A_64 : f32 to vector<16xf32>
          %mul3A_66 = arith.mulf %mul3A_65, %add3A_61 : vector<16xf32>
          %select_n3A = arith.select %ge3A_63, %add3A_61, %mul3A_66 : vector<16xi1>, vector<16xf32>
          %exp3A = math.exp %select_n3A : vector<16xf32>
          %get3A_67 = arith.index_cast %add3A_53 : i32 to index
          %get3A_68 = arith.constant 0 : index
          %get3A_69 = tpu.vector_load %arg12[%get3A_67, %get3A_68] {strides = array<i32>} : memref<80x128xf32, #tpu.memory_space<vmem>>, vector<1x16xf32>,
          %get3A_70 = vector.shape_cast %get3A_69 : vector<1x16xf32> to vector<16xf32>
          %slice3A = vector.extract_strided_slice %exp3A {offsets = [0], sizes = [1], strides = [1]} : vector<16xf32> to vector<1xf32>
          %squeeze3A = vector.extract %slice3A[0] : f32 from vector<1xf32>
          %mul3A_71 = vector.broadcast %squeeze3A : f32 to vector<16xf32>
          %mul3A_72 = arith.mulf %get3A_70, %mul3A_71 : vector<16xf32>
          %swap3A = arith.index_cast %add3A_53 : i32 to index
          %swap3A_73 = arith.constant 0 : index
          %swap3A_74 = tpu.vector_load %arg15[%swap3A, %swap3A_73] {strides = array<i32>} : memref<80x128xf32, #tpu.memory_space<vmem>>, vector<1x16xf32>,
          %swap3A_75 = vector.shape_cast %swap3A_74 : vector<1x16xf32> to vector<16xf32>
          %swap3A_76 = vector.shape_cast %mul3A_72 : vector<16xf32> to vector<1x16xf32>
          tpu.vector_store %arg15[%swap3A, %swap3A_73], %swap3A_76 {strides = array<i32>} : memref<80x128xf32, #tpu.memory_space<vmem>>, vector<1x16xf32>,
          %get3A_77 = arith.index_cast %add3A_53 : i32 to index
          %get3A_78 = arith.constant 16 : index
          %get3A_79 = tpu.vector_load %arg12[%get3A_77, %get3A_78] {strides = array<i32>} : memref<80x128xf32, #tpu.memory_space<vmem>>, vector<1x16xf32>,
          %get3A_80 = vector.shape_cast %get3A_79 : vector<1x16xf32> to vector<16xf32>
          %slice3A_81 = vector.extract_strided_slice %exp3A {offsets = [1], sizes = [1], strides = [1]} : vector<16xf32> to vector<1xf32>
          %squeeze3A_82 = vector.extract %slice3A_81[0] : f32 from vector<1xf32>
          %mul3A_83 = vector.broadcast %squeeze3A_82 : f32 to vector<16xf32>
          %mul3A_84 = arith.mulf %get3A_80, %mul3A_83 : vector<16xf32>
          %swap3A_85 = arith.index_cast %add3A_53 : i32 to index
          %swap3A_86 = arith.constant 16 : index
          %swap3A_87 = tpu.vector_load %arg15[%swap3A_85, %swap3A_86] {strides = array<i32>} : memref<80x128xf32, #tpu.memory_space<vmem>>, vector<1x16xf32>,
          %swap3A_88 = vector.shape_cast %swap3A_87 : vector<1x16xf32> to vector<16xf32>
          %swap3A_89 = vector.shape_cast %mul3A_84 : vector<16xf32> to vector<1x16xf32>
          tpu.vector_store %arg15[%swap3A_85, %swap3A_86], %swap3A_89 {strides = array<i32>} : memref<80x128xf32, #tpu.memory_space<vmem>>, vector<1x16xf32>,
          %get3A_90 = arith.index_cast %add3A_53 : i32 to index
          %get3A_91 = arith.constant 32 : index
          %get3A_92 = tpu.vector_load %arg12[%get3A_90, %get3A_91] {strides = array<i32>} : memref<80x128xf32, #tpu.memory_space<vmem>>, vector<1x16xf32>,
          %get3A_93 = vector.shape_cast %get3A_92 : vector<1x16xf32> to vector<16xf32>
          %slice3A_94 = vector.extract_strided_slice %exp3A {offsets = [2], sizes = [1], strides = [1]} : vector<16xf32> to vector<1xf32>
          %squeeze3A_95 = vector.extract %slice3A_94[0] : f32 from vector<1xf32>
          %mul3A_96 = vector.broadcast %squeeze3A_95 : f32 to vector<16xf32>
          %mul3A_97 = arith.mulf %get3A_93, %mul3A_96 : vector<16xf32>
          %swap3A_98 = arith.index_cast %add3A_53 : i32 to index
          %swap3A_99 = arith.constant 32 : index
          %swap3A_100 = tpu.vector_load %arg15[%swap3A_98, %swap3A_99] {strides = array<i32>} : memref<80x128xf32, #tpu.memory_space<vmem>>, vector<1x16xf32>,
          %swap3A_101 = vector.shape_cast %swap3A_100 : vector<1x16xf32> to vector<16xf32>
          %swap3A_102 = vector.shape_cast %mul3A_97 : vector<16xf32> to vector<1x16xf32>
          tpu.vector_store %arg15[%swap3A_98, %swap3A_99], %swap3A_102 {strides = array<i32>} : memref<80x128xf32, #tpu.memory_space<vmem>>, vector<1x16xf32>,
          %get3A_103 = arith.index_cast %add3A_53 : i32 to index
          %get3A_104 = arith.constant 48 : index
          %get3A_105 = tpu.vector_load %arg12[%get3A_103, %get3A_104] {strides = array<i32>} : memref<80x128xf32, #tpu.memory_space<vmem>>, vector<1x16xf32>,
          %get3A_106 = vector.shape_cast %get3A_105 : vector<1x16xf32> to vector<16xf32>
          %slice3A_107 = vector.extract_strided_slice %exp3A {offsets = [3], sizes = [1], strides = [1]} : vector<16xf32> to vector<1xf32>
          %squeeze3A_108 = vector.extract %slice3A_107[0] : f32 from vector<1xf32>
          %mul3A_109 = vector.broadcast %squeeze3A_108 : f32 to vector<16xf32>
          %mul3A_110 = arith.mulf %get3A_106, %mul3A_109 : vector<16xf32>
          %swap3A_111 = arith.index_cast %add3A_53 : i32 to index
          %swap3A_112 = arith.constant 48 : index
          %swap3A_113 = tpu.vector_load %arg15[%swap3A_111, %swap3A_112] {strides = array<i32>} : memref<80x128xf32, #tpu.memory_space<vmem>>, vector<1x16xf32>,
          %swap3A_114 = vector.shape_cast %swap3A_113 : vector<1x16xf32> to vector<16xf32>
          %swap3A_115 = vector.shape_cast %mul3A_110 : vector<16xf32> to vector<1x16xf32>
          tpu.vector_store %arg15[%swap3A_111, %swap3A_112], %swap3A_115 {strides = array<i32>} : memref<80x128xf32, #tpu.memory_space<vmem>>, vector<1x16xf32>,
          %get3A_116 = arith.index_cast %add3A_53 : i32 to index
          %get3A_117 = arith.constant 64 : index
          %get3A_118 = tpu.vector_load %arg12[%get3A_116, %get3A_117] {strides = array<i32>} : memref<80x128xf32, #tpu.memory_space<vmem>>, vector<1x16xf32>,
          %get3A_119 = vector.shape_cast %get3A_118 : vector<1x16xf32> to vector<16xf32>
          %slice3A_120 = vector.extract_strided_slice %exp3A {offsets = [4], sizes = [1], strides = [1]} : vector<16xf32> to vector<1xf32>
          %squeeze3A_121 = vector.extract %slice3A_120[0] : f32 from vector<1xf32>
          %mul3A_122 = vector.broadcast %squeeze3A_121 : f32 to vector<16xf32>
          %mul3A_123 = arith.mulf %get3A_119, %mul3A_122 : vector<16xf32>
          %swap3A_124 = arith.index_cast %add3A_53 : i32 to index
          %swap3A_125 = arith.constant 64 : index
          %swap3A_126 = tpu.vector_load %arg15[%swap3A_124, %swap3A_125] {strides = array<i32>} : memref<80x128xf32, #tpu.memory_space<vmem>>, vector<1x16xf32>,
          %swap3A_127 = vector.shape_cast %swap3A_126 : vector<1x16xf32> to vector<16xf32>
          %swap3A_128 = vector.shape_cast %mul3A_123 : vector<16xf32> to vector<1x16xf32>
          tpu.vector_store %arg15[%swap3A_124, %swap3A_125], %swap3A_128 {strides = array<i32>} : memref<80x128xf32, #tpu.memory_space<vmem>>, vector<1x16xf32>,
          %get3A_129 = arith.index_cast %add3A_53 : i32 to index
          %get3A_130 = arith.constant 80 : index
          %get3A_131 = tpu.vector_load %arg12[%get3A_129, %get3A_130] {strides = array<i32>} : memref<80x128xf32, #tpu.memory_space<vmem>>, vector<1x16xf32>,
          %get3A_132 = vector.shape_cast %get3A_131 : vector<1x16xf32> to vector<16xf32>
          %slice3A_133 = vector.extract_strided_slice %exp3A {offsets = [5], sizes = [1], strides = [1]} : vector<16xf32> to vector<1xf32>
          %squeeze3A_134 = vector.extract %slice3A_133[0] : f32 from vector<1xf32>
          %mul3A_135 = vector.broadcast %squeeze3A_134 : f32 to vector<16xf32>
          %mul3A_136 = arith.mulf %get3A_132, %mul3A_135 : vector<16xf32>
          %swap3A_137 = arith.index_cast %add3A_53 : i32 to index
          %swap3A_138 = arith.constant 80 : index
          %swap3A_139 = tpu.vector_load %arg15[%swap3A_137, %swap3A_138] {strides = array<i32>} : memref<80x128xf32, #tpu.memory_space<vmem>>, vector<1x16xf32>,
          %swap3A_140 = vector.shape_cast %swap3A_139 : vector<1x16xf32> to vector<16xf32>
          %swap3A_141 = vector.shape_cast %mul3A_136 : vector<16xf32> to vector<1x16xf32>
          tpu.vector_store %arg15[%swap3A_137, %swap3A_138], %swap3A_141 {strides = array<i32>} : memref<80x128xf32, #tpu.memory_space<vmem>>, vector<1x16xf32>,
          %get3A_142 = arith.index_cast %add3A_53 : i32 to index
          %get3A_143 = arith.constant 96 : index
          %get3A_144 = tpu.vector_load %arg12[%get3A_142, %get3A_143] {strides = array<i32>} : memref<80x128xf32, #tpu.memory_space<vmem>>, vector<1x16xf32>,
          %get3A_145 = vector.shape_cast %get3A_144 : vector<1x16xf32> to vector<16xf32>
          %slice3A_146 = vector.extract_strided_slice %exp3A {offsets = [6], sizes = [1], strides = [1]} : vector<16xf32> to vector<1xf32>
          %squeeze3A_147 = vector.extract %slice3A_146[0] : f32 from vector<1xf32>
          %mul3A_148 = vector.broadcast %squeeze3A_147 : f32 to vector<16xf32>
          %mul3A_149 = arith.mulf %get3A_145, %mul3A_148 : vector<16xf32>
          %swap3A_150 = arith.index_cast %add3A_53 : i32 to index
          %swap3A_151 = arith.constant 96 : index
          %swap3A_152 = tpu.vector_load %arg15[%swap3A_150, %swap3A_151] {strides = array<i32>} : memref<80x128xf32, #tpu.memory_space<vmem>>, vector<1x16xf32>,
          %swap3A_153 = vector.shape_cast %swap3A_152 : vector<1x16xf32> to vector<16xf32>
          %swap3A_154 = vector.shape_cast %mul3A_149 : vector<16xf32> to vector<1x16xf32>
          tpu.vector_store %arg15[%swap3A_150, %swap3A_151], %swap3A_154 {strides = array<i32>} : memref<80x128xf32, #tpu.memory_space<vmem>>, vector<1x16xf32>,
          %get3A_155 = arith.index_cast %add3A_53 : i32 to index
          %get3A_156 = arith.constant 112 : index
          %get3A_157 = tpu.vector_load %arg12[%get3A_155, %get3A_156] {strides = array<i32>} : memref<80x128xf32, #tpu.memory_space<vmem>>, vector<1x16xf32>,
          %get3A_158 = vector.shape_cast %get3A_157 : vector<1x16xf32> to vector<16xf32>
          %slice3A_159 = vector.extract_strided_slice %exp3A {offsets = [7], sizes = [1], strides = [1]} : vector<16xf32> to vector<1xf32>
          %squeeze3A_160 = vector.extract %slice3A_159[0] : f32 from vector<1xf32>
          %mul3A_161 = vector.broadcast %squeeze3A_160 : f32 to vector<16xf32>
          %mul3A_162 = arith.mulf %get3A_158, %mul3A_161 : vector<16xf32>
          %swap3A_163 = arith.index_cast %add3A_53 : i32 to index
          %swap3A_164 = arith.constant 112 : index
          %swap3A_165 = tpu.vector_load %arg15[%swap3A_163, %swap3A_164] {strides = array<i32>} : memref<80x128xf32, #tpu.memory_space<vmem>>, vector<1x16xf32>,
          %swap3A_166 = vector.shape_cast %swap3A_165 : vector<1x16xf32> to vector<16xf32>
          %swap3A_167 = vector.shape_cast %mul3A_162 : vector<16xf32> to vector<1x16xf32>
          tpu.vector_store %arg15[%swap3A_163, %swap3A_164], %swap3A_167 {strides = array<i32>} : memref<80x128xf32, #tpu.memory_space<vmem>>, vector<1x16xf32>,
        }
        %scan3A_48 = arith.constant 80 : i32
      } else {
      }
      %eq3A_23 = arith.constant 1 : i32
      %eq3A_24 = arith.cmpi eq, %arg0, %eq3A_23 : i32
      %convert_element_type3A_25 = arith.extui %eq3A_24 : i1 to i32
      %cond3A_26 = arith.constant 0 : i32
      %cond3A_27 = arith.cmpi ne, %convert_element_type3A_25, %cond3A_26 : i32
      scf.if %cond3A_27 {
        %dma_start3A = arith.constant 0 : i32
        %dma_start3A_28 = arith.constant 0 : i32
        %dma_start3A_29 = tpu.memref_slice %arg3[%dma_start3A, %dma_start3A_28] : memref<10112x128xf32, #tpu.memory_space<hbm>> -> memref<10112x128xf32, #tpu.memory_space<hbm>>
        tpu.enqueue_indirect_dma source(%dma_start3A_29 : memref<10112x128xf32, #tpu.memory_space<hbm>>) target(%arg13 : memref<80x128xf32, #tpu.memory_space<vmem>>) offsets(%arg10 : memref<80xi32, #tpu.memory_space<vmem>>) semaphore(%arg16 : memref<!tpu.dma_semaphore, #tpu.memory_space<semaphore_mem>>)
        %dma_start3A_30 = arith.constant 0 : i32
        %dma_start3A_31 = arith.constant 0 : i32
        %dma_start3A_32 = tpu.memref_slice %arg4[%dma_start3A_30, %dma_start3A_31] : memref<10112x128xf32, #tpu.memory_space<hbm>> -> memref<10112x128xf32, #tpu.memory_space<hbm>>
        tpu.enqueue_indirect_dma source(%dma_start3A_32 : memref<10112x128xf32, #tpu.memory_space<hbm>>) target(%arg14 : memref<80x128xf32, #tpu.memory_space<vmem>>) offsets(%arg11 : memref<80xi32, #tpu.memory_space<vmem>>) semaphore(%arg16 : memref<!tpu.dma_semaphore, #tpu.memory_space<semaphore_mem>>)
        %dma_wait3A = arith.constant 0 : i32
        %dma_wait3A_33 = arith.constant 0 : i32
        %dma_wait3A_34 = tpu.memref_slice %arg3[%dma_wait3A, %dma_wait3A_33] : memref<10112x128xf32, #tpu.memory_space<hbm>> -> memref<10112x128xf32, #tpu.memory_space<hbm>>
        tpu.wait_indirect_dma semaphore(%arg16 : memref<!tpu.dma_semaphore, #tpu.memory_space<semaphore_mem>>) src(%dma_wait3A_34 : memref<10112x128xf32, #tpu.memory_space<hbm>>) dst(%arg13 : memref<80x128xf32, #tpu.memory_space<vmem>>)
        %dma_wait3A_35 = arith.constant 0 : i32
        %dma_wait3A_36 = arith.constant 0 : i32
        %dma_wait3A_37 = tpu.memref_slice %arg4[%dma_wait3A_35, %dma_wait3A_36] : memref<10112x128xf32, #tpu.memory_space<hbm>> -> memref<10112x128xf32, #tpu.memory_space<hbm>>
        tpu.wait_indirect_dma semaphore(%arg16 : memref<!tpu.dma_semaphore, #tpu.memory_space<semaphore_mem>>) src(%dma_wait3A_37 : memref<10112x128xf32, #tpu.memory_space<hbm>>) dst(%arg14 : memref<80x128xf32, #tpu.memory_space<vmem>>)
        %scan3A_38 = arith.constant 0 : i32
        %scan3A_39 = arith.constant 80 : i32
        %scan3A_40 = arith.addi %scan3A_38, %scan3A_39 : i32
        %scan3A_41 = arith.constant 1 : i32
        scf.for %scan3A_43 = %scan3A_38 to %scan3A_40 step %scan3A_41  : i32 {
          %mul3A_44 = arith.constant 1 : i32
          %mul3A_45 = arith.muli %scan3A_43, %mul3A_44 : i32
          %add3A_46 = arith.constant 0 : i32
          %add3A_47 = arith.addi %add3A_46, %mul3A_45 : i32
          %get3A = arith.index_cast %add3A_47 : i32 to index
          %get3A_48 = arith.constant 0 : index
          %get3A_49 = tpu.vector_load %arg13[%get3A, %get3A_48] {strides = array<i32>} : memref<80x128xf32, #tpu.memory_space<vmem>>, vector<1x16xf32>,
          %get3A_50 = vector.shape_cast %get3A_49 : vector<1x16xf32> to vector<16xf32>
          %get3A_51 = arith.index_cast %add3A_47 : i32 to index
          %get3A_52 = arith.constant 0 : index
          %get3A_53 = tpu.vector_load %arg14[%get3A_51, %get3A_52] {strides = array<i32>} : memref<80x128xf32, #tpu.memory_space<vmem>>, vector<1x16xf32>,
          %get3A_54 = vector.shape_cast %get3A_53 : vector<1x16xf32> to vector<16xf32>
          %add3A_55 = arith.addf %get3A_50, %get3A_54 : vector<16xf32>
          %lt3A = arith.constant 8 : i32
          %lt3A_56 = vector.broadcast %lt3A : i32 to vector<16xi32>
          %lt3A_57 = arith.cmpi slt, %iota3A, %lt3A_56 : vector<16xi32>
          %ge3A = arith.constant 0.000000e+00 : f32
          %ge3A_58 = vector.broadcast %ge3A : f32 to vector<16xf32>
          %ge3A_59 = arith.cmpf oge, %add3A_55, %ge3A_58 : vector<16xf32>
          %mul3A_60 = arith.constant 2.000000e-01 : f32
          %mul3A_61 = vector.broadcast %mul3A_60 : f32 to vector<16xf32>
          %mul3A_62 = arith.mulf %mul3A_61, %add3A_55 : vector<16xf32>
          %select_n3A = arith.select %ge3A_59, %add3A_55, %mul3A_62 : vector<16xi1>, vector<16xf32>
          %jit3A = arith.constant 0.000000e+00 : f32
          %broadcast_in_dim3A_63 = vector.broadcast %jit3A : f32 to vector<16xf32>
          %select_n3A_64 = arith.select %lt3A_57, %select_n3A, %broadcast_in_dim3A_63 : vector<16xi1>, vector<16xf32>
          %exp3A = math.exp %select_n3A_64 : vector<16xf32>
          %swap3A = arith.index_cast %add3A_47 : i32 to index
          %swap3A_65 = arith.constant 0 : index
          %swap3A_66 = tpu.vector_load %arg15[%swap3A, %swap3A_65] {strides = array<i32>} : memref<80x128xf32, #tpu.memory_space<vmem>>, vector<1x16xf32>,
          %swap3A_67 = vector.shape_cast %swap3A_66 : vector<1x16xf32> to vector<16xf32>
          %swap3A_68 = vector.shape_cast %exp3A : vector<16xf32> to vector<1x16xf32>
          tpu.vector_store %arg15[%swap3A, %swap3A_65], %swap3A_68 {strides = array<i32>} : memref<80x128xf32, #tpu.memory_space<vmem>>, vector<1x16xf32>,
        }
        %scan3A_42 = arith.constant 80 : i32
      } else {
      }
      "tpu.region"() ({
        %run_scoped3A = tpu.sem_alloc : memref<!tpu.dma_semaphore, #tpu.memory_space<semaphore_mem>>
        %dma_start3A = arith.constant 0 : i32
        %dma_start3A_28 = arith.constant 0 : i32
        %dma_start3A_29 = tpu.memref_slice %arg9[%dma_start3A, %dma_start3A_28] : memref<10112x128xf32, #tpu.memory_space<vmem_shared>> -> memref<10112x128xf32, #tpu.memory_space<vmem_shared>>
        tpu.enqueue_indirect_dma source(%arg15 : memref<80x128xf32, #tpu.memory_space<vmem>>) target(%dma_start3A_29 : memref<10112x128xf32, #tpu.memory_space<vmem_shared>>) offsets(%arg11 : memref<80xi32, #tpu.memory_space<vmem>>) semaphore(%run_scoped3A : memref<!tpu.dma_semaphore, #tpu.memory_space<semaphore_mem>>) {add = true}
        %dma_wait3A = arith.constant 0 : i32
        %dma_wait3A_30 = arith.constant 0 : i32
        %dma_wait3A_31 = tpu.memref_slice %arg9[%dma_wait3A, %dma_wait3A_30] : memref<10112x128xf32, #tpu.memory_space<vmem_shared>> -> memref<10112x128xf32, #tpu.memory_space<vmem_shared>>
        tpu.wait_indirect_dma semaphore(%run_scoped3A : memref<!tpu.dma_semaphore, #tpu.memory_space<semaphore_mem>>) src(%arg15 : memref<80x128xf32, #tpu.memory_space<vmem>>) dst(%dma_wait3A_31 : memref<10112x128xf32, #tpu.memory_space<vmem_shared>>)
        tpu.yield
      }) : () -> ()
    }
    %scan3A_9 = arith.constant 258 : i32
    %barrier3A_10 = arith.constant 0 : index
    tpu.barrier barrier_id(%barrier3A_10)
    "tpu.region"() ({
      %run_scoped3A = tpu.sem_alloc : memref<!tpu.dma_semaphore, #tpu.memory_space<semaphore_mem>>
      %dma_start3A = arith.constant 0 : i32
      %dma_start3A_11 = tpu.memref_slice %arg8[%arg0, %mul3A_0, %dma_start3A] : memref<2x10112x128xf32, #tpu.memory_space<hbm>> -> memref<1x632x128xf32, #tpu.memory_space<hbm>>
      %dma_start3A_12 = tpu.memref_squeeze %dma_start3A_11 : memref<1x632x128xf32, #tpu.memory_space<hbm>> -> memref<632x128xf32, #tpu.memory_space<hbm>>
      %dma_start3A_13 = arith.constant 0 : i32
      %dma_start3A_14 = tpu.memref_slice %arg9[%mul3A_0, %dma_start3A_13] : memref<10112x128xf32, #tpu.memory_space<vmem_shared>> -> memref<632x128xf32, #tpu.memory_space<vmem_shared>>
      tpu.enqueue_dma source(%dma_start3A_14 : memref<632x128xf32, #tpu.memory_space<vmem_shared>>) target(%dma_start3A_12 : memref<632x128xf32, #tpu.memory_space<hbm>>) target_semaphore(%run_scoped3A : memref<!tpu.dma_semaphore, #tpu.memory_space<semaphore_mem>>)
      %dma_wait3A = arith.constant 0 : i32
      %dma_wait3A_15 = tpu.memref_slice %arg8[%arg0, %mul3A_0, %dma_wait3A] : memref<2x10112x128xf32, #tpu.memory_space<hbm>> -> memref<1x632x128xf32, #tpu.memory_space<hbm>>
      %dma_wait3A_16 = tpu.memref_squeeze %dma_wait3A_15 : memref<1x632x128xf32, #tpu.memory_space<hbm>> -> memref<632x128xf32, #tpu.memory_space<hbm>>
      %dma_wait3A_17 = arith.constant 0 : i32
      %dma_wait3A_18 = tpu.memref_slice %arg9[%mul3A_0, %dma_wait3A_17] : memref<10112x128xf32, #tpu.memory_space<vmem_shared>> -> memref<632x128xf32, #tpu.memory_space<vmem_shared>>
      tpu.wait_dma2 semaphore(%run_scoped3A : memref<!tpu.dma_semaphore, #tpu.memory_space<semaphore_mem>>) src(%dma_wait3A_18 : memref<632x128xf32, #tpu.memory_space<vmem_shared>>) dst(%dma_wait3A_16 : memref<632x128xf32, #tpu.memory_space<hbm>>)
      tpu.yield
    }) : () -> ()
    return
  }
}

#map = affine_map<(d0, d1) -> (0, 0)>
#map1 = affine_map<(d0, d1) -> (0)>
#map2 = affine_map<(d0, d1) -> (0, 0, 0)>
module attributes {stable_mosaic.version = 14 : i64} {
  func.func @plain_pass(%arg0: i32, %arg1: i32, %arg2: memref<10112x128xf32, #tpu.memory_space<hbm>>, %arg3: memref<320000xi32, #tpu.memory_space<hbm>>, %arg4: memref<320000xi32, #tpu.memory_space<hbm>>, %arg5: memref<632x128xf32, #tpu.memory_space<hbm>>, %arg6: memref<80x128xf32, #tpu.memory_space<hbm>>, %arg7: memref<2x10112x128xf32, #tpu.memory_space<hbm>>, %arg8: memref<10112x128xf32, #tpu.memory_space<vmem_shared>>, %arg9: memref<80xi32, #tpu.memory_space<vmem>>, %arg10: memref<80xi32, #tpu.memory_space<vmem>>, %arg11: memref<80x128xf32, #tpu.memory_space<vmem>>, %arg12: memref<80x128xf32, #tpu.memory_space<vmem>>, %arg13: memref<!tpu.dma_semaphore, #tpu.memory_space<semaphore_mem>>) attributes {dimension_semantics = [#tpu.dimension_semantics<core_parallel>, #tpu.dimension_semantics<subcore_parallel>], iteration_bounds = array<i64: 2, 16>, scalar_prefetch = 0 : i64, scratch_operands = 6 : i64, tpu.core_type = #tpu.core_type<sc_vector_subcore>, window_params = [{transform_indices = #map}, {transform_indices = #map1}, {transform_indices = #map1}, {transform_indices = #map}, {transform_indices = #map}, {transform_indices = #map2}]} {
    %mul3A = arith.constant 632 : i32
    %mul3A_0 = arith.muli %arg1, %mul3A : i32
    "tpu.region"() ({
      %run_scoped3A = tpu.sem_alloc : memref<!tpu.dma_semaphore, #tpu.memory_space<semaphore_mem>>
      %dma_start3A = arith.constant 0 : i32
      %dma_start3A_8 = tpu.memref_slice %arg8[%mul3A_0, %dma_start3A] : memref<10112x128xf32, #tpu.memory_space<vmem_shared>> -> memref<632x128xf32, #tpu.memory_space<vmem_shared>>
      tpu.enqueue_dma source(%arg5 : memref<632x128xf32, #tpu.memory_space<hbm>>) target(%dma_start3A_8 : memref<632x128xf32, #tpu.memory_space<vmem_shared>>) target_semaphore(%run_scoped3A : memref<!tpu.dma_semaphore, #tpu.memory_space<semaphore_mem>>)
      %dma_wait3A = arith.constant 0 : i32
      %dma_wait3A_9 = tpu.memref_slice %arg8[%mul3A_0, %dma_wait3A] : memref<10112x128xf32, #tpu.memory_space<vmem_shared>> -> memref<632x128xf32, #tpu.memory_space<vmem_shared>>
      tpu.wait_dma2 semaphore(%run_scoped3A : memref<!tpu.dma_semaphore, #tpu.memory_space<semaphore_mem>>) src(%arg5 : memref<632x128xf32, #tpu.memory_space<hbm>>) dst(%dma_wait3A_9 : memref<632x128xf32, #tpu.memory_space<vmem_shared>>)
      tpu.yield
    }) : () -> ()
    "tpu.region"() ({
      %run_scoped3A = tpu.sem_alloc : memref<!tpu.dma_semaphore, #tpu.memory_space<semaphore_mem>>
      tpu.enqueue_dma source(%arg6 : memref<80x128xf32, #tpu.memory_space<hbm>>) target(%arg12 : memref<80x128xf32, #tpu.memory_space<vmem>>) target_semaphore(%run_scoped3A : memref<!tpu.dma_semaphore, #tpu.memory_space<semaphore_mem>>)
      tpu.wait_dma2 semaphore(%run_scoped3A : memref<!tpu.dma_semaphore, #tpu.memory_space<semaphore_mem>>) src(%arg6 : memref<80x128xf32, #tpu.memory_space<hbm>>) dst(%arg12 : memref<80x128xf32, #tpu.memory_space<vmem>>)
      tpu.yield
    }) : () -> ()
    %barrier3A = arith.constant 0 : index
    tpu.barrier barrier_id(%barrier3A)
    %mul3A_1 = arith.constant 20000 : i32
    %mul3A_2 = arith.muli %arg1, %mul3A_1 : i32
    %scan3A = arith.constant 0 : i32
    %scan3A_3 = arith.constant 250 : i32
    %scan3A_4 = arith.addi %scan3A, %scan3A_3 : i32
    %scan3A_5 = arith.constant 1 : i32
    scf.for %scan3A_8 = %scan3A to %scan3A_4 step %scan3A_5  : i32 {
      %mul3A_9 = arith.constant 1 : i32
      %mul3A_10 = arith.muli %scan3A_8, %mul3A_9 : i32
      %add3A = arith.constant 0 : i32
      %add3A_11 = arith.addi %add3A, %mul3A_10 : i32
      %mul3A_12 = arith.constant 80 : i32
      %mul3A_13 = arith.muli %add3A_11, %mul3A_12 : i32
      %add3A_14 = arith.addi %mul3A_2, %mul3A_13 : i32
      "tpu.region"() ({
        %run_scoped3A = tpu.sem_alloc : memref<!tpu.dma_semaphore, #tpu.memory_space<semaphore_mem>>
        %dma_start3A = tpu.memref_slice %arg4[%add3A_14] : memref<320000xi32, #tpu.memory_space<hbm>> -> memref<80xi32, #tpu.memory_space<hbm>>
        %dma_start3A_22 = tpu.memref_slice %arg4[%add3A_14] : memref<320000xi32, #tpu.memory_space<hbm>> -> memref<80xi32, #tpu.memory_space<hbm>>
        tpu.enqueue_dma source(%dma_start3A_22 : memref<80xi32, #tpu.memory_space<hbm>>) target(%arg10 : memref<80xi32, #tpu.memory_space<vmem>>) target_semaphore(%run_scoped3A : memref<!tpu.dma_semaphore, #tpu.memory_space<semaphore_mem>>)
        %dma_wait3A = tpu.memref_slice %arg4[%add3A_14] : memref<320000xi32, #tpu.memory_space<hbm>> -> memref<80xi32, #tpu.memory_space<hbm>>
        %dma_wait3A_23 = tpu.memref_slice %arg4[%add3A_14] : memref<320000xi32, #tpu.memory_space<hbm>> -> memref<80xi32, #tpu.memory_space<hbm>>
        tpu.wait_dma2 semaphore(%run_scoped3A : memref<!tpu.dma_semaphore, #tpu.memory_space<semaphore_mem>>) src(%dma_wait3A_23 : memref<80xi32, #tpu.memory_space<hbm>>) dst(%arg10 : memref<80xi32, #tpu.memory_space<vmem>>)
        tpu.yield
      }) : () -> ()
      %eq3A = arith.constant 0 : i32
      %eq3A_15 = arith.cmpi eq, %arg0, %eq3A : i32
      %convert_element_type3A = arith.extui %eq3A_15 : i1 to i32
      %cond3A = arith.constant 0 : i32
      %cond3A_16 = arith.cmpi ne, %convert_element_type3A, %cond3A : i32
      scf.if %cond3A_16 {
        "tpu.region"() ({
          %run_scoped3A = tpu.sem_alloc : memref<!tpu.dma_semaphore, #tpu.memory_space<semaphore_mem>>
          %dma_start3A_26 = tpu.memref_slice %arg3[%add3A_14] : memref<320000xi32, #tpu.memory_space<hbm>> -> memref<80xi32, #tpu.memory_space<hbm>>
          %dma_start3A_27 = tpu.memref_slice %arg3[%add3A_14] : memref<320000xi32, #tpu.memory_space<hbm>> -> memref<80xi32, #tpu.memory_space<hbm>>
          tpu.enqueue_dma source(%dma_start3A_27 : memref<80xi32, #tpu.memory_space<hbm>>) target(%arg9 : memref<80xi32, #tpu.memory_space<vmem>>) target_semaphore(%run_scoped3A : memref<!tpu.dma_semaphore, #tpu.memory_space<semaphore_mem>>)
          %dma_wait3A_28 = tpu.memref_slice %arg3[%add3A_14] : memref<320000xi32, #tpu.memory_space<hbm>> -> memref<80xi32, #tpu.memory_space<hbm>>
          %dma_wait3A_29 = tpu.memref_slice %arg3[%add3A_14] : memref<320000xi32, #tpu.memory_space<hbm>> -> memref<80xi32, #tpu.memory_space<hbm>>
          tpu.wait_dma2 semaphore(%run_scoped3A : memref<!tpu.dma_semaphore, #tpu.memory_space<semaphore_mem>>) src(%dma_wait3A_29 : memref<80xi32, #tpu.memory_space<hbm>>) dst(%arg9 : memref<80xi32, #tpu.memory_space<vmem>>)
          tpu.yield
        }) : () -> ()
        %dma_start3A = arith.constant 0 : i32
        %dma_start3A_22 = arith.constant 0 : i32
        %dma_start3A_23 = tpu.memref_slice %arg2[%dma_start3A, %dma_start3A_22] : memref<10112x128xf32, #tpu.memory_space<hbm>> -> memref<10112x128xf32, #tpu.memory_space<hbm>>
        tpu.enqueue_indirect_dma source(%dma_start3A_23 : memref<10112x128xf32, #tpu.memory_space<hbm>>) target(%arg11 : memref<80x128xf32, #tpu.memory_space<vmem>>) offsets(%arg9 : memref<80xi32, #tpu.memory_space<vmem>>) semaphore(%arg13 : memref<!tpu.dma_semaphore, #tpu.memory_space<semaphore_mem>>)
        %dma_wait3A = arith.constant 0 : i32
        %dma_wait3A_24 = arith.constant 0 : i32
        %dma_wait3A_25 = tpu.memref_slice %arg2[%dma_wait3A, %dma_wait3A_24] : memref<10112x128xf32, #tpu.memory_space<hbm>> -> memref<10112x128xf32, #tpu.memory_space<hbm>>
        tpu.wait_indirect_dma semaphore(%arg13 : memref<!tpu.dma_semaphore, #tpu.memory_space<semaphore_mem>>) src(%dma_wait3A_25 : memref<10112x128xf32, #tpu.memory_space<hbm>>) dst(%arg11 : memref<80x128xf32, #tpu.memory_space<vmem>>)
        "tpu.region"() ({
          %run_scoped3A = tpu.sem_alloc : memref<!tpu.dma_semaphore, #tpu.memory_space<semaphore_mem>>
          %dma_start3A_26 = arith.constant 0 : i32
          %dma_start3A_27 = arith.constant 0 : i32
          %dma_start3A_28 = tpu.memref_slice %arg8[%dma_start3A_26, %dma_start3A_27] : memref<10112x128xf32, #tpu.memory_space<vmem_shared>> -> memref<10112x128xf32, #tpu.memory_space<vmem_shared>>
          tpu.enqueue_indirect_dma source(%arg11 : memref<80x128xf32, #tpu.memory_space<vmem>>) target(%dma_start3A_28 : memref<10112x128xf32, #tpu.memory_space<vmem_shared>>) offsets(%arg10 : memref<80xi32, #tpu.memory_space<vmem>>) semaphore(%run_scoped3A : memref<!tpu.dma_semaphore, #tpu.memory_space<semaphore_mem>>) {add = true}
          %dma_wait3A_29 = arith.constant 0 : i32
          %dma_wait3A_30 = arith.constant 0 : i32
          %dma_wait3A_31 = tpu.memref_slice %arg8[%dma_wait3A_29, %dma_wait3A_30] : memref<10112x128xf32, #tpu.memory_space<vmem_shared>> -> memref<10112x128xf32, #tpu.memory_space<vmem_shared>>
          tpu.wait_indirect_dma semaphore(%run_scoped3A : memref<!tpu.dma_semaphore, #tpu.memory_space<semaphore_mem>>) src(%arg11 : memref<80x128xf32, #tpu.memory_space<vmem>>) dst(%dma_wait3A_31 : memref<10112x128xf32, #tpu.memory_space<vmem_shared>>)
          tpu.yield
        }) : () -> ()
      } else {
      }
      %eq3A_17 = arith.constant 1 : i32
      %eq3A_18 = arith.cmpi eq, %arg0, %eq3A_17 : i32
      %convert_element_type3A_19 = arith.extui %eq3A_18 : i1 to i32
      %cond3A_20 = arith.constant 0 : i32
      %cond3A_21 = arith.cmpi ne, %convert_element_type3A_19, %cond3A_20 : i32
      scf.if %cond3A_21 {
        "tpu.region"() ({
          %run_scoped3A = tpu.sem_alloc : memref<!tpu.dma_semaphore, #tpu.memory_space<semaphore_mem>>
          %dma_start3A = arith.constant 0 : i32
          %dma_start3A_22 = arith.constant 0 : i32
          %dma_start3A_23 = tpu.memref_slice %arg8[%dma_start3A, %dma_start3A_22] : memref<10112x128xf32, #tpu.memory_space<vmem_shared>> -> memref<10112x128xf32, #tpu.memory_space<vmem_shared>>
          tpu.enqueue_indirect_dma source(%arg12 : memref<80x128xf32, #tpu.memory_space<vmem>>) target(%dma_start3A_23 : memref<10112x128xf32, #tpu.memory_space<vmem_shared>>) offsets(%arg10 : memref<80xi32, #tpu.memory_space<vmem>>) semaphore(%run_scoped3A : memref<!tpu.dma_semaphore, #tpu.memory_space<semaphore_mem>>) {add = true}
          %dma_wait3A = arith.constant 0 : i32
          %dma_wait3A_24 = arith.constant 0 : i32
          %dma_wait3A_25 = tpu.memref_slice %arg8[%dma_wait3A, %dma_wait3A_24] : memref<10112x128xf32, #tpu.memory_space<vmem_shared>> -> memref<10112x128xf32, #tpu.memory_space<vmem_shared>>
          tpu.wait_indirect_dma semaphore(%run_scoped3A : memref<!tpu.dma_semaphore, #tpu.memory_space<semaphore_mem>>) src(%arg12 : memref<80x128xf32, #tpu.memory_space<vmem>>) dst(%dma_wait3A_25 : memref<10112x128xf32, #tpu.memory_space<vmem_shared>>)
          tpu.yield
        }) : () -> ()
      } else {
      }
    }
    %scan3A_6 = arith.constant 250 : i32
    %barrier3A_7 = arith.constant 0 : index
    tpu.barrier barrier_id(%barrier3A_7)
    "tpu.region"() ({
      %run_scoped3A = tpu.sem_alloc : memref<!tpu.dma_semaphore, #tpu.memory_space<semaphore_mem>>
      %dma_start3A = arith.constant 0 : i32
      %dma_start3A_8 = tpu.memref_slice %arg7[%arg0, %mul3A_0, %dma_start3A] : memref<2x10112x128xf32, #tpu.memory_space<hbm>> -> memref<1x632x128xf32, #tpu.memory_space<hbm>>
      %dma_start3A_9 = tpu.memref_squeeze %dma_start3A_8 : memref<1x632x128xf32, #tpu.memory_space<hbm>> -> memref<632x128xf32, #tpu.memory_space<hbm>>
      %dma_start3A_10 = arith.constant 0 : i32
      %dma_start3A_11 = tpu.memref_slice %arg8[%mul3A_0, %dma_start3A_10] : memref<10112x128xf32, #tpu.memory_space<vmem_shared>> -> memref<632x128xf32, #tpu.memory_space<vmem_shared>>
      tpu.enqueue_dma source(%dma_start3A_11 : memref<632x128xf32, #tpu.memory_space<vmem_shared>>) target(%dma_start3A_9 : memref<632x128xf32, #tpu.memory_space<hbm>>) target_semaphore(%run_scoped3A : memref<!tpu.dma_semaphore, #tpu.memory_space<semaphore_mem>>)
      %dma_wait3A = arith.constant 0 : i32
      %dma_wait3A_12 = tpu.memref_slice %arg7[%arg0, %mul3A_0, %dma_wait3A] : memref<2x10112x128xf32, #tpu.memory_space<hbm>> -> memref<1x632x128xf32, #tpu.memory_space<hbm>>
      %dma_wait3A_13 = tpu.memref_squeeze %dma_wait3A_12 : memref<1x632x128xf32, #tpu.memory_space<hbm>> -> memref<632x128xf32, #tpu.memory_space<hbm>>
      %dma_wait3A_14 = arith.constant 0 : i32
      %dma_wait3A_15 = tpu.memref_slice %arg8[%mul3A_0, %dma_wait3A_14] : memref<10112x128xf32, #tpu.memory_space<vmem_shared>> -> memref<632x128xf32, #tpu.memory_space<vmem_shared>>
      tpu.wait_dma2 semaphore(%run_scoped3A : memref<!tpu.dma_semaphore, #tpu.memory_space<semaphore_mem>>) src(%dma_wait3A_15 : memref<632x128xf32, #tpu.memory_space<vmem_shared>>) dst(%dma_wait3A_13 : memref<632x128xf32, #tpu.memory_space<hbm>>)
      tpu.yield
    }) : () -> ()
    return
  }
}

#map = affine_map<(d0, d1) -> (0, 0)>
#map1 = affine_map<(d0, d1) -> (0)>
#map2 = affine_map<(d0, d1) -> (0, 0, 0)>
module attributes {stable_mosaic.version = 14 : i64} {
  func.func @gat_pass(%arg0: i32, %arg1: i32, %arg2: memref<10112x128xf32, #tpu.memory_space<hbm>>, %arg3: memref<10112x128xf32, #tpu.memory_space<hbm>>, %arg4: memref<10112x128xf32, #tpu.memory_space<hbm>>, %arg5: memref<330240xi32, #tpu.memory_space<hbm>>, %arg6: memref<330240xi32, #tpu.memory_space<hbm>>, %arg7: memref<632x128xf32, #tpu.memory_space<hbm>>, %arg8: memref<2x10112x128xf32, #tpu.memory_space<hbm>>, %arg9: memref<10112x128xf32, #tpu.memory_space<vmem_shared>>, %arg10: memref<80xi32, #tpu.memory_space<vmem>>, %arg11: memref<80xi32, #tpu.memory_space<vmem>>, %arg12: memref<80x128xf32, #tpu.memory_space<vmem>>, %arg13: memref<80x128xf32, #tpu.memory_space<vmem>>, %arg14: memref<80x128xf32, #tpu.memory_space<vmem>>, %arg15: memref<80x128xf32, #tpu.memory_space<vmem>>, %arg16: memref<!tpu.dma_semaphore, #tpu.memory_space<semaphore_mem>>) attributes {dimension_semantics = [#tpu.dimension_semantics<core_parallel>, #tpu.dimension_semantics<subcore_parallel>], iteration_bounds = array<i64: 2, 16>, scalar_prefetch = 0 : i64, scratch_operands = 8 : i64, tpu.core_type = #tpu.core_type<sc_vector_subcore>, window_params = [{transform_indices = #map}, {transform_indices = #map}, {transform_indices = #map}, {transform_indices = #map1}, {transform_indices = #map1}, {transform_indices = #map}, {transform_indices = #map2}]} {
    %mul3A = arith.constant 632 : i32
    %mul3A_0 = arith.muli %arg1, %mul3A : i32
    "tpu.region"() ({
      %run_scoped3A = tpu.sem_alloc : memref<!tpu.dma_semaphore, #tpu.memory_space<semaphore_mem>>
      %dma_start3A = arith.constant 0 : i32
      %dma_start3A_11 = tpu.memref_slice %arg9[%mul3A_0, %dma_start3A] : memref<10112x128xf32, #tpu.memory_space<vmem_shared>> -> memref<632x128xf32, #tpu.memory_space<vmem_shared>>
      tpu.enqueue_dma source(%arg7 : memref<632x128xf32, #tpu.memory_space<hbm>>) target(%dma_start3A_11 : memref<632x128xf32, #tpu.memory_space<vmem_shared>>) target_semaphore(%run_scoped3A : memref<!tpu.dma_semaphore, #tpu.memory_space<semaphore_mem>>)
      %dma_wait3A = arith.constant 0 : i32
      %dma_wait3A_12 = tpu.memref_slice %arg9[%mul3A_0, %dma_wait3A] : memref<10112x128xf32, #tpu.memory_space<vmem_shared>> -> memref<632x128xf32, #tpu.memory_space<vmem_shared>>
      tpu.wait_dma2 semaphore(%run_scoped3A : memref<!tpu.dma_semaphore, #tpu.memory_space<semaphore_mem>>) src(%arg7 : memref<632x128xf32, #tpu.memory_space<hbm>>) dst(%dma_wait3A_12 : memref<632x128xf32, #tpu.memory_space<vmem_shared>>)
      tpu.yield
    }) : () -> ()
    %broadcast_in_dim3A = arith.constant 0.000000e+00 : f32
    %broadcast_in_dim3A_1 = vector.broadcast %broadcast_in_dim3A : f32 to vector<16xf32>
    %eq3A = arith.constant 1 : i32
    %eq3A_2 = arith.cmpi eq, %arg0, %eq3A : i32
    %convert_element_type3A = arith.extui %eq3A_2 : i1 to i32
    %cond3A = arith.constant 0 : i32
    %cond3A_3 = arith.cmpi ne, %convert_element_type3A, %cond3A : i32
    scf.if %cond3A_3 {
      %scan3A_11 = arith.constant 0 : i32
      %scan3A_12 = arith.constant 80 : i32
      %scan3A_13 = arith.addi %scan3A_11, %scan3A_12 : i32
      %scan3A_14 = arith.constant 1 : i32
      scf.for %scan3A_16 = %scan3A_11 to %scan3A_13 step %scan3A_14  : i32 {
        %mul3A_17 = arith.constant 1 : i32
        %mul3A_18 = arith.muli %scan3A_16, %mul3A_17 : i32
        %add3A = arith.constant 0 : i32
        %add3A_19 = arith.addi %add3A, %mul3A_18 : i32
        %swap3A = arith.index_cast %add3A_19 : i32 to index
        %swap3A_20 = arith.constant 16 : index
        %swap3A_21 = tpu.vector_load %arg15[%swap3A, %swap3A_20] {strides = array<i32>} : memref<80x128xf32, #tpu.memory_space<vmem>>, vector<1x16xf32>,
        %swap3A_22 = vector.shape_cast %swap3A_21 : vector<1x16xf32> to vector<16xf32>
        %swap3A_23 = vector.shape_cast %broadcast_in_dim3A_1 : vector<16xf32> to vector<1x16xf32>
        tpu.vector_store %arg15[%swap3A, %swap3A_20], %swap3A_23 {strides = array<i32>} : memref<80x128xf32, #tpu.memory_space<vmem>>, vector<1x16xf32>,
        %swap3A_24 = arith.index_cast %add3A_19 : i32 to index
        %swap3A_25 = arith.constant 32 : index
        %swap3A_26 = tpu.vector_load %arg15[%swap3A_24, %swap3A_25] {strides = array<i32>} : memref<80x128xf32, #tpu.memory_space<vmem>>, vector<1x16xf32>,
        %swap3A_27 = vector.shape_cast %swap3A_26 : vector<1x16xf32> to vector<16xf32>
        %swap3A_28 = vector.shape_cast %broadcast_in_dim3A_1 : vector<16xf32> to vector<1x16xf32>
        tpu.vector_store %arg15[%swap3A_24, %swap3A_25], %swap3A_28 {strides = array<i32>} : memref<80x128xf32, #tpu.memory_space<vmem>>, vector<1x16xf32>,
        %swap3A_29 = arith.index_cast %add3A_19 : i32 to index
        %swap3A_30 = arith.constant 48 : index
        %swap3A_31 = tpu.vector_load %arg15[%swap3A_29, %swap3A_30] {strides = array<i32>} : memref<80x128xf32, #tpu.memory_space<vmem>>, vector<1x16xf32>,
        %swap3A_32 = vector.shape_cast %swap3A_31 : vector<1x16xf32> to vector<16xf32>
        %swap3A_33 = vector.shape_cast %broadcast_in_dim3A_1 : vector<16xf32> to vector<1x16xf32>
        tpu.vector_store %arg15[%swap3A_29, %swap3A_30], %swap3A_33 {strides = array<i32>} : memref<80x128xf32, #tpu.memory_space<vmem>>, vector<1x16xf32>,
        %swap3A_34 = arith.index_cast %add3A_19 : i32 to index
        %swap3A_35 = arith.constant 64 : index
        %swap3A_36 = tpu.vector_load %arg15[%swap3A_34, %swap3A_35] {strides = array<i32>} : memref<80x128xf32, #tpu.memory_space<vmem>>, vector<1x16xf32>,
        %swap3A_37 = vector.shape_cast %swap3A_36 : vector<1x16xf32> to vector<16xf32>
        %swap3A_38 = vector.shape_cast %broadcast_in_dim3A_1 : vector<16xf32> to vector<1x16xf32>
        tpu.vector_store %arg15[%swap3A_34, %swap3A_35], %swap3A_38 {strides = array<i32>} : memref<80x128xf32, #tpu.memory_space<vmem>>, vector<1x16xf32>,
        %swap3A_39 = arith.index_cast %add3A_19 : i32 to index
        %swap3A_40 = arith.constant 80 : index
        %swap3A_41 = tpu.vector_load %arg15[%swap3A_39, %swap3A_40] {strides = array<i32>} : memref<80x128xf32, #tpu.memory_space<vmem>>, vector<1x16xf32>,
        %swap3A_42 = vector.shape_cast %swap3A_41 : vector<1x16xf32> to vector<16xf32>
        %swap3A_43 = vector.shape_cast %broadcast_in_dim3A_1 : vector<16xf32> to vector<1x16xf32>
        tpu.vector_store %arg15[%swap3A_39, %swap3A_40], %swap3A_43 {strides = array<i32>} : memref<80x128xf32, #tpu.memory_space<vmem>>, vector<1x16xf32>,
        %swap3A_44 = arith.index_cast %add3A_19 : i32 to index
        %swap3A_45 = arith.constant 96 : index
        %swap3A_46 = tpu.vector_load %arg15[%swap3A_44, %swap3A_45] {strides = array<i32>} : memref<80x128xf32, #tpu.memory_space<vmem>>, vector<1x16xf32>,
        %swap3A_47 = vector.shape_cast %swap3A_46 : vector<1x16xf32> to vector<16xf32>
        %swap3A_48 = vector.shape_cast %broadcast_in_dim3A_1 : vector<16xf32> to vector<1x16xf32>
        tpu.vector_store %arg15[%swap3A_44, %swap3A_45], %swap3A_48 {strides = array<i32>} : memref<80x128xf32, #tpu.memory_space<vmem>>, vector<1x16xf32>,
        %swap3A_49 = arith.index_cast %add3A_19 : i32 to index
        %swap3A_50 = arith.constant 112 : index
        %swap3A_51 = tpu.vector_load %arg15[%swap3A_49, %swap3A_50] {strides = array<i32>} : memref<80x128xf32, #tpu.memory_space<vmem>>, vector<1x16xf32>,
        %swap3A_52 = vector.shape_cast %swap3A_51 : vector<1x16xf32> to vector<16xf32>
        %swap3A_53 = vector.shape_cast %broadcast_in_dim3A_1 : vector<16xf32> to vector<1x16xf32>
        tpu.vector_store %arg15[%swap3A_49, %swap3A_50], %swap3A_53 {strides = array<i32>} : memref<80x128xf32, #tpu.memory_space<vmem>>, vector<1x16xf32>,
      }
      %scan3A_15 = arith.constant 80 : i32
    } else {
    }
    %barrier3A = arith.constant 0 : index
    tpu.barrier barrier_id(%barrier3A)
    %mul3A_4 = arith.constant 20640 : i32
    %mul3A_5 = arith.muli %arg1, %mul3A_4 : i32
    %iota3A = tpu.iota {dimensions = array<i32: 0>} : vector<16xi32>
    %scan3A = arith.constant 0 : i32
    %scan3A_6 = arith.constant 258 : i32
    %scan3A_7 = arith.addi %scan3A, %scan3A_6 : i32
    %scan3A_8 = arith.constant 1 : i32
    scf.for %scan3A_11 = %scan3A to %scan3A_7 step %scan3A_8  : i32 {
      %mul3A_12 = arith.constant 1 : i32
      %mul3A_13 = arith.muli %scan3A_11, %mul3A_12 : i32
      %add3A = arith.constant 0 : i32
      %add3A_14 = arith.addi %add3A, %mul3A_13 : i32
      %mul3A_15 = arith.constant 80 : i32
      %mul3A_16 = arith.muli %add3A_14, %mul3A_15 : i32
      %add3A_17 = arith.addi %mul3A_5, %mul3A_16 : i32
      "tpu.region"() ({
        %run_scoped3A = tpu.sem_alloc : memref<!tpu.dma_semaphore, #tpu.memory_space<semaphore_mem>>
        %dma_start3A = tpu.memref_slice %arg5[%add3A_17] : memref<330240xi32, #tpu.memory_space<hbm>> -> memref<80xi32, #tpu.memory_space<hbm>>
        %dma_start3A_28 = tpu.memref_slice %arg5[%add3A_17] : memref<330240xi32, #tpu.memory_space<hbm>> -> memref<80xi32, #tpu.memory_space<hbm>>
        tpu.enqueue_dma source(%dma_start3A_28 : memref<80xi32, #tpu.memory_space<hbm>>) target(%arg10 : memref<80xi32, #tpu.memory_space<vmem>>) target_semaphore(%run_scoped3A : memref<!tpu.dma_semaphore, #tpu.memory_space<semaphore_mem>>)
        %dma_wait3A = tpu.memref_slice %arg5[%add3A_17] : memref<330240xi32, #tpu.memory_space<hbm>> -> memref<80xi32, #tpu.memory_space<hbm>>
        %dma_wait3A_29 = tpu.memref_slice %arg5[%add3A_17] : memref<330240xi32, #tpu.memory_space<hbm>> -> memref<80xi32, #tpu.memory_space<hbm>>
        tpu.wait_dma2 semaphore(%run_scoped3A : memref<!tpu.dma_semaphore, #tpu.memory_space<semaphore_mem>>) src(%dma_wait3A_29 : memref<80xi32, #tpu.memory_space<hbm>>) dst(%arg10 : memref<80xi32, #tpu.memory_space<vmem>>)
        tpu.yield
      }) : () -> ()
      "tpu.region"() ({
        %run_scoped3A = tpu.sem_alloc : memref<!tpu.dma_semaphore, #tpu.memory_space<semaphore_mem>>
        %dma_start3A = tpu.memref_slice %arg6[%add3A_17] : memref<330240xi32, #tpu.memory_space<hbm>> -> memref<80xi32, #tpu.memory_space<hbm>>
        %dma_start3A_28 = tpu.memref_slice %arg6[%add3A_17] : memref<330240xi32, #tpu.memory_space<hbm>> -> memref<80xi32, #tpu.memory_space<hbm>>
        tpu.enqueue_dma source(%dma_start3A_28 : memref<80xi32, #tpu.memory_space<hbm>>) target(%arg11 : memref<80xi32, #tpu.memory_space<vmem>>) target_semaphore(%run_scoped3A : memref<!tpu.dma_semaphore, #tpu.memory_space<semaphore_mem>>)
        %dma_wait3A = tpu.memref_slice %arg6[%add3A_17] : memref<330240xi32, #tpu.memory_space<hbm>> -> memref<80xi32, #tpu.memory_space<hbm>>
        %dma_wait3A_29 = tpu.memref_slice %arg6[%add3A_17] : memref<330240xi32, #tpu.memory_space<hbm>> -> memref<80xi32, #tpu.memory_space<hbm>>
        tpu.wait_dma2 semaphore(%run_scoped3A : memref<!tpu.dma_semaphore, #tpu.memory_space<semaphore_mem>>) src(%dma_wait3A_29 : memref<80xi32, #tpu.memory_space<hbm>>) dst(%arg11 : memref<80xi32, #tpu.memory_space<vmem>>)
        tpu.yield
      }) : () -> ()
      %eq3A_18 = arith.constant 0 : i32
      %eq3A_19 = arith.cmpi eq, %arg0, %eq3A_18 : i32
      %convert_element_type3A_20 = arith.extui %eq3A_19 : i1 to i32
      %cond3A_21 = arith.constant 0 : i32
      %cond3A_22 = arith.cmpi ne, %convert_element_type3A_20, %cond3A_21 : i32
      scf.if %cond3A_22 {
        %dma_start3A = arith.constant 0 : i32
        %dma_start3A_28 = arith.constant 0 : i32
        %dma_start3A_29 = tpu.memref_slice %arg3[%dma_start3A, %dma_start3A_28] : memref<10112x128xf32, #tpu.memory_space<hbm>> -> memref<10112x128xf32, #tpu.memory_space<hbm>>
        tpu.enqueue_indirect_dma source(%dma_start3A_29 : memref<10112x128xf32, #tpu.memory_space<hbm>>) target(%arg13 : memref<80x128xf32, #tpu.memory_space<vmem>>) offsets(%arg10 : memref<80xi32, #tpu.memory_space<vmem>>) semaphore(%arg16 : memref<!tpu.dma_semaphore, #tpu.memory_space<semaphore_mem>>)
        %dma_start3A_30 = arith.constant 0 : i32
        %dma_start3A_31 = arith.constant 0 : i32
        %dma_start3A_32 = tpu.memref_slice %arg4[%dma_start3A_30, %dma_start3A_31] : memref<10112x128xf32, #tpu.memory_space<hbm>> -> memref<10112x128xf32, #tpu.memory_space<hbm>>
        tpu.enqueue_indirect_dma source(%dma_start3A_32 : memref<10112x128xf32, #tpu.memory_space<hbm>>) target(%arg14 : memref<80x128xf32, #tpu.memory_space<vmem>>) offsets(%arg11 : memref<80xi32, #tpu.memory_space<vmem>>) semaphore(%arg16 : memref<!tpu.dma_semaphore, #tpu.memory_space<semaphore_mem>>)
        %dma_start3A_33 = arith.constant 0 : i32
        %dma_start3A_34 = arith.constant 0 : i32
        %dma_start3A_35 = tpu.memref_slice %arg2[%dma_start3A_33, %dma_start3A_34] : memref<10112x128xf32, #tpu.memory_space<hbm>> -> memref<10112x128xf32, #tpu.memory_space<hbm>>
        tpu.enqueue_indirect_dma source(%dma_start3A_35 : memref<10112x128xf32, #tpu.memory_space<hbm>>) target(%arg12 : memref<80x128xf32, #tpu.memory_space<vmem>>) offsets(%arg10 : memref<80xi32, #tpu.memory_space<vmem>>) semaphore(%arg16 : memref<!tpu.dma_semaphore, #tpu.memory_space<semaphore_mem>>)
        %dma_wait3A = arith.constant 0 : i32
        %dma_wait3A_36 = arith.constant 0 : i32
        %dma_wait3A_37 = tpu.memref_slice %arg3[%dma_wait3A, %dma_wait3A_36] : memref<10112x128xf32, #tpu.memory_space<hbm>> -> memref<10112x128xf32, #tpu.memory_space<hbm>>
        tpu.wait_indirect_dma semaphore(%arg16 : memref<!tpu.dma_semaphore, #tpu.memory_space<semaphore_mem>>) src(%dma_wait3A_37 : memref<10112x128xf32, #tpu.memory_space<hbm>>) dst(%arg13 : memref<80x128xf32, #tpu.memory_space<vmem>>)
        %dma_wait3A_38 = arith.constant 0 : i32
        %dma_wait3A_39 = arith.constant 0 : i32
        %dma_wait3A_40 = tpu.memref_slice %arg4[%dma_wait3A_38, %dma_wait3A_39] : memref<10112x128xf32, #tpu.memory_space<hbm>> -> memref<10112x128xf32, #tpu.memory_space<hbm>>
        tpu.wait_indirect_dma semaphore(%arg16 : memref<!tpu.dma_semaphore, #tpu.memory_space<semaphore_mem>>) src(%dma_wait3A_40 : memref<10112x128xf32, #tpu.memory_space<hbm>>) dst(%arg14 : memref<80x128xf32, #tpu.memory_space<vmem>>)
        %dma_wait3A_41 = arith.constant 0 : i32
        %dma_wait3A_42 = arith.constant 0 : i32
        %dma_wait3A_43 = tpu.memref_slice %arg2[%dma_wait3A_41, %dma_wait3A_42] : memref<10112x128xf32, #tpu.memory_space<hbm>> -> memref<10112x128xf32, #tpu.memory_space<hbm>>
        tpu.wait_indirect_dma semaphore(%arg16 : memref<!tpu.dma_semaphore, #tpu.memory_space<semaphore_mem>>) src(%dma_wait3A_43 : memref<10112x128xf32, #tpu.memory_space<hbm>>) dst(%arg12 : memref<80x128xf32, #tpu.memory_space<vmem>>)
        %scan3A_44 = arith.constant 0 : i32
        %scan3A_45 = arith.constant 80 : i32
        %scan3A_46 = arith.addi %scan3A_44, %scan3A_45 : i32
        %scan3A_47 = arith.constant 1 : i32
        scf.for %scan3A_49 = %scan3A_44 to %scan3A_46 step %scan3A_47  : i32 {
          %mul3A_50 = arith.constant 1 : i32
          %mul3A_51 = arith.muli %scan3A_49, %mul3A_50 : i32
          %add3A_52 = arith.constant 0 : i32
          %add3A_53 = arith.addi %add3A_52, %mul3A_51 : i32
          %get3A = arith.index_cast %add3A_53 : i32 to index
          %get3A_54 = arith.constant 0 : index
          %get3A_55 = tpu.vector_load %arg13[%get3A, %get3A_54] {strides = array<i32>} : memref<80x128xf32, #tpu.memory_space<vmem>>, vector<1x16xf32>,
          %get3A_56 = vector.shape_cast %get3A_55 : vector<1x16xf32> to vector<16xf32>
          %get3A_57 = arith.index_cast %add3A_53 : i32 to index
          %get3A_58 = arith.constant 0 : index
          %get3A_59 = tpu.vector_load %arg14[%get3A_57, %get3A_58] {strides = array<i32>} : memref<80x128xf32, #tpu.memory_space<vmem>>, vector<1x16xf32>,
          %get3A_60 = vector.shape_cast %get3A_59 : vector<1x16xf32> to vector<16xf32>
          %add3A_61 = arith.addf %get3A_56, %get3A_60 : vector<16xf32>
          %ge3A = arith.constant 0.000000e+00 : f32
          %ge3A_62 = vector.broadcast %ge3A : f32 to vector<16xf32>
          %ge3A_63 = arith.cmpf oge, %add3A_61, %ge3A_62 : vector<16xf32>
          %mul3A_64 = arith.constant 2.000000e-01 : f32
          %mul3A_65 = vector.broadcast %mul3A_64 : f32 to vector<16xf32>
          %mul3A_66 = arith.mulf %mul3A_65, %add3A_61 : vector<16xf32>
          %select_n3A = arith.select %ge3A_63, %add3A_61, %mul3A_66 : vector<16xi1>, vector<16xf32>
          %exp3A = math.exp %select_n3A : vector<16xf32>
          %get3A_67 = arith.index_cast %add3A_53 : i32 to index
          %get3A_68 = arith.constant 0 : index
          %get3A_69 = tpu.vector_load %arg12[%get3A_67, %get3A_68] {strides = array<i32>} : memref<80x128xf32, #tpu.memory_space<vmem>>, vector<1x16xf32>,
          %get3A_70 = vector.shape_cast %get3A_69 : vector<1x16xf32> to vector<16xf32>
          %slice3A = vector.extract_strided_slice %exp3A {offsets = [0], sizes = [1], strides = [1]} : vector<16xf32> to vector<1xf32>
          %squeeze3A = vector.extract %slice3A[0] : f32 from vector<1xf32>
          %mul3A_71 = vector.broadcast %squeeze3A : f32 to vector<16xf32>
          %mul3A_72 = arith.mulf %get3A_70, %mul3A_71 : vector<16xf32>
          %swap3A = arith.index_cast %add3A_53 : i32 to index
          %swap3A_73 = arith.constant 0 : index
          %swap3A_74 = tpu.vector_load %arg15[%swap3A, %swap3A_73] {strides = array<i32>} : memref<80x128xf32, #tpu.memory_space<vmem>>, vector<1x16xf32>,
          %swap3A_75 = vector.shape_cast %swap3A_74 : vector<1x16xf32> to vector<16xf32>
          %swap3A_76 = vector.shape_cast %mul3A_72 : vector<16xf32> to vector<1x16xf32>
          tpu.vector_store %arg15[%swap3A, %swap3A_73], %swap3A_76 {strides = array<i32>} : memref<80x128xf32, #tpu.memory_space<vmem>>, vector<1x16xf32>,
          %get3A_77 = arith.index_cast %add3A_53 : i32 to index
          %get3A_78 = arith.constant 16 : index
          %get3A_79 = tpu.vector_load %arg12[%get3A_77, %get3A_78] {strides = array<i32>} : memref<80x128xf32, #tpu.memory_space<vmem>>, vector<1x16xf32>,
          %get3A_80 = vector.shape_cast %get3A_79 : vector<1x16xf32> to vector<16xf32>
          %slice3A_81 = vector.extract_strided_slice %exp3A {offsets = [1], sizes = [1], strides = [1]} : vector<16xf32> to vector<1xf32>
          %squeeze3A_82 = vector.extract %slice3A_81[0] : f32 from vector<1xf32>
          %mul3A_83 = vector.broadcast %squeeze3A_82 : f32 to vector<16xf32>
          %mul3A_84 = arith.mulf %get3A_80, %mul3A_83 : vector<16xf32>
          %swap3A_85 = arith.index_cast %add3A_53 : i32 to index
          %swap3A_86 = arith.constant 16 : index
          %swap3A_87 = tpu.vector_load %arg15[%swap3A_85, %swap3A_86] {strides = array<i32>} : memref<80x128xf32, #tpu.memory_space<vmem>>, vector<1x16xf32>,
          %swap3A_88 = vector.shape_cast %swap3A_87 : vector<1x16xf32> to vector<16xf32>
          %swap3A_89 = vector.shape_cast %mul3A_84 : vector<16xf32> to vector<1x16xf32>
          tpu.vector_store %arg15[%swap3A_85, %swap3A_86], %swap3A_89 {strides = array<i32>} : memref<80x128xf32, #tpu.memory_space<vmem>>, vector<1x16xf32>,
          %get3A_90 = arith.index_cast %add3A_53 : i32 to index
          %get3A_91 = arith.constant 32 : index
          %get3A_92 = tpu.vector_load %arg12[%get3A_90, %get3A_91] {strides = array<i32>} : memref<80x128xf32, #tpu.memory_space<vmem>>, vector<1x16xf32>,
          %get3A_93 = vector.shape_cast %get3A_92 : vector<1x16xf32> to vector<16xf32>
          %slice3A_94 = vector.extract_strided_slice %exp3A {offsets = [2], sizes = [1], strides = [1]} : vector<16xf32> to vector<1xf32>
          %squeeze3A_95 = vector.extract %slice3A_94[0] : f32 from vector<1xf32>
          %mul3A_96 = vector.broadcast %squeeze3A_95 : f32 to vector<16xf32>
          %mul3A_97 = arith.mulf %get3A_93, %mul3A_96 : vector<16xf32>
          %swap3A_98 = arith.index_cast %add3A_53 : i32 to index
          %swap3A_99 = arith.constant 32 : index
          %swap3A_100 = tpu.vector_load %arg15[%swap3A_98, %swap3A_99] {strides = array<i32>} : memref<80x128xf32, #tpu.memory_space<vmem>>, vector<1x16xf32>,
          %swap3A_101 = vector.shape_cast %swap3A_100 : vector<1x16xf32> to vector<16xf32>
          %swap3A_102 = vector.shape_cast %mul3A_97 : vector<16xf32> to vector<1x16xf32>
          tpu.vector_store %arg15[%swap3A_98, %swap3A_99], %swap3A_102 {strides = array<i32>} : memref<80x128xf32, #tpu.memory_space<vmem>>, vector<1x16xf32>,
          %get3A_103 = arith.index_cast %add3A_53 : i32 to index
          %get3A_104 = arith.constant 48 : index
          %get3A_105 = tpu.vector_load %arg12[%get3A_103, %get3A_104] {strides = array<i32>} : memref<80x128xf32, #tpu.memory_space<vmem>>, vector<1x16xf32>,
          %get3A_106 = vector.shape_cast %get3A_105 : vector<1x16xf32> to vector<16xf32>
          %slice3A_107 = vector.extract_strided_slice %exp3A {offsets = [3], sizes = [1], strides = [1]} : vector<16xf32> to vector<1xf32>
          %squeeze3A_108 = vector.extract %slice3A_107[0] : f32 from vector<1xf32>
          %mul3A_109 = vector.broadcast %squeeze3A_108 : f32 to vector<16xf32>
          %mul3A_110 = arith.mulf %get3A_106, %mul3A_109 : vector<16xf32>
          %swap3A_111 = arith.index_cast %add3A_53 : i32 to index
          %swap3A_112 = arith.constant 48 : index
          %swap3A_113 = tpu.vector_load %arg15[%swap3A_111, %swap3A_112] {strides = array<i32>} : memref<80x128xf32, #tpu.memory_space<vmem>>, vector<1x16xf32>,
          %swap3A_114 = vector.shape_cast %swap3A_113 : vector<1x16xf32> to vector<16xf32>
          %swap3A_115 = vector.shape_cast %mul3A_110 : vector<16xf32> to vector<1x16xf32>
          tpu.vector_store %arg15[%swap3A_111, %swap3A_112], %swap3A_115 {strides = array<i32>} : memref<80x128xf32, #tpu.memory_space<vmem>>, vector<1x16xf32>,
          %get3A_116 = arith.index_cast %add3A_53 : i32 to index
          %get3A_117 = arith.constant 64 : index
          %get3A_118 = tpu.vector_load %arg12[%get3A_116, %get3A_117] {strides = array<i32>} : memref<80x128xf32, #tpu.memory_space<vmem>>, vector<1x16xf32>,
          %get3A_119 = vector.shape_cast %get3A_118 : vector<1x16xf32> to vector<16xf32>
          %slice3A_120 = vector.extract_strided_slice %exp3A {offsets = [4], sizes = [1], strides = [1]} : vector<16xf32> to vector<1xf32>
          %squeeze3A_121 = vector.extract %slice3A_120[0] : f32 from vector<1xf32>
          %mul3A_122 = vector.broadcast %squeeze3A_121 : f32 to vector<16xf32>
          %mul3A_123 = arith.mulf %get3A_119, %mul3A_122 : vector<16xf32>
          %swap3A_124 = arith.index_cast %add3A_53 : i32 to index
          %swap3A_125 = arith.constant 64 : index
          %swap3A_126 = tpu.vector_load %arg15[%swap3A_124, %swap3A_125] {strides = array<i32>} : memref<80x128xf32, #tpu.memory_space<vmem>>, vector<1x16xf32>,
          %swap3A_127 = vector.shape_cast %swap3A_126 : vector<1x16xf32> to vector<16xf32>
          %swap3A_128 = vector.shape_cast %mul3A_123 : vector<16xf32> to vector<1x16xf32>
          tpu.vector_store %arg15[%swap3A_124, %swap3A_125], %swap3A_128 {strides = array<i32>} : memref<80x128xf32, #tpu.memory_space<vmem>>, vector<1x16xf32>,
          %get3A_129 = arith.index_cast %add3A_53 : i32 to index
          %get3A_130 = arith.constant 80 : index
          %get3A_131 = tpu.vector_load %arg12[%get3A_129, %get3A_130] {strides = array<i32>} : memref<80x128xf32, #tpu.memory_space<vmem>>, vector<1x16xf32>,
          %get3A_132 = vector.shape_cast %get3A_131 : vector<1x16xf32> to vector<16xf32>
          %slice3A_133 = vector.extract_strided_slice %exp3A {offsets = [5], sizes = [1], strides = [1]} : vector<16xf32> to vector<1xf32>
          %squeeze3A_134 = vector.extract %slice3A_133[0] : f32 from vector<1xf32>
          %mul3A_135 = vector.broadcast %squeeze3A_134 : f32 to vector<16xf32>
          %mul3A_136 = arith.mulf %get3A_132, %mul3A_135 : vector<16xf32>
          %swap3A_137 = arith.index_cast %add3A_53 : i32 to index
          %swap3A_138 = arith.constant 80 : index
          %swap3A_139 = tpu.vector_load %arg15[%swap3A_137, %swap3A_138] {strides = array<i32>} : memref<80x128xf32, #tpu.memory_space<vmem>>, vector<1x16xf32>,
          %swap3A_140 = vector.shape_cast %swap3A_139 : vector<1x16xf32> to vector<16xf32>
          %swap3A_141 = vector.shape_cast %mul3A_136 : vector<16xf32> to vector<1x16xf32>
          tpu.vector_store %arg15[%swap3A_137, %swap3A_138], %swap3A_141 {strides = array<i32>} : memref<80x128xf32, #tpu.memory_space<vmem>>, vector<1x16xf32>,
          %get3A_142 = arith.index_cast %add3A_53 : i32 to index
          %get3A_143 = arith.constant 96 : index
          %get3A_144 = tpu.vector_load %arg12[%get3A_142, %get3A_143] {strides = array<i32>} : memref<80x128xf32, #tpu.memory_space<vmem>>, vector<1x16xf32>,
          %get3A_145 = vector.shape_cast %get3A_144 : vector<1x16xf32> to vector<16xf32>
          %slice3A_146 = vector.extract_strided_slice %exp3A {offsets = [6], sizes = [1], strides = [1]} : vector<16xf32> to vector<1xf32>
          %squeeze3A_147 = vector.extract %slice3A_146[0] : f32 from vector<1xf32>
          %mul3A_148 = vector.broadcast %squeeze3A_147 : f32 to vector<16xf32>
          %mul3A_149 = arith.mulf %get3A_145, %mul3A_148 : vector<16xf32>
          %swap3A_150 = arith.index_cast %add3A_53 : i32 to index
          %swap3A_151 = arith.constant 96 : index
          %swap3A_152 = tpu.vector_load %arg15[%swap3A_150, %swap3A_151] {strides = array<i32>} : memref<80x128xf32, #tpu.memory_space<vmem>>, vector<1x16xf32>,
          %swap3A_153 = vector.shape_cast %swap3A_152 : vector<1x16xf32> to vector<16xf32>
          %swap3A_154 = vector.shape_cast %mul3A_149 : vector<16xf32> to vector<1x16xf32>
          tpu.vector_store %arg15[%swap3A_150, %swap3A_151], %swap3A_154 {strides = array<i32>} : memref<80x128xf32, #tpu.memory_space<vmem>>, vector<1x16xf32>,
          %get3A_155 = arith.index_cast %add3A_53 : i32 to index
          %get3A_156 = arith.constant 112 : index
          %get3A_157 = tpu.vector_load %arg12[%get3A_155, %get3A_156] {strides = array<i32>} : memref<80x128xf32, #tpu.memory_space<vmem>>, vector<1x16xf32>,
          %get3A_158 = vector.shape_cast %get3A_157 : vector<1x16xf32> to vector<16xf32>
          %slice3A_159 = vector.extract_strided_slice %exp3A {offsets = [7], sizes = [1], strides = [1]} : vector<16xf32> to vector<1xf32>
          %squeeze3A_160 = vector.extract %slice3A_159[0] : f32 from vector<1xf32>
          %mul3A_161 = vector.broadcast %squeeze3A_160 : f32 to vector<16xf32>
          %mul3A_162 = arith.mulf %get3A_158, %mul3A_161 : vector<16xf32>
          %swap3A_163 = arith.index_cast %add3A_53 : i32 to index
          %swap3A_164 = arith.constant 112 : index
          %swap3A_165 = tpu.vector_load %arg15[%swap3A_163, %swap3A_164] {strides = array<i32>} : memref<80x128xf32, #tpu.memory_space<vmem>>, vector<1x16xf32>,
          %swap3A_166 = vector.shape_cast %swap3A_165 : vector<1x16xf32> to vector<16xf32>
          %swap3A_167 = vector.shape_cast %mul3A_162 : vector<16xf32> to vector<1x16xf32>
          tpu.vector_store %arg15[%swap3A_163, %swap3A_164], %swap3A_167 {strides = array<i32>} : memref<80x128xf32, #tpu.memory_space<vmem>>, vector<1x16xf32>,
        }
        %scan3A_48 = arith.constant 80 : i32
      } else {
      }
      %eq3A_23 = arith.constant 1 : i32
      %eq3A_24 = arith.cmpi eq, %arg0, %eq3A_23 : i32
      %convert_element_type3A_25 = arith.extui %eq3A_24 : i1 to i32
      %cond3A_26 = arith.constant 0 : i32
      %cond3A_27 = arith.cmpi ne, %convert_element_type3A_25, %cond3A_26 : i32
      scf.if %cond3A_27 {
        %dma_start3A = arith.constant 0 : i32
        %dma_start3A_28 = arith.constant 0 : i32
        %dma_start3A_29 = tpu.memref_slice %arg3[%dma_start3A, %dma_start3A_28] : memref<10112x128xf32, #tpu.memory_space<hbm>> -> memref<10112x128xf32, #tpu.memory_space<hbm>>
        tpu.enqueue_indirect_dma source(%dma_start3A_29 : memref<10112x128xf32, #tpu.memory_space<hbm>>) target(%arg13 : memref<80x128xf32, #tpu.memory_space<vmem>>) offsets(%arg10 : memref<80xi32, #tpu.memory_space<vmem>>) semaphore(%arg16 : memref<!tpu.dma_semaphore, #tpu.memory_space<semaphore_mem>>)
        %dma_start3A_30 = arith.constant 0 : i32
        %dma_start3A_31 = arith.constant 0 : i32
        %dma_start3A_32 = tpu.memref_slice %arg4[%dma_start3A_30, %dma_start3A_31] : memref<10112x128xf32, #tpu.memory_space<hbm>> -> memref<10112x128xf32, #tpu.memory_space<hbm>>
        tpu.enqueue_indirect_dma source(%dma_start3A_32 : memref<10112x128xf32, #tpu.memory_space<hbm>>) target(%arg14 : memref<80x128xf32, #tpu.memory_space<vmem>>) offsets(%arg11 : memref<80xi32, #tpu.memory_space<vmem>>) semaphore(%arg16 : memref<!tpu.dma_semaphore, #tpu.memory_space<semaphore_mem>>)
        %dma_wait3A = arith.constant 0 : i32
        %dma_wait3A_33 = arith.constant 0 : i32
        %dma_wait3A_34 = tpu.memref_slice %arg3[%dma_wait3A, %dma_wait3A_33] : memref<10112x128xf32, #tpu.memory_space<hbm>> -> memref<10112x128xf32, #tpu.memory_space<hbm>>
        tpu.wait_indirect_dma semaphore(%arg16 : memref<!tpu.dma_semaphore, #tpu.memory_space<semaphore_mem>>) src(%dma_wait3A_34 : memref<10112x128xf32, #tpu.memory_space<hbm>>) dst(%arg13 : memref<80x128xf32, #tpu.memory_space<vmem>>)
        %dma_wait3A_35 = arith.constant 0 : i32
        %dma_wait3A_36 = arith.constant 0 : i32
        %dma_wait3A_37 = tpu.memref_slice %arg4[%dma_wait3A_35, %dma_wait3A_36] : memref<10112x128xf32, #tpu.memory_space<hbm>> -> memref<10112x128xf32, #tpu.memory_space<hbm>>
        tpu.wait_indirect_dma semaphore(%arg16 : memref<!tpu.dma_semaphore, #tpu.memory_space<semaphore_mem>>) src(%dma_wait3A_37 : memref<10112x128xf32, #tpu.memory_space<hbm>>) dst(%arg14 : memref<80x128xf32, #tpu.memory_space<vmem>>)
        %scan3A_38 = arith.constant 0 : i32
        %scan3A_39 = arith.constant 80 : i32
        %scan3A_40 = arith.addi %scan3A_38, %scan3A_39 : i32
        %scan3A_41 = arith.constant 1 : i32
        scf.for %scan3A_43 = %scan3A_38 to %scan3A_40 step %scan3A_41  : i32 {
          %mul3A_44 = arith.constant 1 : i32
          %mul3A_45 = arith.muli %scan3A_43, %mul3A_44 : i32
          %add3A_46 = arith.constant 0 : i32
          %add3A_47 = arith.addi %add3A_46, %mul3A_45 : i32
          %get3A = arith.index_cast %add3A_47 : i32 to index
          %get3A_48 = arith.constant 0 : index
          %get3A_49 = tpu.vector_load %arg13[%get3A, %get3A_48] {strides = array<i32>} : memref<80x128xf32, #tpu.memory_space<vmem>>, vector<1x16xf32>,
          %get3A_50 = vector.shape_cast %get3A_49 : vector<1x16xf32> to vector<16xf32>
          %get3A_51 = arith.index_cast %add3A_47 : i32 to index
          %get3A_52 = arith.constant 0 : index
          %get3A_53 = tpu.vector_load %arg14[%get3A_51, %get3A_52] {strides = array<i32>} : memref<80x128xf32, #tpu.memory_space<vmem>>, vector<1x16xf32>,
          %get3A_54 = vector.shape_cast %get3A_53 : vector<1x16xf32> to vector<16xf32>
          %add3A_55 = arith.addf %get3A_50, %get3A_54 : vector<16xf32>
          %lt3A = arith.constant 8 : i32
          %lt3A_56 = vector.broadcast %lt3A : i32 to vector<16xi32>
          %lt3A_57 = arith.cmpi slt, %iota3A, %lt3A_56 : vector<16xi32>
          %ge3A = arith.constant 0.000000e+00 : f32
          %ge3A_58 = vector.broadcast %ge3A : f32 to vector<16xf32>
          %ge3A_59 = arith.cmpf oge, %add3A_55, %ge3A_58 : vector<16xf32>
          %mul3A_60 = arith.constant 2.000000e-01 : f32
          %mul3A_61 = vector.broadcast %mul3A_60 : f32 to vector<16xf32>
          %mul3A_62 = arith.mulf %mul3A_61, %add3A_55 : vector<16xf32>
          %select_n3A = arith.select %ge3A_59, %add3A_55, %mul3A_62 : vector<16xi1>, vector<16xf32>
          %jit3A = arith.constant 0.000000e+00 : f32
          %broadcast_in_dim3A_63 = vector.broadcast %jit3A : f32 to vector<16xf32>
          %select_n3A_64 = arith.select %lt3A_57, %select_n3A, %broadcast_in_dim3A_63 : vector<16xi1>, vector<16xf32>
          %exp3A = math.exp %select_n3A_64 : vector<16xf32>
          %swap3A = arith.index_cast %add3A_47 : i32 to index
          %swap3A_65 = arith.constant 0 : index
          %swap3A_66 = tpu.vector_load %arg15[%swap3A, %swap3A_65] {strides = array<i32>} : memref<80x128xf32, #tpu.memory_space<vmem>>, vector<1x16xf32>,
          %swap3A_67 = vector.shape_cast %swap3A_66 : vector<1x16xf32> to vector<16xf32>
          %swap3A_68 = vector.shape_cast %exp3A : vector<16xf32> to vector<1x16xf32>
          tpu.vector_store %arg15[%swap3A, %swap3A_65], %swap3A_68 {strides = array<i32>} : memref<80x128xf32, #tpu.memory_space<vmem>>, vector<1x16xf32>,
        }
        %scan3A_42 = arith.constant 80 : i32
      } else {
      }
      "tpu.region"() ({
        %run_scoped3A = tpu.sem_alloc : memref<!tpu.dma_semaphore, #tpu.memory_space<semaphore_mem>>
        %dma_start3A = arith.constant 0 : i32
        %dma_start3A_28 = arith.constant 0 : i32
        %dma_start3A_29 = tpu.memref_slice %arg9[%dma_start3A, %dma_start3A_28] : memref<10112x128xf32, #tpu.memory_space<vmem_shared>> -> memref<10112x128xf32, #tpu.memory_space<vmem_shared>>
        tpu.enqueue_indirect_dma source(%arg15 : memref<80x128xf32, #tpu.memory_space<vmem>>) target(%dma_start3A_29 : memref<10112x128xf32, #tpu.memory_space<vmem_shared>>) offsets(%arg11 : memref<80xi32, #tpu.memory_space<vmem>>) semaphore(%run_scoped3A : memref<!tpu.dma_semaphore, #tpu.memory_space<semaphore_mem>>) {add = true}
        %dma_wait3A = arith.constant 0 : i32
        %dma_wait3A_30 = arith.constant 0 : i32
        %dma_wait3A_31 = tpu.memref_slice %arg9[%dma_wait3A, %dma_wait3A_30] : memref<10112x128xf32, #tpu.memory_space<vmem_shared>> -> memref<10112x128xf32, #tpu.memory_space<vmem_shared>>
        tpu.wait_indirect_dma semaphore(%run_scoped3A : memref<!tpu.dma_semaphore, #tpu.memory_space<semaphore_mem>>) src(%arg15 : memref<80x128xf32, #tpu.memory_space<vmem>>) dst(%dma_wait3A_31 : memref<10112x128xf32, #tpu.memory_space<vmem_shared>>)
        tpu.yield
      }) : () -> ()
    }
    %scan3A_9 = arith.constant 258 : i32
    %barrier3A_10 = arith.constant 0 : index
    tpu.barrier barrier_id(%barrier3A_10)
    "tpu.region"() ({
      %run_scoped3A = tpu.sem_alloc : memref<!tpu.dma_semaphore, #tpu.memory_space<semaphore_mem>>
      %dma_start3A = arith.constant 0 : i32
      %dma_start3A_11 = tpu.memref_slice %arg8[%arg0, %mul3A_0, %dma_start3A] : memref<2x10112x128xf32, #tpu.memory_space<hbm>> -> memref<1x632x128xf32, #tpu.memory_space<hbm>>
      %dma_start3A_12 = tpu.memref_squeeze %dma_start3A_11 : memref<1x632x128xf32, #tpu.memory_space<hbm>> -> memref<632x128xf32, #tpu.memory_space<hbm>>
      %dma_start3A_13 = arith.constant 0 : i32
      %dma_start3A_14 = tpu.memref_slice %arg9[%mul3A_0, %dma_start3A_13] : memref<10112x128xf32, #tpu.memory_space<vmem_shared>> -> memref<632x128xf32, #tpu.memory_space<vmem_shared>>
      tpu.enqueue_dma source(%dma_start3A_14 : memref<632x128xf32, #tpu.memory_space<vmem_shared>>) target(%dma_start3A_12 : memref<632x128xf32, #tpu.memory_space<hbm>>) target_semaphore(%run_scoped3A : memref<!tpu.dma_semaphore, #tpu.memory_space<semaphore_mem>>)
      %dma_wait3A = arith.constant 0 : i32
      %dma_wait3A_15 = tpu.memref_slice %arg8[%arg0, %mul3A_0, %dma_wait3A] : memref<2x10112x128xf32, #tpu.memory_space<hbm>> -> memref<1x632x128xf32, #tpu.memory_space<hbm>>
      %dma_wait3A_16 = tpu.memref_squeeze %dma_wait3A_15 : memref<1x632x128xf32, #tpu.memory_space<hbm>> -> memref<632x128xf32, #tpu.memory_space<hbm>>
      %dma_wait3A_17 = arith.constant 0 : i32
      %dma_wait3A_18 = tpu.memref_slice %arg9[%mul3A_0, %dma_wait3A_17] : memref<10112x128xf32, #tpu.memory_space<vmem_shared>> -> memref<632x128xf32, #tpu.memory_space<vmem_shared>>
      tpu.wait_dma2 semaphore(%run_scoped3A : memref<!tpu.dma_semaphore, #tpu.memory_space<semaphore_mem>>) src(%dma_wait3A_18 : memref<632x128xf32, #tpu.memory_space<vmem_shared>>) dst(%dma_wait3A_16 : memref<632x128xf32, #tpu.memory_space<hbm>>)
      tpu.yield
    }) : () -> ()
    return
  }
}

module attributes {stable_mosaic.version = 14 : i64} {
  func.func @_t1_body(%arg0: i32, %arg1: memref<2528x128xf32, #tpu.memory_space<vmem>>, %arg2: memref<2528x128xf32, #tpu.memory_space<vmem>>, %arg3: memref<1x128xf32, #tpu.memory_space<vmem>>, %arg4: memref<1x128xf32, #tpu.memory_space<vmem>>, %arg5: memref<1x128xf32, #tpu.memory_space<vmem>>, %arg6: memref<1x128xf32, #tpu.memory_space<vmem>>, %arg7: memref<128x256xf32, #tpu.memory_space<vmem>>, %arg8: memref<1x256xf32, #tpu.memory_space<vmem>>, %arg9: memref<1x256xf32, #tpu.memory_space<vmem>>, %arg10: memref<1x256xf32, #tpu.memory_space<vmem>>, %arg11: memref<256x128xf32, #tpu.memory_space<vmem>>, %arg12: memref<1x128xf32, #tpu.memory_space<vmem>>, %arg13: memref<128x256xf32, #tpu.memory_space<vmem>>, %arg14: memref<1x256xf32, #tpu.memory_space<vmem>>, %arg15: memref<1x256xf32, #tpu.memory_space<vmem>>, %arg16: memref<1x256xf32, #tpu.memory_space<vmem>>, %arg17: memref<256x128xf32, #tpu.memory_space<vmem>>, %arg18: memref<1x128xf32, #tpu.memory_space<vmem>>, %arg19: memref<128x128xf32, #tpu.memory_space<vmem>>, %arg20: memref<8x16xf32, #tpu.memory_space<vmem>>, %arg21: memref<8x16xf32, #tpu.memory_space<vmem>>, %arg22: memref<2528x128xf32, #tpu.memory_space<vmem>>, %arg23: memref<2528x128xf32, #tpu.memory_space<vmem>>, %arg24: memref<2528x128xf32, #tpu.memory_space<vmem>>, %arg25: memref<2528x16xf32, #tpu.memory_space<vmem>>, %arg26: memref<2528x16xf32, #tpu.memory_space<vmem>>) attributes {dimension_semantics = [#tpu.dimension_semantics<arbitrary>], iteration_bounds = array<i64: 4>, scalar_prefetch = 0 : i64, scratch_operands = 0 : i64, tpu.core_type = #tpu.core_type<tc>, window_params = [{transform_indices = @transform_0, window_bounds = array<i64: 2528, 128>}, {transform_indices = @transform_1, window_bounds = array<i64: 2528, 128>}, {pipeline_mode = #tpu.pipeline_mode<synchronous>, transform_indices = @transform_2, window_bounds = array<i64: 1, 128>}, {pipeline_mode = #tpu.pipeline_mode<synchronous>, transform_indices = @transform_3, window_bounds = array<i64: 1, 128>}, {pipeline_mode = #tpu.pipeline_mode<synchronous>, transform_indices = @transform_4, window_bounds = array<i64: 1, 128>}, {pipeline_mode = #tpu.pipeline_mode<synchronous>, transform_indices = @transform_5, window_bounds = array<i64: 1, 128>}, {pipeline_mode = #tpu.pipeline_mode<synchronous>, transform_indices = @transform_6, window_bounds = array<i64: 128, 256>}, {pipeline_mode = #tpu.pipeline_mode<synchronous>, transform_indices = @transform_7, window_bounds = array<i64: 1, 256>}, {pipeline_mode = #tpu.pipeline_mode<synchronous>, transform_indices = @transform_8, window_bounds = array<i64: 1, 256>}, {pipeline_mode = #tpu.pipeline_mode<synchronous>, transform_indices = @transform_9, window_bounds = array<i64: 1, 256>}, {pipeline_mode = #tpu.pipeline_mode<synchronous>, transform_indices = @transform_10, window_bounds = array<i64: 256, 128>}, {pipeline_mode = #tpu.pipeline_mode<synchronous>, transform_indices = @transform_11, window_bounds = array<i64: 1, 128>}, {pipeline_mode = #tpu.pipeline_mode<synchronous>, transform_indices = @transform_12, window_bounds = array<i64: 128, 256>}, {pipeline_mode = #tpu.pipeline_mode<synchronous>, transform_indices = @transform_13, window_bounds = array<i64: 1, 256>}, {pipeline_mode = #tpu.pipeline_mode<synchronous>, transform_indices = @transform_14, window_bounds = array<i64: 1, 256>}, {pipeline_mode = #tpu.pipeline_mode<synchronous>, transform_indices = @transform_15, window_bounds = array<i64: 1, 256>}, {pipeline_mode = #tpu.pipeline_mode<synchronous>, transform_indices = @transform_16, window_bounds = array<i64: 256, 128>}, {pipeline_mode = #tpu.pipeline_mode<synchronous>, transform_indices = @transform_17, window_bounds = array<i64: 1, 128>}, {pipeline_mode = #tpu.pipeline_mode<synchronous>, transform_indices = @transform_18, window_bounds = array<i64: 128, 128>}, {pipeline_mode = #tpu.pipeline_mode<synchronous>, transform_indices = @transform_19, window_bounds = array<i64: 8, 16>}, {pipeline_mode = #tpu.pipeline_mode<synchronous>, transform_indices = @transform_20, window_bounds = array<i64: 8, 16>}, {transform_indices = @transform_21, window_bounds = array<i64: 2528, 128>}, {transform_indices = @transform_22, window_bounds = array<i64: 2528, 128>}, {transform_indices = @transform_23, window_bounds = array<i64: 2528, 128>}, {transform_indices = @transform_24, window_bounds = array<i64: 2528, 16>}, {transform_indices = @transform_25, window_bounds = array<i64: 2528, 16>}]} {
    %get3A = arith.constant 0 : index
    %get3A_0 = arith.constant 0 : index
    %get3A_1 = vector.load %arg1[%get3A, %get3A_0] : memref<2528x128xf32, #tpu.memory_space<vmem>>, vector<2528x128xf32>
    %get3A_2 = arith.constant 0 : index
    %get3A_3 = arith.constant 0 : index
    %get3A_4 = vector.load %arg3[%get3A_2, %get3A_3] : memref<1x128xf32, #tpu.memory_space<vmem>>, vector<1x128xf32>
    %get3A_5 = arith.constant 0 : index
    %get3A_6 = arith.constant 0 : index
    %get3A_7 = vector.load %arg4[%get3A_5, %get3A_6] : memref<1x128xf32, #tpu.memory_space<vmem>>, vector<1x128xf32>
    %reduce_sum3A = arith.constant dense<0.000000e+00> : vector<2528xf32>
    %reduce_sum3A_8 = vector.multi_reduction <add>, %get3A_1, %reduce_sum3A [1] : vector<2528x128xf32> to vector<2528xf32>
    %broadcast_in_dim3A = vector.shape_cast %reduce_sum3A_8 : vector<2528xf32> to vector<2528x1xf32>
    %div3A = arith.constant 1.280000e+02 : f32
    %div3A_9 = vector.broadcast %div3A : f32 to vector<2528x1xf32>
    %div3A_10 = arith.divf %broadcast_in_dim3A, %div3A_9 : vector<2528x1xf32>
    %sub3A = vector.broadcast %div3A_10 : vector<2528x1xf32> to vector<2528x128xf32>
    %sub3A_11 = arith.subf %get3A_1, %sub3A : vector<2528x128xf32>
    %sub3A_12 = vector.broadcast %div3A_10 : vector<2528x1xf32> to vector<2528x128xf32>
    %sub3A_13 = arith.subf %get3A_1, %sub3A_12 : vector<2528x128xf32>
    %mul3A = arith.mulf %sub3A_11, %sub3A_13 : vector<2528x128xf32>
    %reduce_sum3A_14 = arith.constant dense<0.000000e+00> : vector<2528xf32>
    %reduce_sum3A_15 = vector.multi_reduction <add>, %mul3A, %reduce_sum3A_14 [1] : vector<2528x128xf32> to vector<2528xf32>
    %broadcast_in_dim3A_16 = vector.shape_cast %reduce_sum3A_15 : vector<2528xf32> to vector<2528x1xf32>
    %div3A_17 = arith.constant 1.280000e+02 : f32
    %div3A_18 = vector.broadcast %div3A_17 : f32 to vector<2528x1xf32>
    %div3A_19 = arith.divf %broadcast_in_dim3A_16, %div3A_18 : vector<2528x1xf32>
    %sub3A_20 = vector.broadcast %div3A_10 : vector<2528x1xf32> to vector<2528x128xf32>
    %sub3A_21 = arith.subf %get3A_1, %sub3A_20 : vector<2528x128xf32>
    %add3A = arith.constant 9.99999974E-6 : f32
    %add3A_22 = vector.broadcast %add3A : f32 to vector<2528x1xf32>
    %add3A_23 = arith.addf %div3A_19, %add3A_22 : vector<2528x1xf32>
    %rsqrt3A = math.rsqrt %add3A_23 : vector<2528x1xf32>
    %mul3A_24 = vector.broadcast %rsqrt3A : vector<2528x1xf32> to vector<2528x128xf32>
    %mul3A_25 = arith.mulf %sub3A_21, %mul3A_24 : vector<2528x128xf32>
    %mul3A_26 = vector.broadcast %get3A_4 : vector<1x128xf32> to vector<2528x128xf32>
    %mul3A_27 = arith.mulf %mul3A_25, %mul3A_26 : vector<2528x128xf32>
    %add3A_28 = vector.broadcast %get3A_7 : vector<1x128xf32> to vector<2528x128xf32>
    %add3A_29 = arith.addf %mul3A_27, %add3A_28 : vector<2528x128xf32>
    %get3A_30 = arith.constant 0 : index
    %get3A_31 = arith.constant 0 : index
    %get3A_32 = vector.load %arg2[%get3A_30, %get3A_31] : memref<2528x128xf32, #tpu.memory_space<vmem>>, vector<2528x128xf32>
    %get3A_33 = arith.constant 0 : index
    %get3A_34 = arith.constant 0 : index
    %get3A_35 = vector.load %arg5[%get3A_33, %get3A_34] : memref<1x128xf32, #tpu.memory_space<vmem>>, vector<1x128xf32>
    %get3A_36 = arith.constant 0 : index
    %get3A_37 = arith.constant 0 : index
    %get3A_38 = vector.load %arg6[%get3A_36, %get3A_37] : memref<1x128xf32, #tpu.memory_space<vmem>>, vector<1x128xf32>
    %reduce_sum3A_39 = arith.constant dense<0.000000e+00> : vector<2528xf32>
    %reduce_sum3A_40 = vector.multi_reduction <add>, %get3A_32, %reduce_sum3A_39 [1] : vector<2528x128xf32> to vector<2528xf32>
    %broadcast_in_dim3A_41 = vector.shape_cast %reduce_sum3A_40 : vector<2528xf32> to vector<2528x1xf32>
    %div3A_42 = arith.constant 1.280000e+02 : f32
    %div3A_43 = vector.broadcast %div3A_42 : f32 to vector<2528x1xf32>
    %div3A_44 = arith.divf %broadcast_in_dim3A_41, %div3A_43 : vector<2528x1xf32>
    %sub3A_45 = vector.broadcast %div3A_44 : vector<2528x1xf32> to vector<2528x128xf32>
    %sub3A_46 = arith.subf %get3A_32, %sub3A_45 : vector<2528x128xf32>
    %sub3A_47 = vector.broadcast %div3A_44 : vector<2528x1xf32> to vector<2528x128xf32>
    %sub3A_48 = arith.subf %get3A_32, %sub3A_47 : vector<2528x128xf32>
    %mul3A_49 = arith.mulf %sub3A_46, %sub3A_48 : vector<2528x128xf32>
    %reduce_sum3A_50 = arith.constant dense<0.000000e+00> : vector<2528xf32>
    %reduce_sum3A_51 = vector.multi_reduction <add>, %mul3A_49, %reduce_sum3A_50 [1] : vector<2528x128xf32> to vector<2528xf32>
    %broadcast_in_dim3A_52 = vector.shape_cast %reduce_sum3A_51 : vector<2528xf32> to vector<2528x1xf32>
    %div3A_53 = arith.constant 1.280000e+02 : f32
    %div3A_54 = vector.broadcast %div3A_53 : f32 to vector<2528x1xf32>
    %div3A_55 = arith.divf %broadcast_in_dim3A_52, %div3A_54 : vector<2528x1xf32>
    %sub3A_56 = vector.broadcast %div3A_44 : vector<2528x1xf32> to vector<2528x128xf32>
    %sub3A_57 = arith.subf %get3A_32, %sub3A_56 : vector<2528x128xf32>
    %add3A_58 = arith.constant 9.99999974E-6 : f32
    %add3A_59 = vector.broadcast %add3A_58 : f32 to vector<2528x1xf32>
    %add3A_60 = arith.addf %div3A_55, %add3A_59 : vector<2528x1xf32>
    %rsqrt3A_61 = math.rsqrt %add3A_60 : vector<2528x1xf32>
    %mul3A_62 = vector.broadcast %rsqrt3A_61 : vector<2528x1xf32> to vector<2528x128xf32>
    %mul3A_63 = arith.mulf %sub3A_57, %mul3A_62 : vector<2528x128xf32>
    %mul3A_64 = vector.broadcast %get3A_35 : vector<1x128xf32> to vector<2528x128xf32>
    %mul3A_65 = arith.mulf %mul3A_63, %mul3A_64 : vector<2528x128xf32>
    %add3A_66 = vector.broadcast %get3A_38 : vector<1x128xf32> to vector<2528x128xf32>
    %add3A_67 = arith.addf %mul3A_65, %add3A_66 : vector<2528x128xf32>
    %get3A_68 = arith.constant 0 : index
    %get3A_69 = arith.constant 0 : index
    %get3A_70 = vector.load %arg7[%get3A_68, %get3A_69] : memref<128x256xf32, #tpu.memory_space<vmem>>, vector<128x256xf32>
    %dot_general3A = arith.constant dense<0.000000e+00> : vector<2528x256xf32>
    %dot_general3A_71 = tpu.matmul %add3A_29, %get3A_70, %dot_general3A {dimension_numbers = #tpu.dot_dimension_numbers<[1], [0], [0], [1], [0, 0, 1, 1], [], []>, transpose_lhs_hint = false} : vector<2528x128xf32>, vector<128x256xf32>, vector<2528x256xf32> -> vector<2528x256xf32>
    %get3A_72 = arith.constant 0 : index
    %get3A_73 = arith.constant 0 : index
    %get3A_74 = vector.load %arg8[%get3A_72, %get3A_73] : memref<1x256xf32, #tpu.memory_space<vmem>>, vector<1x256xf32>
    %add3A_75 = vector.broadcast %get3A_74 : vector<1x256xf32> to vector<2528x256xf32>
    %add3A_76 = arith.addf %dot_general3A_71, %add3A_75 : vector<2528x256xf32>
    %mul3A_77 = arith.constant 5.000000e-01 : f32
    %mul3A_78 = vector.broadcast %mul3A_77 : f32 to vector<2528x256xf32>
    %mul3A_79 = arith.mulf %mul3A_78, %add3A_76 : vector<2528x256xf32>
    %mul3A_80 = arith.constant 0.707106769 : f32
    %mul3A_81 = vector.broadcast %mul3A_80 : f32 to vector<2528x256xf32>
    %mul3A_82 = arith.mulf %add3A_76, %mul3A_81 : vector<2528x256xf32>
    %erf3A = math.erf %mul3A_82 : vector<2528x256xf32>
    %add3A_83 = arith.constant 1.000000e+00 : f32
    %add3A_84 = vector.broadcast %add3A_83 : f32 to vector<2528x256xf32>
    %add3A_85 = arith.addf %add3A_84, %erf3A : vector<2528x256xf32>
    %mul3A_86 = arith.mulf %mul3A_79, %add3A_85 : vector<2528x256xf32>
    %get3A_87 = arith.constant 0 : index
    %get3A_88 = arith.constant 0 : index
    %get3A_89 = vector.load %arg9[%get3A_87, %get3A_88] : memref<1x256xf32, #tpu.memory_space<vmem>>, vector<1x256xf32>
    %get3A_90 = arith.constant 0 : index
    %get3A_91 = arith.constant 0 : index
    %get3A_92 = vector.load %arg10[%get3A_90, %get3A_91] : memref<1x256xf32, #tpu.memory_space<vmem>>, vector<1x256xf32>
    %reduce_sum3A_93 = arith.constant dense<0.000000e+00> : vector<2528xf32>
    %reduce_sum3A_94 = vector.multi_reduction <add>, %mul3A_86, %reduce_sum3A_93 [1] : vector<2528x256xf32> to vector<2528xf32>
    %broadcast_in_dim3A_95 = vector.shape_cast %reduce_sum3A_94 : vector<2528xf32> to vector<2528x1xf32>
    %div3A_96 = arith.constant 2.560000e+02 : f32
    %div3A_97 = vector.broadcast %div3A_96 : f32 to vector<2528x1xf32>
    %div3A_98 = arith.divf %broadcast_in_dim3A_95, %div3A_97 : vector<2528x1xf32>
    %sub3A_99 = vector.broadcast %div3A_98 : vector<2528x1xf32> to vector<2528x256xf32>
    %sub3A_100 = arith.subf %mul3A_86, %sub3A_99 : vector<2528x256xf32>
    %sub3A_101 = vector.broadcast %div3A_98 : vector<2528x1xf32> to vector<2528x256xf32>
    %sub3A_102 = arith.subf %mul3A_86, %sub3A_101 : vector<2528x256xf32>
    %mul3A_103 = arith.mulf %sub3A_100, %sub3A_102 : vector<2528x256xf32>
    %reduce_sum3A_104 = arith.constant dense<0.000000e+00> : vector<2528xf32>
    %reduce_sum3A_105 = vector.multi_reduction <add>, %mul3A_103, %reduce_sum3A_104 [1] : vector<2528x256xf32> to vector<2528xf32>
    %broadcast_in_dim3A_106 = vector.shape_cast %reduce_sum3A_105 : vector<2528xf32> to vector<2528x1xf32>
    %div3A_107 = arith.constant 2.560000e+02 : f32
    %div3A_108 = vector.broadcast %div3A_107 : f32 to vector<2528x1xf32>
    %div3A_109 = arith.divf %broadcast_in_dim3A_106, %div3A_108 : vector<2528x1xf32>
    %sub3A_110 = vector.broadcast %div3A_98 : vector<2528x1xf32> to vector<2528x256xf32>
    %sub3A_111 = arith.subf %mul3A_86, %sub3A_110 : vector<2528x256xf32>
    %add3A_112 = arith.constant 9.99999974E-6 : f32
    %add3A_113 = vector.broadcast %add3A_112 : f32 to vector<2528x1xf32>
    %add3A_114 = arith.addf %div3A_109, %add3A_113 : vector<2528x1xf32>
    %rsqrt3A_115 = math.rsqrt %add3A_114 : vector<2528x1xf32>
    %mul3A_116 = vector.broadcast %rsqrt3A_115 : vector<2528x1xf32> to vector<2528x256xf32>
    %mul3A_117 = arith.mulf %sub3A_111, %mul3A_116 : vector<2528x256xf32>
    %mul3A_118 = vector.broadcast %get3A_89 : vector<1x256xf32> to vector<2528x256xf32>
    %mul3A_119 = arith.mulf %mul3A_117, %mul3A_118 : vector<2528x256xf32>
    %add3A_120 = vector.broadcast %get3A_92 : vector<1x256xf32> to vector<2528x256xf32>
    %add3A_121 = arith.addf %mul3A_119, %add3A_120 : vector<2528x256xf32>
    %get3A_122 = arith.constant 0 : index
    %get3A_123 = arith.constant 0 : index
    %get3A_124 = vector.load %arg11[%get3A_122, %get3A_123] : memref<256x128xf32, #tpu.memory_space<vmem>>, vector<256x128xf32>
    %dot_general3A_125 = arith.constant dense<0.000000e+00> : vector<2528x128xf32>
    %dot_general3A_126 = tpu.matmul %add3A_121, %get3A_124, %dot_general3A_125 {dimension_numbers = #tpu.dot_dimension_numbers<[1], [0], [0], [1], [0, 0, 1, 1], [], []>, transpose_lhs_hint = false} : vector<2528x256xf32>, vector<256x128xf32>, vector<2528x128xf32> -> vector<2528x128xf32>
    %get3A_127 = arith.constant 0 : index
    %get3A_128 = arith.constant 0 : index
    %get3A_129 = vector.load %arg12[%get3A_127, %get3A_128] : memref<1x128xf32, #tpu.memory_space<vmem>>, vector<1x128xf32>
    %add3A_130 = vector.broadcast %get3A_129 : vector<1x128xf32> to vector<2528x128xf32>
    %add3A_131 = arith.addf %dot_general3A_126, %add3A_130 : vector<2528x128xf32>
    %get3A_132 = arith.constant 0 : index
    %get3A_133 = arith.constant 0 : index
    %get3A_134 = vector.load %arg13[%get3A_132, %get3A_133] : memref<128x256xf32, #tpu.memory_space<vmem>>, vector<128x256xf32>
    %dot_general3A_135 = arith.constant dense<0.000000e+00> : vector<2528x256xf32>
    %dot_general3A_136 = tpu.matmul %add3A_67, %get3A_134, %dot_general3A_135 {dimension_numbers = #tpu.dot_dimension_numbers<[1], [0], [0], [1], [0, 0, 1, 1], [], []>, transpose_lhs_hint = false} : vector<2528x128xf32>, vector<128x256xf32>, vector<2528x256xf32> -> vector<2528x256xf32>
    %get3A_137 = arith.constant 0 : index
    %get3A_138 = arith.constant 0 : index
    %get3A_139 = vector.load %arg14[%get3A_137, %get3A_138] : memref<1x256xf32, #tpu.memory_space<vmem>>, vector<1x256xf32>
    %add3A_140 = vector.broadcast %get3A_139 : vector<1x256xf32> to vector<2528x256xf32>
    %add3A_141 = arith.addf %dot_general3A_136, %add3A_140 : vector<2528x256xf32>
    %mul3A_142 = arith.constant 5.000000e-01 : f32
    %mul3A_143 = vector.broadcast %mul3A_142 : f32 to vector<2528x256xf32>
    %mul3A_144 = arith.mulf %mul3A_143, %add3A_141 : vector<2528x256xf32>
    %mul3A_145 = arith.constant 0.707106769 : f32
    %mul3A_146 = vector.broadcast %mul3A_145 : f32 to vector<2528x256xf32>
    %mul3A_147 = arith.mulf %add3A_141, %mul3A_146 : vector<2528x256xf32>
    %erf3A_148 = math.erf %mul3A_147 : vector<2528x256xf32>
    %add3A_149 = arith.constant 1.000000e+00 : f32
    %add3A_150 = vector.broadcast %add3A_149 : f32 to vector<2528x256xf32>
    %add3A_151 = arith.addf %add3A_150, %erf3A_148 : vector<2528x256xf32>
    %mul3A_152 = arith.mulf %mul3A_144, %add3A_151 : vector<2528x256xf32>
    %get3A_153 = arith.constant 0 : index
    %get3A_154 = arith.constant 0 : index
    %get3A_155 = vector.load %arg15[%get3A_153, %get3A_154] : memref<1x256xf32, #tpu.memory_space<vmem>>, vector<1x256xf32>
    %get3A_156 = arith.constant 0 : index
    %get3A_157 = arith.constant 0 : index
    %get3A_158 = vector.load %arg16[%get3A_156, %get3A_157] : memref<1x256xf32, #tpu.memory_space<vmem>>, vector<1x256xf32>
    %reduce_sum3A_159 = arith.constant dense<0.000000e+00> : vector<2528xf32>
    %reduce_sum3A_160 = vector.multi_reduction <add>, %mul3A_152, %reduce_sum3A_159 [1] : vector<2528x256xf32> to vector<2528xf32>
    %broadcast_in_dim3A_161 = vector.shape_cast %reduce_sum3A_160 : vector<2528xf32> to vector<2528x1xf32>
    %div3A_162 = arith.constant 2.560000e+02 : f32
    %div3A_163 = vector.broadcast %div3A_162 : f32 to vector<2528x1xf32>
    %div3A_164 = arith.divf %broadcast_in_dim3A_161, %div3A_163 : vector<2528x1xf32>
    %sub3A_165 = vector.broadcast %div3A_164 : vector<2528x1xf32> to vector<2528x256xf32>
    %sub3A_166 = arith.subf %mul3A_152, %sub3A_165 : vector<2528x256xf32>
    %sub3A_167 = vector.broadcast %div3A_164 : vector<2528x1xf32> to vector<2528x256xf32>
    %sub3A_168 = arith.subf %mul3A_152, %sub3A_167 : vector<2528x256xf32>
    %mul3A_169 = arith.mulf %sub3A_166, %sub3A_168 : vector<2528x256xf32>
    %reduce_sum3A_170 = arith.constant dense<0.000000e+00> : vector<2528xf32>
    %reduce_sum3A_171 = vector.multi_reduction <add>, %mul3A_169, %reduce_sum3A_170 [1] : vector<2528x256xf32> to vector<2528xf32>
    %broadcast_in_dim3A_172 = vector.shape_cast %reduce_sum3A_171 : vector<2528xf32> to vector<2528x1xf32>
    %div3A_173 = arith.constant 2.560000e+02 : f32
    %div3A_174 = vector.broadcast %div3A_173 : f32 to vector<2528x1xf32>
    %div3A_175 = arith.divf %broadcast_in_dim3A_172, %div3A_174 : vector<2528x1xf32>
    %sub3A_176 = vector.broadcast %div3A_164 : vector<2528x1xf32> to vector<2528x256xf32>
    %sub3A_177 = arith.subf %mul3A_152, %sub3A_176 : vector<2528x256xf32>
    %add3A_178 = arith.constant 9.99999974E-6 : f32
    %add3A_179 = vector.broadcast %add3A_178 : f32 to vector<2528x1xf32>
    %add3A_180 = arith.addf %div3A_175, %add3A_179 : vector<2528x1xf32>
    %rsqrt3A_181 = math.rsqrt %add3A_180 : vector<2528x1xf32>
    %mul3A_182 = vector.broadcast %rsqrt3A_181 : vector<2528x1xf32> to vector<2528x256xf32>
    %mul3A_183 = arith.mulf %sub3A_177, %mul3A_182 : vector<2528x256xf32>
    %mul3A_184 = vector.broadcast %get3A_155 : vector<1x256xf32> to vector<2528x256xf32>
    %mul3A_185 = arith.mulf %mul3A_183, %mul3A_184 : vector<2528x256xf32>
    %add3A_186 = vector.broadcast %get3A_158 : vector<1x256xf32> to vector<2528x256xf32>
    %add3A_187 = arith.addf %mul3A_185, %add3A_186 : vector<2528x256xf32>
    %get3A_188 = arith.constant 0 : index
    %get3A_189 = arith.constant 0 : index
    %get3A_190 = vector.load %arg17[%get3A_188, %get3A_189] : memref<256x128xf32, #tpu.memory_space<vmem>>, vector<256x128xf32>
    %dot_general3A_191 = arith.constant dense<0.000000e+00> : vector<2528x128xf32>
    %dot_general3A_192 = tpu.matmul %add3A_187, %get3A_190, %dot_general3A_191 {dimension_numbers = #tpu.dot_dimension_numbers<[1], [0], [0], [1], [0, 0, 1, 1], [], []>, transpose_lhs_hint = false} : vector<2528x256xf32>, vector<256x128xf32>, vector<2528x128xf32> -> vector<2528x128xf32>
    %get3A_193 = arith.constant 0 : index
    %get3A_194 = arith.constant 0 : index
    %get3A_195 = vector.load %arg18[%get3A_193, %get3A_194] : memref<1x128xf32, #tpu.memory_space<vmem>>, vector<1x128xf32>
    %add3A_196 = vector.broadcast %get3A_195 : vector<1x128xf32> to vector<2528x128xf32>
    %add3A_197 = arith.addf %dot_general3A_192, %add3A_196 : vector<2528x128xf32>
    %get3A_198 = arith.constant 0 : index
    %get3A_199 = arith.constant 0 : index
    %get3A_200 = vector.load %arg19[%get3A_198, %get3A_199] : memref<128x128xf32, #tpu.memory_space<vmem>>, vector<128x128xf32>
    %dot_general3A_201 = arith.constant dense<0.000000e+00> : vector<2528x128xf32>
    %dot_general3A_202 = tpu.matmul %add3A_131, %get3A_200, %dot_general3A_201 {dimension_numbers = #tpu.dot_dimension_numbers<[1], [0], [0], [1], [0, 0, 1, 1], [], []>, transpose_lhs_hint = false} : vector<2528x128xf32>, vector<128x128xf32>, vector<2528x128xf32> -> vector<2528x128xf32>
    %reshape3A = vector.shape_cast %dot_general3A_202 : vector<2528x128xf32> to vector<2528x8x16xf32>
    %get3A_203 = arith.constant 0 : index
    %get3A_204 = arith.constant 0 : index
    %get3A_205 = vector.load %arg20[%get3A_203, %get3A_204] : memref<8x16xf32, #tpu.memory_space<vmem>>, vector<8x16xf32>
    %broadcast_in_dim3A_206 = vector.shape_cast %get3A_205 : vector<8x16xf32> to vector<1x8x16xf32>
    %mul3A_207 = vector.broadcast %broadcast_in_dim3A_206 : vector<1x8x16xf32> to vector<2528x8x16xf32>
    %mul3A_208 = arith.mulf %reshape3A, %mul3A_207 : vector<2528x8x16xf32>
    %reduce_sum3A_209 = arith.constant dense<0.000000e+00> : vector<2528x8xf32>
    %reduce_sum3A_210 = vector.multi_reduction <add>, %mul3A_208, %reduce_sum3A_209 [2] : vector<2528x8x16xf32> to vector<2528x8xf32>
    %get3A_211 = arith.constant 0 : index
    %get3A_212 = arith.constant 0 : index
    %get3A_213 = vector.load %arg21[%get3A_211, %get3A_212] : memref<8x16xf32, #tpu.memory_space<vmem>>, vector<8x16xf32>
    %broadcast_in_dim3A_214 = vector.shape_cast %get3A_213 : vector<8x16xf32> to vector<1x8x16xf32>
    %mul3A_215 = vector.broadcast %broadcast_in_dim3A_214 : vector<1x8x16xf32> to vector<2528x8x16xf32>
    %mul3A_216 = arith.mulf %reshape3A, %mul3A_215 : vector<2528x8x16xf32>
    %reduce_sum3A_217 = arith.constant dense<0.000000e+00> : vector<2528x8xf32>
    %reduce_sum3A_218 = vector.multi_reduction <add>, %mul3A_216, %reduce_sum3A_217 [2] : vector<2528x8x16xf32> to vector<2528x8xf32>
    %swap3A = arith.constant 0 : index
    %swap3A_219 = arith.constant 0 : index
    %swap3A_220 = vector.load %arg22[%swap3A, %swap3A_219] : memref<2528x128xf32, #tpu.memory_space<vmem>>, vector<2528x128xf32>
    tpu.vector_store %arg22[%swap3A, %swap3A_219], %add3A_131 {strides = array<i32>} : memref<2528x128xf32, #tpu.memory_space<vmem>>, vector<2528x128xf32>,
    %swap3A_221 = arith.constant 0 : index
    %swap3A_222 = arith.constant 0 : index
    %swap3A_223 = vector.load %arg23[%swap3A_221, %swap3A_222] : memref<2528x128xf32, #tpu.memory_space<vmem>>, vector<2528x128xf32>
    tpu.vector_store %arg23[%swap3A_221, %swap3A_222], %add3A_197 {strides = array<i32>} : memref<2528x128xf32, #tpu.memory_space<vmem>>, vector<2528x128xf32>,
    %swap3A_224 = arith.constant 0 : index
    %swap3A_225 = arith.constant 0 : index
    %swap3A_226 = vector.load %arg24[%swap3A_224, %swap3A_225] : memref<2528x128xf32, #tpu.memory_space<vmem>>, vector<2528x128xf32>
    tpu.vector_store %arg24[%swap3A_224, %swap3A_225], %dot_general3A_202 {strides = array<i32>} : memref<2528x128xf32, #tpu.memory_space<vmem>>, vector<2528x128xf32>,
    %concatenate3A = tpu.concatenate %reduce_sum3A_210, %reduce_sum3A_218 in 1 : vector<2528x8xf32>, vector<2528x8xf32> -> vector<2528x16xf32>
    %swap3A_227 = arith.constant 0 : index
    %swap3A_228 = arith.constant 0 : index
    %swap3A_229 = vector.load %arg25[%swap3A_227, %swap3A_228] : memref<2528x16xf32, #tpu.memory_space<vmem>>, vector<2528x16xf32>
    tpu.vector_store %arg25[%swap3A_227, %swap3A_228], %concatenate3A {strides = array<i32>} : memref<2528x16xf32, #tpu.memory_space<vmem>>, vector<2528x16xf32>,
    %concatenate3A_230 = tpu.concatenate %reduce_sum3A_218, %reduce_sum3A_210 in 1 : vector<2528x8xf32>, vector<2528x8xf32> -> vector<2528x16xf32>
    %swap3A_231 = arith.constant 0 : index
    %swap3A_232 = arith.constant 0 : index
    %swap3A_233 = vector.load %arg26[%swap3A_231, %swap3A_232] : memref<2528x16xf32, #tpu.memory_space<vmem>>, vector<2528x16xf32>
    tpu.vector_store %arg26[%swap3A_231, %swap3A_232], %concatenate3A_230 {strides = array<i32>} : memref<2528x16xf32, #tpu.memory_space<vmem>>, vector<2528x16xf32>,
    return
  }
  func.func @transform_0(%arg0: i32) -> (i32, i32) {
    %c0_i32 = arith.constant 0 : i32
    %c0_i32_0 = arith.constant 0 : i32
    return %arg0, %c0_i32 : i32, i32
  }
  func.func @transform_1(%arg0: i32) -> (i32, i32) {
    %c0_i32 = arith.constant 0 : i32
    %c0_i32_0 = arith.constant 0 : i32
    return %arg0, %c0_i32 : i32, i32
  }
  func.func @transform_2(%arg0: i32) -> (i32, i32) {
    %c0_i32 = arith.constant 0 : i32
    %c0_i32_0 = arith.constant 0 : i32
    %c0_i32_1 = arith.constant 0 : i32
    return %c0_i32, %c0_i32_0 : i32, i32
  }
  func.func @transform_3(%arg0: i32) -> (i32, i32) {
    %c0_i32 = arith.constant 0 : i32
    %c0_i32_0 = arith.constant 0 : i32
    %c0_i32_1 = arith.constant 0 : i32
    return %c0_i32, %c0_i32_0 : i32, i32
  }
  func.func @transform_4(%arg0: i32) -> (i32, i32) {
    %c0_i32 = arith.constant 0 : i32
    %c0_i32_0 = arith.constant 0 : i32
    %c0_i32_1 = arith.constant 0 : i32
    return %c0_i32, %c0_i32_0 : i32, i32
  }
  func.func @transform_5(%arg0: i32) -> (i32, i32) {
    %c0_i32 = arith.constant 0 : i32
    %c0_i32_0 = arith.constant 0 : i32
    %c0_i32_1 = arith.constant 0 : i32
    return %c0_i32, %c0_i32_0 : i32, i32
  }
  func.func @transform_6(%arg0: i32) -> (i32, i32) {
    %c0_i32 = arith.constant 0 : i32
    %c0_i32_0 = arith.constant 0 : i32
    %c0_i32_1 = arith.constant 0 : i32
    return %c0_i32, %c0_i32_0 : i32, i32
  }
  func.func @transform_7(%arg0: i32) -> (i32, i32) {
    %c0_i32 = arith.constant 0 : i32
    %c0_i32_0 = arith.constant 0 : i32
    %c0_i32_1 = arith.constant 0 : i32
    return %c0_i32, %c0_i32_0 : i32, i32
  }
  func.func @transform_8(%arg0: i32) -> (i32, i32) {
    %c0_i32 = arith.constant 0 : i32
    %c0_i32_0 = arith.constant 0 : i32
    %c0_i32_1 = arith.constant 0 : i32
    return %c0_i32, %c0_i32_0 : i32, i32
  }
  func.func @transform_9(%arg0: i32) -> (i32, i32) {
    %c0_i32 = arith.constant 0 : i32
    %c0_i32_0 = arith.constant 0 : i32
    %c0_i32_1 = arith.constant 0 : i32
    return %c0_i32, %c0_i32_0 : i32, i32
  }
  func.func @transform_10(%arg0: i32) -> (i32, i32) {
    %c0_i32 = arith.constant 0 : i32
    %c0_i32_0 = arith.constant 0 : i32
    %c0_i32_1 = arith.constant 0 : i32
    return %c0_i32, %c0_i32_0 : i32, i32
  }
  func.func @transform_11(%arg0: i32) -> (i32, i32) {
    %c0_i32 = arith.constant 0 : i32
    %c0_i32_0 = arith.constant 0 : i32
    %c0_i32_1 = arith.constant 0 : i32
    return %c0_i32, %c0_i32_0 : i32, i32
  }
  func.func @transform_12(%arg0: i32) -> (i32, i32) {
    %c0_i32 = arith.constant 0 : i32
    %c0_i32_0 = arith.constant 0 : i32
    %c0_i32_1 = arith.constant 0 : i32
    return %c0_i32, %c0_i32_0 : i32, i32
  }
  func.func @transform_13(%arg0: i32) -> (i32, i32) {
    %c0_i32 = arith.constant 0 : i32
    %c0_i32_0 = arith.constant 0 : i32
    %c0_i32_1 = arith.constant 0 : i32
    return %c0_i32, %c0_i32_0 : i32, i32
  }
  func.func @transform_14(%arg0: i32) -> (i32, i32) {
    %c0_i32 = arith.constant 0 : i32
    %c0_i32_0 = arith.constant 0 : i32
    %c0_i32_1 = arith.constant 0 : i32
    return %c0_i32, %c0_i32_0 : i32, i32
  }
  func.func @transform_15(%arg0: i32) -> (i32, i32) {
    %c0_i32 = arith.constant 0 : i32
    %c0_i32_0 = arith.constant 0 : i32
    %c0_i32_1 = arith.constant 0 : i32
    return %c0_i32, %c0_i32_0 : i32, i32
  }
  func.func @transform_16(%arg0: i32) -> (i32, i32) {
    %c0_i32 = arith.constant 0 : i32
    %c0_i32_0 = arith.constant 0 : i32
    %c0_i32_1 = arith.constant 0 : i32
    return %c0_i32, %c0_i32_0 : i32, i32
  }
  func.func @transform_17(%arg0: i32) -> (i32, i32) {
    %c0_i32 = arith.constant 0 : i32
    %c0_i32_0 = arith.constant 0 : i32
    %c0_i32_1 = arith.constant 0 : i32
    return %c0_i32, %c0_i32_0 : i32, i32
  }
  func.func @transform_18(%arg0: i32) -> (i32, i32) {
    %c0_i32 = arith.constant 0 : i32
    %c0_i32_0 = arith.constant 0 : i32
    %c0_i32_1 = arith.constant 0 : i32
    return %c0_i32, %c0_i32_0 : i32, i32
  }
  func.func @transform_19(%arg0: i32) -> (i32, i32) {
    %c0_i32 = arith.constant 0 : i32
    %c0_i32_0 = arith.constant 0 : i32
    %c0_i32_1 = arith.constant 0 : i32
    return %c0_i32, %c0_i32_0 : i32, i32
  }
  func.func @transform_20(%arg0: i32) -> (i32, i32) {
    %c0_i32 = arith.constant 0 : i32
    %c0_i32_0 = arith.constant 0 : i32
    %c0_i32_1 = arith.constant 0 : i32
    return %c0_i32, %c0_i32_0 : i32, i32
  }
  func.func @transform_21(%arg0: i32) -> (i32, i32) {
    %c0_i32 = arith.constant 0 : i32
    %c0_i32_0 = arith.constant 0 : i32
    return %arg0, %c0_i32 : i32, i32
  }
  func.func @transform_22(%arg0: i32) -> (i32, i32) {
    %c0_i32 = arith.constant 0 : i32
    %c0_i32_0 = arith.constant 0 : i32
    return %arg0, %c0_i32 : i32, i32
  }
  func.func @transform_23(%arg0: i32) -> (i32, i32) {
    %c0_i32 = arith.constant 0 : i32
    %c0_i32_0 = arith.constant 0 : i32
    return %arg0, %c0_i32 : i32, i32
  }
  func.func @transform_24(%arg0: i32) -> (i32, i32) {
    %c0_i32 = arith.constant 0 : i32
    %c0_i32_0 = arith.constant 0 : i32
    return %arg0, %c0_i32 : i32, i32
  }
  func.func @transform_25(%arg0: i32) -> (i32, i32) {
    %c0_i32 = arith.constant 0 : i32
    %c0_i32_0 = arith.constant 0 : i32
    return %arg0, %c0_i32 : i32, i32
  }
}

module attributes {stable_mosaic.version = 14 : i64} {
  func.func @_t2_body(%arg0: i32, %arg1: memref<2528x128xf32, #tpu.memory_space<vmem>>, %arg2: memref<2528x128xf32, #tpu.memory_space<vmem>>, %arg3: memref<2528x128xf32, #tpu.memory_space<vmem>>, %arg4: memref<2528x128xf32, #tpu.memory_space<vmem>>, %arg5: memref<2528x128xf32, #tpu.memory_space<vmem>>, %arg6: memref<2528x128xf32, #tpu.memory_space<vmem>>, %arg7: memref<1x128xf32, #tpu.memory_space<vmem>>, %arg8: memref<1x128xf32, #tpu.memory_space<vmem>>, %arg9: memref<1x128xf32, #tpu.memory_space<vmem>>, %arg10: memref<128x128xf32, #tpu.memory_space<vmem>>, %arg11: memref<1x128xf32, #tpu.memory_space<vmem>>, %arg12: memref<128x128xf32, #tpu.memory_space<vmem>>, %arg13: memref<1x128xf32, #tpu.memory_space<vmem>>, %arg14: memref<1x128xf32, #tpu.memory_space<vmem>>, %arg15: memref<128x128xf32, #tpu.memory_space<vmem>>, %arg16: memref<2528x128xf32, #tpu.memory_space<vmem>>, %arg17: memref<2528x128xf32, #tpu.memory_space<vmem>>, %arg18: memref<2528x128xf32, #tpu.memory_space<vmem>>) attributes {dimension_semantics = [#tpu.dimension_semantics<arbitrary>], iteration_bounds = array<i64: 4>, scalar_prefetch = 0 : i64, scratch_operands = 0 : i64, tpu.core_type = #tpu.core_type<tc>, window_params = [{transform_indices = @transform_0, window_bounds = array<i64: 2528, 128>}, {transform_indices = @transform_1, window_bounds = array<i64: 2528, 128>}, {transform_indices = @transform_2, window_bounds = array<i64: 2528, 128>}, {transform_indices = @transform_3, window_bounds = array<i64: 2528, 128>}, {transform_indices = @transform_4, window_bounds = array<i64: 2528, 128>}, {transform_indices = @transform_5, window_bounds = array<i64: 2528, 128>}, {pipeline_mode = #tpu.pipeline_mode<synchronous>, transform_indices = @transform_6, window_bounds = array<i64: 1, 128>}, {pipeline_mode = #tpu.pipeline_mode<synchronous>, transform_indices = @transform_7, window_bounds = array<i64: 1, 128>}, {pipeline_mode = #tpu.pipeline_mode<synchronous>, transform_indices = @transform_8, window_bounds = array<i64: 1, 128>}, {pipeline_mode = #tpu.pipeline_mode<synchronous>, transform_indices = @transform_9, window_bounds = array<i64: 128, 128>}, {pipeline_mode = #tpu.pipeline_mode<synchronous>, transform_indices = @transform_10, window_bounds = array<i64: 1, 128>}, {pipeline_mode = #tpu.pipeline_mode<synchronous>, transform_indices = @transform_11, window_bounds = array<i64: 128, 128>}, {pipeline_mode = #tpu.pipeline_mode<synchronous>, transform_indices = @transform_12, window_bounds = array<i64: 1, 128>}, {pipeline_mode = #tpu.pipeline_mode<synchronous>, transform_indices = @transform_13, window_bounds = array<i64: 1, 128>}, {pipeline_mode = #tpu.pipeline_mode<synchronous>, transform_indices = @transform_14, window_bounds = array<i64: 128, 128>}, {transform_indices = @transform_15, window_bounds = array<i64: 2528, 128>}, {transform_indices = @transform_16, window_bounds = array<i64: 2528, 128>}, {transform_indices = @transform_17, window_bounds = array<i64: 2528, 128>}]} {
    %get3A = arith.constant 0 : index
    %get3A_0 = arith.constant 0 : index
    %get3A_1 = vector.load %arg3[%get3A, %get3A_0] : memref<2528x128xf32, #tpu.memory_space<vmem>>, vector<2528x128xf32>
    %get3A_2 = arith.constant 0 : index
    %get3A_3 = arith.constant 0 : index
    %get3A_4 = vector.load %arg4[%get3A_2, %get3A_3] : memref<2528x128xf32, #tpu.memory_space<vmem>>, vector<2528x128xf32>
    %slice3A = vector.extract_strided_slice %get3A_4 {offsets = [0, 0], sizes = [2528, 8], strides = [1, 1]} : vector<2528x128xf32> to vector<2528x8xf32>
    %reshape3A = vector.shape_cast %get3A_1 : vector<2528x128xf32> to vector<2528x8x16xf32>
    %broadcast_in_dim3A = vector.shape_cast %slice3A : vector<2528x8xf32> to vector<2528x8x1xf32>
    %add3A = arith.constant 1.000000e-16 : f32
    %add3A_5 = vector.broadcast %add3A : f32 to vector<2528x8x1xf32>
    %add3A_6 = arith.addf %broadcast_in_dim3A, %add3A_5 : vector<2528x8x1xf32>
    %div3A = vector.broadcast %add3A_6 : vector<2528x8x1xf32> to vector<2528x8x16xf32>
    %div3A_7 = arith.divf %reshape3A, %div3A : vector<2528x8x16xf32>
    %reshape3A_8 = vector.shape_cast %div3A_7 : vector<2528x8x16xf32> to vector<2528x128xf32>
    %get3A_9 = arith.constant 0 : index
    %get3A_10 = arith.constant 0 : index
    %get3A_11 = vector.load %arg7[%get3A_9, %get3A_10] : memref<1x128xf32, #tpu.memory_space<vmem>>, vector<1x128xf32>
    %add3A_12 = vector.broadcast %get3A_11 : vector<1x128xf32> to vector<2528x128xf32>
    %add3A_13 = arith.addf %reshape3A_8, %add3A_12 : vector<2528x128xf32>
    %get3A_14 = arith.constant 0 : index
    %get3A_15 = arith.constant 0 : index
    %get3A_16 = vector.load %arg8[%get3A_14, %get3A_15] : memref<1x128xf32, #tpu.memory_space<vmem>>, vector<1x128xf32>
    %get3A_17 = arith.constant 0 : index
    %get3A_18 = arith.constant 0 : index
    %get3A_19 = vector.load %arg9[%get3A_17, %get3A_18] : memref<1x128xf32, #tpu.memory_space<vmem>>, vector<1x128xf32>
    %reduce_sum3A = arith.constant dense<0.000000e+00> : vector<2528xf32>
    %reduce_sum3A_20 = vector.multi_reduction <add>, %add3A_13, %reduce_sum3A [1] : vector<2528x128xf32> to vector<2528xf32>
    %broadcast_in_dim3A_21 = vector.shape_cast %reduce_sum3A_20 : vector<2528xf32> to vector<2528x1xf32>
    %div3A_22 = arith.constant 1.280000e+02 : f32
    %div3A_23 = vector.broadcast %div3A_22 : f32 to vector<2528x1xf32>
    %div3A_24 = arith.divf %broadcast_in_dim3A_21, %div3A_23 : vector<2528x1xf32>
    %sub3A = vector.broadcast %div3A_24 : vector<2528x1xf32> to vector<2528x128xf32>
    %sub3A_25 = arith.subf %add3A_13, %sub3A : vector<2528x128xf32>
    %sub3A_26 = vector.broadcast %div3A_24 : vector<2528x1xf32> to vector<2528x128xf32>
    %sub3A_27 = arith.subf %add3A_13, %sub3A_26 : vector<2528x128xf32>
    %mul3A = arith.mulf %sub3A_25, %sub3A_27 : vector<2528x128xf32>
    %reduce_sum3A_28 = arith.constant dense<0.000000e+00> : vector<2528xf32>
    %reduce_sum3A_29 = vector.multi_reduction <add>, %mul3A, %reduce_sum3A_28 [1] : vector<2528x128xf32> to vector<2528xf32>
    %broadcast_in_dim3A_30 = vector.shape_cast %reduce_sum3A_29 : vector<2528xf32> to vector<2528x1xf32>
    %div3A_31 = arith.constant 1.280000e+02 : f32
    %div3A_32 = vector.broadcast %div3A_31 : f32 to vector<2528x1xf32>
    %div3A_33 = arith.divf %broadcast_in_dim3A_30, %div3A_32 : vector<2528x1xf32>
    %sub3A_34 = vector.broadcast %div3A_24 : vector<2528x1xf32> to vector<2528x128xf32>
    %sub3A_35 = arith.subf %add3A_13, %sub3A_34 : vector<2528x128xf32>
    %add3A_36 = arith.constant 9.99999974E-6 : f32
    %add3A_37 = vector.broadcast %add3A_36 : f32 to vector<2528x1xf32>
    %add3A_38 = arith.addf %div3A_33, %add3A_37 : vector<2528x1xf32>
    %rsqrt3A = math.rsqrt %add3A_38 : vector<2528x1xf32>
    %mul3A_39 = vector.broadcast %rsqrt3A : vector<2528x1xf32> to vector<2528x128xf32>
    %mul3A_40 = arith.mulf %sub3A_35, %mul3A_39 : vector<2528x128xf32>
    %mul3A_41 = vector.broadcast %get3A_16 : vector<1x128xf32> to vector<2528x128xf32>
    %mul3A_42 = arith.mulf %mul3A_40, %mul3A_41 : vector<2528x128xf32>
    %add3A_43 = vector.broadcast %get3A_19 : vector<1x128xf32> to vector<2528x128xf32>
    %add3A_44 = arith.addf %mul3A_42, %add3A_43 : vector<2528x128xf32>
    %mul3A_45 = arith.constant 5.000000e-01 : f32
    %mul3A_46 = vector.broadcast %mul3A_45 : f32 to vector<2528x128xf32>
    %mul3A_47 = arith.mulf %mul3A_46, %add3A_44 : vector<2528x128xf32>
    %mul3A_48 = arith.constant 0.707106769 : f32
    %mul3A_49 = vector.broadcast %mul3A_48 : f32 to vector<2528x128xf32>
    %mul3A_50 = arith.mulf %add3A_44, %mul3A_49 : vector<2528x128xf32>
    %erf3A = math.erf %mul3A_50 : vector<2528x128xf32>
    %add3A_51 = arith.constant 1.000000e+00 : f32
    %add3A_52 = vector.broadcast %add3A_51 : f32 to vector<2528x128xf32>
    %add3A_53 = arith.addf %add3A_52, %erf3A : vector<2528x128xf32>
    %mul3A_54 = arith.mulf %mul3A_47, %add3A_53 : vector<2528x128xf32>
    %get3A_55 = arith.constant 0 : index
    %get3A_56 = arith.constant 0 : index
    %get3A_57 = vector.load %arg1[%get3A_55, %get3A_56] : memref<2528x128xf32, #tpu.memory_space<vmem>>, vector<2528x128xf32>
    %add3A_58 = arith.addf %mul3A_54, %get3A_57 : vector<2528x128xf32>
    %get3A_59 = arith.constant 0 : index
    %get3A_60 = arith.constant 0 : index
    %get3A_61 = vector.load %arg5[%get3A_59, %get3A_60] : memref<2528x128xf32, #tpu.memory_space<vmem>>, vector<2528x128xf32>
    %get3A_62 = arith.constant 0 : index
    %get3A_63 = arith.constant 0 : index
    %get3A_64 = vector.load %arg6[%get3A_62, %get3A_63] : memref<2528x128xf32, #tpu.memory_space<vmem>>, vector<2528x128xf32>
    %slice3A_65 = vector.extract_strided_slice %get3A_64 {offsets = [0, 0], sizes = [2528, 1], strides = [1, 1]} : vector<2528x128xf32> to vector<2528x1xf32>
    %max3A = arith.constant 1.000000e+00 : f32
    %max3A_66 = vector.broadcast %max3A : f32 to vector<2528x1xf32>
    %max3A_67 = arith.maximumf %slice3A_65, %max3A_66 : vector<2528x1xf32>
    %div3A_68 = vector.broadcast %max3A_67 : vector<2528x1xf32> to vector<2528x128xf32>
    %div3A_69 = arith.divf %get3A_61, %div3A_68 : vector<2528x128xf32>
    %get3A_70 = arith.constant 0 : index
    %get3A_71 = arith.constant 0 : index
    %get3A_72 = vector.load %arg10[%get3A_70, %get3A_71] : memref<128x128xf32, #tpu.memory_space<vmem>>, vector<128x128xf32>
    %dot_general3A = arith.constant dense<0.000000e+00> : vector<2528x128xf32>
    %dot_general3A_73 = tpu.matmul %div3A_69, %get3A_72, %dot_general3A {dimension_numbers = #tpu.dot_dimension_numbers<[1], [0], [0], [1], [0, 0, 1, 1], [], []>, transpose_lhs_hint = false} : vector<2528x128xf32>, vector<128x128xf32>, vector<2528x128xf32> -> vector<2528x128xf32>
    %get3A_74 = arith.constant 0 : index
    %get3A_75 = arith.constant 0 : index
    %get3A_76 = vector.load %arg11[%get3A_74, %get3A_75] : memref<1x128xf32, #tpu.memory_space<vmem>>, vector<1x128xf32>
    %add3A_77 = vector.broadcast %get3A_76 : vector<1x128xf32> to vector<2528x128xf32>
    %add3A_78 = arith.addf %dot_general3A_73, %add3A_77 : vector<2528x128xf32>
    %get3A_79 = arith.constant 0 : index
    %get3A_80 = arith.constant 0 : index
    %get3A_81 = vector.load %arg2[%get3A_79, %get3A_80] : memref<2528x128xf32, #tpu.memory_space<vmem>>, vector<2528x128xf32>
    %get3A_82 = arith.constant 0 : index
    %get3A_83 = arith.constant 0 : index
    %get3A_84 = vector.load %arg12[%get3A_82, %get3A_83] : memref<128x128xf32, #tpu.memory_space<vmem>>, vector<128x128xf32>
    %dot_general3A_85 = arith.constant dense<0.000000e+00> : vector<2528x128xf32>
    %dot_general3A_86 = tpu.matmul %get3A_81, %get3A_84, %dot_general3A_85 {dimension_numbers = #tpu.dot_dimension_numbers<[1], [0], [0], [1], [0, 0, 1, 1], [], []>, transpose_lhs_hint = false} : vector<2528x128xf32>, vector<128x128xf32>, vector<2528x128xf32> -> vector<2528x128xf32>
    %add3A_87 = arith.addf %add3A_78, %dot_general3A_86 : vector<2528x128xf32>
    %get3A_88 = arith.constant 0 : index
    %get3A_89 = arith.constant 0 : index
    %get3A_90 = vector.load %arg13[%get3A_88, %get3A_89] : memref<1x128xf32, #tpu.memory_space<vmem>>, vector<1x128xf32>
    %get3A_91 = arith.constant 0 : index
    %get3A_92 = arith.constant 0 : index
    %get3A_93 = vector.load %arg14[%get3A_91, %get3A_92] : memref<1x128xf32, #tpu.memory_space<vmem>>, vector<1x128xf32>
    %reduce_sum3A_94 = arith.constant dense<0.000000e+00> : vector<2528xf32>
    %reduce_sum3A_95 = vector.multi_reduction <add>, %add3A_87, %reduce_sum3A_94 [1] : vector<2528x128xf32> to vector<2528xf32>
    %broadcast_in_dim3A_96 = vector.shape_cast %reduce_sum3A_95 : vector<2528xf32> to vector<2528x1xf32>
    %div3A_97 = arith.constant 1.280000e+02 : f32
    %div3A_98 = vector.broadcast %div3A_97 : f32 to vector<2528x1xf32>
    %div3A_99 = arith.divf %broadcast_in_dim3A_96, %div3A_98 : vector<2528x1xf32>
    %sub3A_100 = vector.broadcast %div3A_99 : vector<2528x1xf32> to vector<2528x128xf32>
    %sub3A_101 = arith.subf %add3A_87, %sub3A_100 : vector<2528x128xf32>
    %sub3A_102 = vector.broadcast %div3A_99 : vector<2528x1xf32> to vector<2528x128xf32>
    %sub3A_103 = arith.subf %add3A_87, %sub3A_102 : vector<2528x128xf32>
    %mul3A_104 = arith.mulf %sub3A_101, %sub3A_103 : vector<2528x128xf32>
    %reduce_sum3A_105 = arith.constant dense<0.000000e+00> : vector<2528xf32>
    %reduce_sum3A_106 = vector.multi_reduction <add>, %mul3A_104, %reduce_sum3A_105 [1] : vector<2528x128xf32> to vector<2528xf32>
    %broadcast_in_dim3A_107 = vector.shape_cast %reduce_sum3A_106 : vector<2528xf32> to vector<2528x1xf32>
    %div3A_108 = arith.constant 1.280000e+02 : f32
    %div3A_109 = vector.broadcast %div3A_108 : f32 to vector<2528x1xf32>
    %div3A_110 = arith.divf %broadcast_in_dim3A_107, %div3A_109 : vector<2528x1xf32>
    %sub3A_111 = vector.broadcast %div3A_99 : vector<2528x1xf32> to vector<2528x128xf32>
    %sub3A_112 = arith.subf %add3A_87, %sub3A_111 : vector<2528x128xf32>
    %add3A_113 = arith.constant 9.99999974E-6 : f32
    %add3A_114 = vector.broadcast %add3A_113 : f32 to vector<2528x1xf32>
    %add3A_115 = arith.addf %div3A_110, %add3A_114 : vector<2528x1xf32>
    %rsqrt3A_116 = math.rsqrt %add3A_115 : vector<2528x1xf32>
    %mul3A_117 = vector.broadcast %rsqrt3A_116 : vector<2528x1xf32> to vector<2528x128xf32>
    %mul3A_118 = arith.mulf %sub3A_112, %mul3A_117 : vector<2528x128xf32>
    %mul3A_119 = vector.broadcast %get3A_90 : vector<1x128xf32> to vector<2528x128xf32>
    %mul3A_120 = arith.mulf %mul3A_118, %mul3A_119 : vector<2528x128xf32>
    %add3A_121 = vector.broadcast %get3A_93 : vector<1x128xf32> to vector<2528x128xf32>
    %add3A_122 = arith.addf %mul3A_120, %add3A_121 : vector<2528x128xf32>
    %mul3A_123 = arith.constant 5.000000e-01 : f32
    %mul3A_124 = vector.broadcast %mul3A_123 : f32 to vector<2528x128xf32>
    %mul3A_125 = arith.mulf %mul3A_124, %add3A_122 : vector<2528x128xf32>
    %mul3A_126 = arith.constant 0.707106769 : f32
    %mul3A_127 = vector.broadcast %mul3A_126 : f32 to vector<2528x128xf32>
    %mul3A_128 = arith.mulf %add3A_122, %mul3A_127 : vector<2528x128xf32>
    %erf3A_129 = math.erf %mul3A_128 : vector<2528x128xf32>
    %add3A_130 = arith.constant 1.000000e+00 : f32
    %add3A_131 = vector.broadcast %add3A_130 : f32 to vector<2528x128xf32>
    %add3A_132 = arith.addf %add3A_131, %erf3A_129 : vector<2528x128xf32>
    %mul3A_133 = arith.mulf %mul3A_125, %add3A_132 : vector<2528x128xf32>
    %mul3A_134 = arith.constant 5.000000e-01 : f32
    %mul3A_135 = vector.broadcast %mul3A_134 : f32 to vector<2528x128xf32>
    %mul3A_136 = arith.mulf %mul3A_135, %mul3A_133 : vector<2528x128xf32>
    %add3A_137 = arith.addf %add3A_58, %mul3A_136 : vector<2528x128xf32>
    %slice3A_138 = vector.extract_strided_slice %get3A_4 {offsets = [0, 8], sizes = [2528, 1], strides = [1, 1]} : vector<2528x128xf32> to vector<2528x1xf32>
    %gt3A = arith.constant 0.000000e+00 : f32
    %gt3A_139 = vector.broadcast %gt3A : f32 to vector<2528x1xf32>
    %gt3A_140 = arith.cmpf ogt, %slice3A_138, %gt3A_139 : vector<2528x1xf32>
    %max3A_141 = arith.constant 1.000000e-30 : f32
    %max3A_142 = vector.broadcast %max3A_141 : f32 to vector<2528x1xf32>
    %max3A_143 = arith.maximumf %slice3A_138, %max3A_142 : vector<2528x1xf32>
    %rsqrt3A_144 = math.rsqrt %max3A_143 : vector<2528x1xf32>
    %jit3A = arith.constant 0.000000e+00 : f32
    %broadcast_in_dim3A_145 = vector.broadcast %jit3A : f32 to vector<2528x1xf32>
    %select_n3A = arith.select %gt3A_140, %rsqrt3A_144, %broadcast_in_dim3A_145 : vector<2528x1xi1>, vector<2528x1xf32>
    %get3A_146 = arith.constant 0 : index
    %get3A_147 = arith.constant 0 : index
    %get3A_148 = vector.load %arg15[%get3A_146, %get3A_147] : memref<128x128xf32, #tpu.memory_space<vmem>>, vector<128x128xf32>
    %dot_general3A_149 = arith.constant dense<0.000000e+00> : vector<2528x128xf32>
    %dot_general3A_150 = tpu.matmul %add3A_137, %get3A_148, %dot_general3A_149 {dimension_numbers = #tpu.dot_dimension_numbers<[1], [0], [0], [1], [0, 0, 1, 1], [], []>, transpose_lhs_hint = false} : vector<2528x128xf32>, vector<128x128xf32>, vector<2528x128xf32> -> vector<2528x128xf32>
    %mul3A_151 = vector.broadcast %select_n3A : vector<2528x1xf32> to vector<2528x128xf32>
    %mul3A_152 = arith.mulf %dot_general3A_150, %mul3A_151 : vector<2528x128xf32>
    %swap3A = arith.constant 0 : index
    %swap3A_153 = arith.constant 0 : index
    %swap3A_154 = vector.load %arg16[%swap3A, %swap3A_153] : memref<2528x128xf32, #tpu.memory_space<vmem>>, vector<2528x128xf32>
    tpu.vector_store %arg16[%swap3A, %swap3A_153], %add3A_58 {strides = array<i32>} : memref<2528x128xf32, #tpu.memory_space<vmem>>, vector<2528x128xf32>,
    %swap3A_155 = arith.constant 0 : index
    %swap3A_156 = arith.constant 0 : index
    %swap3A_157 = vector.load %arg17[%swap3A_155, %swap3A_156] : memref<2528x128xf32, #tpu.memory_space<vmem>>, vector<2528x128xf32>
    tpu.vector_store %arg17[%swap3A_155, %swap3A_156], %add3A_137 {strides = array<i32>} : memref<2528x128xf32, #tpu.memory_space<vmem>>, vector<2528x128xf32>,
    %swap3A_158 = arith.constant 0 : index
    %swap3A_159 = arith.constant 0 : index
    %swap3A_160 = vector.load %arg18[%swap3A_158, %swap3A_159] : memref<2528x128xf32, #tpu.memory_space<vmem>>, vector<2528x128xf32>
    tpu.vector_store %arg18[%swap3A_158, %swap3A_159], %mul3A_152 {strides = array<i32>} : memref<2528x128xf32, #tpu.memory_space<vmem>>, vector<2528x128xf32>,
    return
  }
  func.func @transform_0(%arg0: i32) -> (i32, i32) {
    %c0_i32 = arith.constant 0 : i32
    %c0_i32_0 = arith.constant 0 : i32
    return %arg0, %c0_i32 : i32, i32
  }
  func.func @transform_1(%arg0: i32) -> (i32, i32) {
    %c0_i32 = arith.constant 0 : i32
    %c0_i32_0 = arith.constant 0 : i32
    return %arg0, %c0_i32 : i32, i32
  }
  func.func @transform_2(%arg0: i32) -> (i32, i32) {
    %c0_i32 = arith.constant 0 : i32
    %c0_i32_0 = arith.constant 0 : i32
    return %arg0, %c0_i32 : i32, i32
  }
  func.func @transform_3(%arg0: i32) -> (i32, i32) {
    %c0_i32 = arith.constant 0 : i32
    %c0_i32_0 = arith.constant 0 : i32
    return %arg0, %c0_i32 : i32, i32
  }
  func.func @transform_4(%arg0: i32) -> (i32, i32) {
    %c0_i32 = arith.constant 0 : i32
    %c0_i32_0 = arith.constant 0 : i32
    return %arg0, %c0_i32 : i32, i32
  }
  func.func @transform_5(%arg0: i32) -> (i32, i32) {
    %c0_i32 = arith.constant 0 : i32
    %c0_i32_0 = arith.constant 0 : i32
    return %arg0, %c0_i32 : i32, i32
  }
  func.func @transform_6(%arg0: i32) -> (i32, i32) {
    %c0_i32 = arith.constant 0 : i32
    %c0_i32_0 = arith.constant 0 : i32
    %c0_i32_1 = arith.constant 0 : i32
    return %c0_i32, %c0_i32_0 : i32, i32
  }
  func.func @transform_7(%arg0: i32) -> (i32, i32) {
    %c0_i32 = arith.constant 0 : i32
    %c0_i32_0 = arith.constant 0 : i32
    %c0_i32_1 = arith.constant 0 : i32
    return %c0_i32, %c0_i32_0 : i32, i32
  }
  func.func @transform_8(%arg0: i32) -> (i32, i32) {
    %c0_i32 = arith.constant 0 : i32
    %c0_i32_0 = arith.constant 0 : i32
    %c0_i32_1 = arith.constant 0 : i32
    return %c0_i32, %c0_i32_0 : i32, i32
  }
  func.func @transform_9(%arg0: i32) -> (i32, i32) {
    %c0_i32 = arith.constant 0 : i32
    %c0_i32_0 = arith.constant 0 : i32
    %c0_i32_1 = arith.constant 0 : i32
    return %c0_i32, %c0_i32_0 : i32, i32
  }
  func.func @transform_10(%arg0: i32) -> (i32, i32) {
    %c0_i32 = arith.constant 0 : i32
    %c0_i32_0 = arith.constant 0 : i32
    %c0_i32_1 = arith.constant 0 : i32
    return %c0_i32, %c0_i32_0 : i32, i32
  }
  func.func @transform_11(%arg0: i32) -> (i32, i32) {
    %c0_i32 = arith.constant 0 : i32
    %c0_i32_0 = arith.constant 0 : i32
    %c0_i32_1 = arith.constant 0 : i32
    return %c0_i32, %c0_i32_0 : i32, i32
  }
  func.func @transform_12(%arg0: i32) -> (i32, i32) {
    %c0_i32 = arith.constant 0 : i32
    %c0_i32_0 = arith.constant 0 : i32
    %c0_i32_1 = arith.constant 0 : i32
    return %c0_i32, %c0_i32_0 : i32, i32
  }
  func.func @transform_13(%arg0: i32) -> (i32, i32) {
    %c0_i32 = arith.constant 0 : i32
    %c0_i32_0 = arith.constant 0 : i32
    %c0_i32_1 = arith.constant 0 : i32
    return %c0_i32, %c0_i32_0 : i32, i32
  }
  func.func @transform_14(%arg0: i32) -> (i32, i32) {
    %c0_i32 = arith.constant 0 : i32
    %c0_i32_0 = arith.constant 0 : i32
    %c0_i32_1 = arith.constant 0 : i32
    return %c0_i32, %c0_i32_0 : i32, i32
  }
  func.func @transform_15(%arg0: i32) -> (i32, i32) {
    %c0_i32 = arith.constant 0 : i32
    %c0_i32_0 = arith.constant 0 : i32
    return %arg0, %c0_i32 : i32, i32
  }
  func.func @transform_16(%arg0: i32) -> (i32, i32) {
    %c0_i32 = arith.constant 0 : i32
    %c0_i32_0 = arith.constant 0 : i32
    return %arg0, %c0_i32 : i32, i32
  }
  func.func @transform_17(%arg0: i32) -> (i32, i32) {
    %c0_i32 = arith.constant 0 : i32
    %c0_i32_0 = arith.constant 0 : i32
    return %arg0, %c0_i32 : i32, i32
  }
}

module attributes {stable_mosaic.version = 14 : i64} {
  func.func @_t3_body(%arg0: i32, %arg1: memref<2528x128xf32, #tpu.memory_space<vmem>>, %arg2: memref<2x2528x128xf32, #tpu.memory_space<vmem>>, %arg3: memref<2528x128xf32, #tpu.memory_space<vmem>>, %arg4: memref<1x128xf32, #tpu.memory_space<vmem>>, %arg5: memref<128x128xf32, #tpu.memory_space<vmem>>, %arg6: memref<8x16xf32, #tpu.memory_space<vmem>>, %arg7: memref<8x16xf32, #tpu.memory_space<vmem>>, %arg8: memref<2528x128xf32, #tpu.memory_space<vmem>>, %arg9: memref<2528x128xf32, #tpu.memory_space<vmem>>, %arg10: memref<2528x16xf32, #tpu.memory_space<vmem>>, %arg11: memref<2528x16xf32, #tpu.memory_space<vmem>>) attributes {dimension_semantics = [#tpu.dimension_semantics<arbitrary>], iteration_bounds = array<i64: 4>, scalar_prefetch = 0 : i64, scratch_operands = 0 : i64, tpu.core_type = #tpu.core_type<tc>, window_params = [{transform_indices = @transform_0, window_bounds = array<i64: 2528, 128>}, {transform_indices = @transform_1, window_bounds = array<i64: 2, 2528, 128>}, {transform_indices = @transform_2, window_bounds = array<i64: 2528, 128>}, {pipeline_mode = #tpu.pipeline_mode<synchronous>, transform_indices = @transform_3, window_bounds = array<i64: 1, 128>}, {pipeline_mode = #tpu.pipeline_mode<synchronous>, transform_indices = @transform_4, window_bounds = array<i64: 128, 128>}, {pipeline_mode = #tpu.pipeline_mode<synchronous>, transform_indices = @transform_5, window_bounds = array<i64: 8, 16>}, {pipeline_mode = #tpu.pipeline_mode<synchronous>, transform_indices = @transform_6, window_bounds = array<i64: 8, 16>}, {transform_indices = @transform_7, window_bounds = array<i64: 2528, 128>}, {transform_indices = @transform_8, window_bounds = array<i64: 2528, 128>}, {transform_indices = @transform_9, window_bounds = array<i64: 2528, 16>}, {transform_indices = @transform_10, window_bounds = array<i64: 2528, 16>}]} {
    %get3A = arith.constant 0 : index
    %get3A_0 = arith.constant 0 : index
    %get3A_1 = arith.constant 0 : index
    %get3A_2 = vector.load %arg2[%get3A, %get3A_0, %get3A_1] : memref<2x2528x128xf32, #tpu.memory_space<vmem>>, vector<1x2528x128xf32>
    %get3A_3 = vector.shape_cast %get3A_2 : vector<1x2528x128xf32> to vector<2528x128xf32>
    %get3A_4 = arith.constant 1 : index
    %get3A_5 = arith.constant 0 : index
    %get3A_6 = arith.constant 0 : index
    %get3A_7 = vector.load %arg2[%get3A_4, %get3A_5, %get3A_6] : memref<2x2528x128xf32, #tpu.memory_space<vmem>>, vector<1x2528x128xf32>
    %get3A_8 = vector.shape_cast %get3A_7 : vector<1x2528x128xf32> to vector<2528x128xf32>
    %add3A = arith.addf %get3A_3, %get3A_8 : vector<2528x128xf32>
    %get3A_9 = arith.constant 0 : index
    %get3A_10 = arith.constant 0 : index
    %get3A_11 = vector.load %arg3[%get3A_9, %get3A_10] : memref<2528x128xf32, #tpu.memory_space<vmem>>, vector<2528x128xf32>
    %slice3A = vector.extract_strided_slice %get3A_11 {offsets = [0, 8], sizes = [2528, 1], strides = [1, 1]} : vector<2528x128xf32> to vector<2528x1xf32>
    %gt3A = arith.constant 0.000000e+00 : f32
    %gt3A_12 = vector.broadcast %gt3A : f32 to vector<2528x1xf32>
    %gt3A_13 = arith.cmpf ogt, %slice3A, %gt3A_12 : vector<2528x1xf32>
    %max3A = arith.constant 1.000000e-30 : f32
    %max3A_14 = vector.broadcast %max3A : f32 to vector<2528x1xf32>
    %max3A_15 = arith.maximumf %slice3A, %max3A_14 : vector<2528x1xf32>
    %rsqrt3A = math.rsqrt %max3A_15 : vector<2528x1xf32>
    %jit3A = arith.constant 0.000000e+00 : f32
    %broadcast_in_dim3A = vector.broadcast %jit3A : f32 to vector<2528x1xf32>
    %select_n3A = arith.select %gt3A_13, %rsqrt3A, %broadcast_in_dim3A : vector<2528x1xi1>, vector<2528x1xf32>
    %mul3A = vector.broadcast %select_n3A : vector<2528x1xf32> to vector<2528x128xf32>
    %mul3A_16 = arith.mulf %add3A, %mul3A : vector<2528x128xf32>
    %get3A_17 = arith.constant 0 : index
    %get3A_18 = arith.constant 0 : index
    %get3A_19 = vector.load %arg4[%get3A_17, %get3A_18] : memref<1x128xf32, #tpu.memory_space<vmem>>, vector<1x128xf32>
    %add3A_20 = vector.broadcast %get3A_19 : vector<1x128xf32> to vector<2528x128xf32>
    %add3A_21 = arith.addf %mul3A_16, %add3A_20 : vector<2528x128xf32>
    %mul3A_22 = arith.constant 5.000000e-01 : f32
    %mul3A_23 = vector.broadcast %mul3A_22 : f32 to vector<2528x128xf32>
    %mul3A_24 = arith.mulf %mul3A_23, %add3A_21 : vector<2528x128xf32>
    %mul3A_25 = arith.constant 0.707106769 : f32
    %mul3A_26 = vector.broadcast %mul3A_25 : f32 to vector<2528x128xf32>
    %mul3A_27 = arith.mulf %add3A_21, %mul3A_26 : vector<2528x128xf32>
    %erf3A = math.erf %mul3A_27 : vector<2528x128xf32>
    %add3A_28 = arith.constant 1.000000e+00 : f32
    %add3A_29 = vector.broadcast %add3A_28 : f32 to vector<2528x128xf32>
    %add3A_30 = arith.addf %add3A_29, %erf3A : vector<2528x128xf32>
    %mul3A_31 = arith.mulf %mul3A_24, %add3A_30 : vector<2528x128xf32>
    %get3A_32 = arith.constant 0 : index
    %get3A_33 = arith.constant 0 : index
    %get3A_34 = vector.load %arg1[%get3A_32, %get3A_33] : memref<2528x128xf32, #tpu.memory_space<vmem>>, vector<2528x128xf32>
    %mul3A_35 = arith.constant 3.000000e-01 : f32
    %mul3A_36 = vector.broadcast %mul3A_35 : f32 to vector<2528x128xf32>
    %mul3A_37 = arith.mulf %mul3A_36, %mul3A_31 : vector<2528x128xf32>
    %add3A_38 = arith.addf %get3A_34, %mul3A_37 : vector<2528x128xf32>
    %get3A_39 = arith.constant 0 : index
    %get3A_40 = arith.constant 0 : index
    %get3A_41 = vector.load %arg5[%get3A_39, %get3A_40] : memref<128x128xf32, #tpu.memory_space<vmem>>, vector<128x128xf32>
    %dot_general3A = arith.constant dense<0.000000e+00> : vector<2528x128xf32>
    %dot_general3A_42 = tpu.matmul %add3A_38, %get3A_41, %dot_general3A {dimension_numbers = #tpu.dot_dimension_numbers<[1], [0], [0], [1], [0, 0, 1, 1], [], []>, transpose_lhs_hint = false} : vector<2528x128xf32>, vector<128x128xf32>, vector<2528x128xf32> -> vector<2528x128xf32>
    %reshape3A = vector.shape_cast %dot_general3A_42 : vector<2528x128xf32> to vector<2528x8x16xf32>
    %get3A_43 = arith.constant 0 : index
    %get3A_44 = arith.constant 0 : index
    %get3A_45 = vector.load %arg6[%get3A_43, %get3A_44] : memref<8x16xf32, #tpu.memory_space<vmem>>, vector<8x16xf32>
    %broadcast_in_dim3A_46 = vector.shape_cast %get3A_45 : vector<8x16xf32> to vector<1x8x16xf32>
    %mul3A_47 = vector.broadcast %broadcast_in_dim3A_46 : vector<1x8x16xf32> to vector<2528x8x16xf32>
    %mul3A_48 = arith.mulf %reshape3A, %mul3A_47 : vector<2528x8x16xf32>
    %reduce_sum3A = arith.constant dense<0.000000e+00> : vector<2528x8xf32>
    %reduce_sum3A_49 = vector.multi_reduction <add>, %mul3A_48, %reduce_sum3A [2] : vector<2528x8x16xf32> to vector<2528x8xf32>
    %get3A_50 = arith.constant 0 : index
    %get3A_51 = arith.constant 0 : index
    %get3A_52 = vector.load %arg7[%get3A_50, %get3A_51] : memref<8x16xf32, #tpu.memory_space<vmem>>, vector<8x16xf32>
    %broadcast_in_dim3A_53 = vector.shape_cast %get3A_52 : vector<8x16xf32> to vector<1x8x16xf32>
    %mul3A_54 = vector.broadcast %broadcast_in_dim3A_53 : vector<1x8x16xf32> to vector<2528x8x16xf32>
    %mul3A_55 = arith.mulf %reshape3A, %mul3A_54 : vector<2528x8x16xf32>
    %reduce_sum3A_56 = arith.constant dense<0.000000e+00> : vector<2528x8xf32>
    %reduce_sum3A_57 = vector.multi_reduction <add>, %mul3A_55, %reduce_sum3A_56 [2] : vector<2528x8x16xf32> to vector<2528x8xf32>
    %swap3A = arith.constant 0 : index
    %swap3A_58 = arith.constant 0 : index
    %swap3A_59 = vector.load %arg8[%swap3A, %swap3A_58] : memref<2528x128xf32, #tpu.memory_space<vmem>>, vector<2528x128xf32>
    tpu.vector_store %arg8[%swap3A, %swap3A_58], %add3A_38 {strides = array<i32>} : memref<2528x128xf32, #tpu.memory_space<vmem>>, vector<2528x128xf32>,
    %swap3A_60 = arith.constant 0 : index
    %swap3A_61 = arith.constant 0 : index
    %swap3A_62 = vector.load %arg9[%swap3A_60, %swap3A_61] : memref<2528x128xf32, #tpu.memory_space<vmem>>, vector<2528x128xf32>
    tpu.vector_store %arg9[%swap3A_60, %swap3A_61], %dot_general3A_42 {strides = array<i32>} : memref<2528x128xf32, #tpu.memory_space<vmem>>, vector<2528x128xf32>,
    %concatenate3A = tpu.concatenate %reduce_sum3A_49, %reduce_sum3A_57 in 1 : vector<2528x8xf32>, vector<2528x8xf32> -> vector<2528x16xf32>
    %swap3A_63 = arith.constant 0 : index
    %swap3A_64 = arith.constant 0 : index
    %swap3A_65 = vector.load %arg10[%swap3A_63, %swap3A_64] : memref<2528x16xf32, #tpu.memory_space<vmem>>, vector<2528x16xf32>
    tpu.vector_store %arg10[%swap3A_63, %swap3A_64], %concatenate3A {strides = array<i32>} : memref<2528x16xf32, #tpu.memory_space<vmem>>, vector<2528x16xf32>,
    %concatenate3A_66 = tpu.concatenate %reduce_sum3A_57, %reduce_sum3A_49 in 1 : vector<2528x8xf32>, vector<2528x8xf32> -> vector<2528x16xf32>
    %swap3A_67 = arith.constant 0 : index
    %swap3A_68 = arith.constant 0 : index
    %swap3A_69 = vector.load %arg11[%swap3A_67, %swap3A_68] : memref<2528x16xf32, #tpu.memory_space<vmem>>, vector<2528x16xf32>
    tpu.vector_store %arg11[%swap3A_67, %swap3A_68], %concatenate3A_66 {strides = array<i32>} : memref<2528x16xf32, #tpu.memory_space<vmem>>, vector<2528x16xf32>,
    return
  }
  func.func @transform_0(%arg0: i32) -> (i32, i32) {
    %c0_i32 = arith.constant 0 : i32
    %c0_i32_0 = arith.constant 0 : i32
    return %arg0, %c0_i32 : i32, i32
  }
  func.func @transform_1(%arg0: i32) -> (i32, i32, i32) {
    %c0_i32 = arith.constant 0 : i32
    %c0_i32_0 = arith.constant 0 : i32
    %c0_i32_1 = arith.constant 0 : i32
    return %c0_i32, %arg0, %c0_i32_0 : i32, i32, i32
  }
  func.func @transform_2(%arg0: i32) -> (i32, i32) {
    %c0_i32 = arith.constant 0 : i32
    %c0_i32_0 = arith.constant 0 : i32
    return %arg0, %c0_i32 : i32, i32
  }
  func.func @transform_3(%arg0: i32) -> (i32, i32) {
    %c0_i32 = arith.constant 0 : i32
    %c0_i32_0 = arith.constant 0 : i32
    %c0_i32_1 = arith.constant 0 : i32
    return %c0_i32, %c0_i32_0 : i32, i32
  }
  func.func @transform_4(%arg0: i32) -> (i32, i32) {
    %c0_i32 = arith.constant 0 : i32
    %c0_i32_0 = arith.constant 0 : i32
    %c0_i32_1 = arith.constant 0 : i32
    return %c0_i32, %c0_i32_0 : i32, i32
  }
  func.func @transform_5(%arg0: i32) -> (i32, i32) {
    %c0_i32 = arith.constant 0 : i32
    %c0_i32_0 = arith.constant 0 : i32
    %c0_i32_1 = arith.constant 0 : i32
    return %c0_i32, %c0_i32_0 : i32, i32
  }
  func.func @transform_6(%arg0: i32) -> (i32, i32) {
    %c0_i32 = arith.constant 0 : i32
    %c0_i32_0 = arith.constant 0 : i32
    %c0_i32_1 = arith.constant 0 : i32
    return %c0_i32, %c0_i32_0 : i32, i32
  }
  func.func @transform_7(%arg0: i32) -> (i32, i32) {
    %c0_i32 = arith.constant 0 : i32
    %c0_i32_0 = arith.constant 0 : i32
    return %arg0, %c0_i32 : i32, i32
  }
  func.func @transform_8(%arg0: i32) -> (i32, i32) {
    %c0_i32 = arith.constant 0 : i32
    %c0_i32_0 = arith.constant 0 : i32
    return %arg0, %c0_i32 : i32, i32
  }
  func.func @transform_9(%arg0: i32) -> (i32, i32) {
    %c0_i32 = arith.constant 0 : i32
    %c0_i32_0 = arith.constant 0 : i32
    return %arg0, %c0_i32 : i32, i32
  }
  func.func @transform_10(%arg0: i32) -> (i32, i32) {
    %c0_i32 = arith.constant 0 : i32
    %c0_i32_0 = arith.constant 0 : i32
    return %arg0, %c0_i32 : i32, i32
  }
}

module attributes {stable_mosaic.version = 14 : i64} {
  func.func @_t4_body(%arg0: i32, %arg1: memref<2528x128xf32, #tpu.memory_space<vmem>>, %arg2: memref<2528x128xf32, #tpu.memory_space<vmem>>, %arg3: memref<2528x128xf32, #tpu.memory_space<vmem>>, %arg4: memref<2528x128xf32, #tpu.memory_space<vmem>>, %arg5: memref<2528x128xf32, #tpu.memory_space<vmem>>, %arg6: memref<1x128xf32, #tpu.memory_space<vmem>>, %arg7: memref<1x128xf32, #tpu.memory_space<vmem>>, %arg8: memref<1x128xf32, #tpu.memory_space<vmem>>, %arg9: memref<1x128xf32, #tpu.memory_space<vmem>>, %arg10: memref<256x128xf32, #tpu.memory_space<vmem>>, %arg11: memref<1x128xf32, #tpu.memory_space<vmem>>, %arg12: memref<1x128xf32, #tpu.memory_space<vmem>>, %arg13: memref<1x128xf32, #tpu.memory_space<vmem>>, %arg14: memref<128x64xf32, #tpu.memory_space<vmem>>, %arg15: memref<1x64xf32, #tpu.memory_space<vmem>>, %arg16: memref<64x128xf32, #tpu.memory_space<vmem>>, %arg17: memref<1x128xf32, #tpu.memory_space<vmem>>, %arg18: memref<2528x128xf32, #tpu.memory_space<vmem>>) attributes {dimension_semantics = [#tpu.dimension_semantics<arbitrary>], iteration_bounds = array<i64: 4>, scalar_prefetch = 0 : i64, scratch_operands = 0 : i64, tpu.core_type = #tpu.core_type<tc>, window_params = [{transform_indices = @transform_0, window_bounds = array<i64: 2528, 128>}, {transform_indices = @transform_1, window_bounds = array<i64: 2528, 128>}, {transform_indices = @transform_2, window_bounds = array<i64: 2528, 128>}, {transform_indices = @transform_3, window_bounds = array<i64: 2528, 128>}, {transform_indices = @transform_4, window_bounds = array<i64: 2528, 128>}, {pipeline_mode = #tpu.pipeline_mode<synchronous>, transform_indices = @transform_5, window_bounds = array<i64: 1, 128>}, {pipeline_mode = #tpu.pipeline_mode<synchronous>, transform_indices = @transform_6, window_bounds = array<i64: 1, 128>}, {pipeline_mode = #tpu.pipeline_mode<synchronous>, transform_indices = @transform_7, window_bounds = array<i64: 1, 128>}, {pipeline_mode = #tpu.pipeline_mode<synchronous>, transform_indices = @transform_8, window_bounds = array<i64: 1, 128>}, {pipeline_mode = #tpu.pipeline_mode<synchronous>, transform_indices = @transform_9, window_bounds = array<i64: 256, 128>}, {pipeline_mode = #tpu.pipeline_mode<synchronous>, transform_indices = @transform_10, window_bounds = array<i64: 1, 128>}, {pipeline_mode = #tpu.pipeline_mode<synchronous>, transform_indices = @transform_11, window_bounds = array<i64: 1, 128>}, {pipeline_mode = #tpu.pipeline_mode<synchronous>, transform_indices = @transform_12, window_bounds = array<i64: 1, 128>}, {pipeline_mode = #tpu.pipeline_mode<synchronous>, transform_indices = @transform_13, window_bounds = array<i64: 128, 64>}, {pipeline_mode = #tpu.pipeline_mode<synchronous>, transform_indices = @transform_14, window_bounds = array<i64: 1, 64>}, {pipeline_mode = #tpu.pipeline_mode<synchronous>, transform_indices = @transform_15, window_bounds = array<i64: 64, 128>}, {pipeline_mode = #tpu.pipeline_mode<synchronous>, transform_indices = @transform_16, window_bounds = array<i64: 1, 128>}, {transform_indices = @transform_17, window_bounds = array<i64: 2528, 128>}]} {
    %get3A = arith.constant 0 : index
    %get3A_0 = arith.constant 0 : index
    %get3A_1 = vector.load %arg4[%get3A, %get3A_0] : memref<2528x128xf32, #tpu.memory_space<vmem>>, vector<2528x128xf32>
    %get3A_2 = arith.constant 0 : index
    %get3A_3 = arith.constant 0 : index
    %get3A_4 = vector.load %arg5[%get3A_2, %get3A_3] : memref<2528x128xf32, #tpu.memory_space<vmem>>, vector<2528x128xf32>
    %slice3A = vector.extract_strided_slice %get3A_4 {offsets = [0, 0], sizes = [2528, 8], strides = [1, 1]} : vector<2528x128xf32> to vector<2528x8xf32>
    %reshape3A = vector.shape_cast %get3A_1 : vector<2528x128xf32> to vector<2528x8x16xf32>
    %broadcast_in_dim3A = vector.shape_cast %slice3A : vector<2528x8xf32> to vector<2528x8x1xf32>
    %add3A = arith.constant 1.000000e-16 : f32
    %add3A_5 = vector.broadcast %add3A : f32 to vector<2528x8x1xf32>
    %add3A_6 = arith.addf %broadcast_in_dim3A, %add3A_5 : vector<2528x8x1xf32>
    %div3A = vector.broadcast %add3A_6 : vector<2528x8x1xf32> to vector<2528x8x16xf32>
    %div3A_7 = arith.divf %reshape3A, %div3A : vector<2528x8x16xf32>
    %reshape3A_8 = vector.shape_cast %div3A_7 : vector<2528x8x16xf32> to vector<2528x128xf32>
    %get3A_9 = arith.constant 0 : index
    %get3A_10 = arith.constant 0 : index
    %get3A_11 = vector.load %arg6[%get3A_9, %get3A_10] : memref<1x128xf32, #tpu.memory_space<vmem>>, vector<1x128xf32>
    %add3A_12 = vector.broadcast %get3A_11 : vector<1x128xf32> to vector<2528x128xf32>
    %add3A_13 = arith.addf %reshape3A_8, %add3A_12 : vector<2528x128xf32>
    %get3A_14 = arith.constant 0 : index
    %get3A_15 = arith.constant 0 : index
    %get3A_16 = vector.load %arg7[%get3A_14, %get3A_15] : memref<1x128xf32, #tpu.memory_space<vmem>>, vector<1x128xf32>
    %get3A_17 = arith.constant 0 : index
    %get3A_18 = arith.constant 0 : index
    %get3A_19 = vector.load %arg8[%get3A_17, %get3A_18] : memref<1x128xf32, #tpu.memory_space<vmem>>, vector<1x128xf32>
    %reduce_sum3A = arith.constant dense<0.000000e+00> : vector<2528xf32>
    %reduce_sum3A_20 = vector.multi_reduction <add>, %add3A_13, %reduce_sum3A [1] : vector<2528x128xf32> to vector<2528xf32>
    %broadcast_in_dim3A_21 = vector.shape_cast %reduce_sum3A_20 : vector<2528xf32> to vector<2528x1xf32>
    %div3A_22 = arith.constant 1.280000e+02 : f32
    %div3A_23 = vector.broadcast %div3A_22 : f32 to vector<2528x1xf32>
    %div3A_24 = arith.divf %broadcast_in_dim3A_21, %div3A_23 : vector<2528x1xf32>
    %sub3A = vector.broadcast %div3A_24 : vector<2528x1xf32> to vector<2528x128xf32>
    %sub3A_25 = arith.subf %add3A_13, %sub3A : vector<2528x128xf32>
    %sub3A_26 = vector.broadcast %div3A_24 : vector<2528x1xf32> to vector<2528x128xf32>
    %sub3A_27 = arith.subf %add3A_13, %sub3A_26 : vector<2528x128xf32>
    %mul3A = arith.mulf %sub3A_25, %sub3A_27 : vector<2528x128xf32>
    %reduce_sum3A_28 = arith.constant dense<0.000000e+00> : vector<2528xf32>
    %reduce_sum3A_29 = vector.multi_reduction <add>, %mul3A, %reduce_sum3A_28 [1] : vector<2528x128xf32> to vector<2528xf32>
    %broadcast_in_dim3A_30 = vector.shape_cast %reduce_sum3A_29 : vector<2528xf32> to vector<2528x1xf32>
    %div3A_31 = arith.constant 1.280000e+02 : f32
    %div3A_32 = vector.broadcast %div3A_31 : f32 to vector<2528x1xf32>
    %div3A_33 = arith.divf %broadcast_in_dim3A_30, %div3A_32 : vector<2528x1xf32>
    %sub3A_34 = vector.broadcast %div3A_24 : vector<2528x1xf32> to vector<2528x128xf32>
    %sub3A_35 = arith.subf %add3A_13, %sub3A_34 : vector<2528x128xf32>
    %add3A_36 = arith.constant 9.99999974E-6 : f32
    %add3A_37 = vector.broadcast %add3A_36 : f32 to vector<2528x1xf32>
    %add3A_38 = arith.addf %div3A_33, %add3A_37 : vector<2528x1xf32>
    %rsqrt3A = math.rsqrt %add3A_38 : vector<2528x1xf32>
    %mul3A_39 = vector.broadcast %rsqrt3A : vector<2528x1xf32> to vector<2528x128xf32>
    %mul3A_40 = arith.mulf %sub3A_35, %mul3A_39 : vector<2528x128xf32>
    %mul3A_41 = vector.broadcast %get3A_16 : vector<1x128xf32> to vector<2528x128xf32>
    %mul3A_42 = arith.mulf %mul3A_40, %mul3A_41 : vector<2528x128xf32>
    %add3A_43 = vector.broadcast %get3A_19 : vector<1x128xf32> to vector<2528x128xf32>
    %add3A_44 = arith.addf %mul3A_42, %add3A_43 : vector<2528x128xf32>
    %mul3A_45 = arith.constant 5.000000e-01 : f32
    %mul3A_46 = vector.broadcast %mul3A_45 : f32 to vector<2528x128xf32>
    %mul3A_47 = arith.mulf %mul3A_46, %add3A_44 : vector<2528x128xf32>
    %mul3A_48 = arith.constant 0.707106769 : f32
    %mul3A_49 = vector.broadcast %mul3A_48 : f32 to vector<2528x128xf32>
    %mul3A_50 = arith.mulf %add3A_44, %mul3A_49 : vector<2528x128xf32>
    %erf3A = math.erf %mul3A_50 : vector<2528x128xf32>
    %add3A_51 = arith.constant 1.000000e+00 : f32
    %add3A_52 = vector.broadcast %add3A_51 : f32 to vector<2528x128xf32>
    %add3A_53 = arith.addf %add3A_52, %erf3A : vector<2528x128xf32>
    %mul3A_54 = arith.mulf %mul3A_47, %add3A_53 : vector<2528x128xf32>
    %get3A_55 = arith.constant 0 : index
    %get3A_56 = arith.constant 0 : index
    %get3A_57 = vector.load %arg3[%get3A_55, %get3A_56] : memref<2528x128xf32, #tpu.memory_space<vmem>>, vector<2528x128xf32>
    %add3A_58 = arith.addf %get3A_57, %mul3A_54 : vector<2528x128xf32>
    %get3A_59 = arith.constant 0 : index
    %get3A_60 = arith.constant 0 : index
    %get3A_61 = vector.load %arg9[%get3A_59, %get3A_60] : memref<1x128xf32, #tpu.memory_space<vmem>>, vector<1x128xf32>
    %slice3A_62 = vector.extract_strided_slice %get3A_61 {offsets = [0, 0], sizes = [1, 1], strides = [1, 1]} : vector<1x128xf32> to vector<1x1xf32>
    %squeeze3A = vector.extract %slice3A_62[0, 0] : f32 from vector<1x1xf32>
    %get3A_63 = arith.constant 0 : index
    %get3A_64 = arith.constant 0 : index
    %get3A_65 = vector.load %arg1[%get3A_63, %get3A_64] : memref<2528x128xf32, #tpu.memory_space<vmem>>, vector<2528x128xf32>
    %mul3A_66 = vector.broadcast %squeeze3A : f32 to vector<2528x128xf32>
    %mul3A_67 = arith.mulf %mul3A_66, %get3A_65 : vector<2528x128xf32>
    %slice3A_68 = vector.extract_strided_slice %get3A_61 {offsets = [0, 1], sizes = [1, 1], strides = [1, 1]} : vector<1x128xf32> to vector<1x1xf32>
    %squeeze3A_69 = vector.extract %slice3A_68[0, 0] : f32 from vector<1x1xf32>
    %get3A_70 = arith.constant 0 : index
    %get3A_71 = arith.constant 0 : index
    %get3A_72 = vector.load %arg2[%get3A_70, %get3A_71] : memref<2528x128xf32, #tpu.memory_space<vmem>>, vector<2528x128xf32>
    %mul3A_73 = vector.broadcast %squeeze3A_69 : f32 to vector<2528x128xf32>
    %mul3A_74 = arith.mulf %mul3A_73, %get3A_72 : vector<2528x128xf32>
    %add3A_75 = arith.addf %mul3A_67, %mul3A_74 : vector<2528x128xf32>
    %slice3A_76 = vector.extract_strided_slice %get3A_61 {offsets = [0, 2], sizes = [1, 1], strides = [1, 1]} : vector<1x128xf32> to vector<1x1xf32>
    %squeeze3A_77 = vector.extract %slice3A_76[0, 0] : f32 from vector<1x1xf32>
    %mul3A_78 = vector.broadcast %squeeze3A_77 : f32 to vector<2528x128xf32>
    %mul3A_79 = arith.mulf %mul3A_78, %add3A_58 : vector<2528x128xf32>
    %add3A_80 = arith.addf %add3A_75, %mul3A_79 : vector<2528x128xf32>
    %concatenate3A = tpu.concatenate %add3A_80, %add3A_58 in 1 : vector<2528x128xf32>, vector<2528x128xf32> -> vector<2528x256xf32>
    %get3A_81 = arith.constant 0 : index
    %get3A_82 = arith.constant 0 : index
    %get3A_83 = vector.load %arg10[%get3A_81, %get3A_82] : memref<256x128xf32, #tpu.memory_space<vmem>>, vector<256x128xf32>
    %dot_general3A = arith.constant dense<0.000000e+00> : vector<2528x128xf32>
    %dot_general3A_84 = tpu.matmul %concatenate3A, %get3A_83, %dot_general3A {dimension_numbers = #tpu.dot_dimension_numbers<[1], [0], [0], [1], [0, 0, 1, 1], [], []>, transpose_lhs_hint = false} : vector<2528x256xf32>, vector<256x128xf32>, vector<2528x128xf32> -> vector<2528x128xf32>
    %get3A_85 = arith.constant 0 : index
    %get3A_86 = arith.constant 0 : index
    %get3A_87 = vector.load %arg11[%get3A_85, %get3A_86] : memref<1x128xf32, #tpu.memory_space<vmem>>, vector<1x128xf32>
    %add3A_88 = vector.broadcast %get3A_87 : vector<1x128xf32> to vector<2528x128xf32>
    %add3A_89 = arith.addf %dot_general3A_84, %add3A_88 : vector<2528x128xf32>
    %get3A_90 = arith.constant 0 : index
    %get3A_91 = arith.constant 0 : index
    %get3A_92 = vector.load %arg12[%get3A_90, %get3A_91] : memref<1x128xf32, #tpu.memory_space<vmem>>, vector<1x128xf32>
    %get3A_93 = arith.constant 0 : index
    %get3A_94 = arith.constant 0 : index
    %get3A_95 = vector.load %arg13[%get3A_93, %get3A_94] : memref<1x128xf32, #tpu.memory_space<vmem>>, vector<1x128xf32>
    %reduce_sum3A_96 = arith.constant dense<0.000000e+00> : vector<2528xf32>
    %reduce_sum3A_97 = vector.multi_reduction <add>, %add3A_89, %reduce_sum3A_96 [1] : vector<2528x128xf32> to vector<2528xf32>
    %broadcast_in_dim3A_98 = vector.shape_cast %reduce_sum3A_97 : vector<2528xf32> to vector<2528x1xf32>
    %div3A_99 = arith.constant 1.280000e+02 : f32
    %div3A_100 = vector.broadcast %div3A_99 : f32 to vector<2528x1xf32>
    %div3A_101 = arith.divf %broadcast_in_dim3A_98, %div3A_100 : vector<2528x1xf32>
    %sub3A_102 = vector.broadcast %div3A_101 : vector<2528x1xf32> to vector<2528x128xf32>
    %sub3A_103 = arith.subf %add3A_89, %sub3A_102 : vector<2528x128xf32>
    %sub3A_104 = vector.broadcast %div3A_101 : vector<2528x1xf32> to vector<2528x128xf32>
    %sub3A_105 = arith.subf %add3A_89, %sub3A_104 : vector<2528x128xf32>
    %mul3A_106 = arith.mulf %sub3A_103, %sub3A_105 : vector<2528x128xf32>
    %reduce_sum3A_107 = arith.constant dense<0.000000e+00> : vector<2528xf32>
    %reduce_sum3A_108 = vector.multi_reduction <add>, %mul3A_106, %reduce_sum3A_107 [1] : vector<2528x128xf32> to vector<2528xf32>
    %broadcast_in_dim3A_109 = vector.shape_cast %reduce_sum3A_108 : vector<2528xf32> to vector<2528x1xf32>
    %div3A_110 = arith.constant 1.280000e+02 : f32
    %div3A_111 = vector.broadcast %div3A_110 : f32 to vector<2528x1xf32>
    %div3A_112 = arith.divf %broadcast_in_dim3A_109, %div3A_111 : vector<2528x1xf32>
    %sub3A_113 = vector.broadcast %div3A_101 : vector<2528x1xf32> to vector<2528x128xf32>
    %sub3A_114 = arith.subf %add3A_89, %sub3A_113 : vector<2528x128xf32>
    %add3A_115 = arith.constant 9.99999974E-6 : f32
    %add3A_116 = vector.broadcast %add3A_115 : f32 to vector<2528x1xf32>
    %add3A_117 = arith.addf %div3A_112, %add3A_116 : vector<2528x1xf32>
    %rsqrt3A_118 = math.rsqrt %add3A_117 : vector<2528x1xf32>
    %mul3A_119 = vector.broadcast %rsqrt3A_118 : vector<2528x1xf32> to vector<2528x128xf32>
    %mul3A_120 = arith.mulf %sub3A_114, %mul3A_119 : vector<2528x128xf32>
    %mul3A_121 = vector.broadcast %get3A_92 : vector<1x128xf32> to vector<2528x128xf32>
    %mul3A_122 = arith.mulf %mul3A_120, %mul3A_121 : vector<2528x128xf32>
    %add3A_123 = vector.broadcast %get3A_95 : vector<1x128xf32> to vector<2528x128xf32>
    %add3A_124 = arith.addf %mul3A_122, %add3A_123 : vector<2528x128xf32>
    %mul3A_125 = arith.constant 5.000000e-01 : f32
    %mul3A_126 = vector.broadcast %mul3A_125 : f32 to vector<2528x128xf32>
    %mul3A_127 = arith.mulf %mul3A_126, %add3A_124 : vector<2528x128xf32>
    %mul3A_128 = arith.constant 0.707106769 : f32
    %mul3A_129 = vector.broadcast %mul3A_128 : f32 to vector<2528x128xf32>
    %mul3A_130 = arith.mulf %add3A_124, %mul3A_129 : vector<2528x128xf32>
    %erf3A_131 = math.erf %mul3A_130 : vector<2528x128xf32>
    %add3A_132 = arith.constant 1.000000e+00 : f32
    %add3A_133 = vector.broadcast %add3A_132 : f32 to vector<2528x128xf32>
    %add3A_134 = arith.addf %add3A_133, %erf3A_131 : vector<2528x128xf32>
    %mul3A_135 = arith.mulf %mul3A_127, %add3A_134 : vector<2528x128xf32>
    %get3A_136 = arith.constant 0 : index
    %get3A_137 = arith.constant 0 : index
    %get3A_138 = vector.load %arg14[%get3A_136, %get3A_137] : memref<128x64xf32, #tpu.memory_space<vmem>>, vector<128x64xf32>
    %dot_general3A_139 = arith.constant dense<0.000000e+00> : vector<2528x64xf32>
    %dot_general3A_140 = tpu.matmul %mul3A_135, %get3A_138, %dot_general3A_139 {dimension_numbers = #tpu.dot_dimension_numbers<[1], [0], [0], [1], [0, 0, 1, 1], [], []>, transpose_lhs_hint = false} : vector<2528x128xf32>, vector<128x64xf32>, vector<2528x64xf32> -> vector<2528x64xf32>
    %get3A_141 = arith.constant 0 : index
    %get3A_142 = arith.constant 0 : index
    %get3A_143 = vector.load %arg15[%get3A_141, %get3A_142] : memref<1x64xf32, #tpu.memory_space<vmem>>, vector<1x64xf32>
    %add3A_144 = vector.broadcast %get3A_143 : vector<1x64xf32> to vector<2528x64xf32>
    %add3A_145 = arith.addf %dot_general3A_140, %add3A_144 : vector<2528x64xf32>
    %mul3A_146 = arith.constant 5.000000e-01 : f32
    %mul3A_147 = vector.broadcast %mul3A_146 : f32 to vector<2528x64xf32>
    %mul3A_148 = arith.mulf %mul3A_147, %add3A_145 : vector<2528x64xf32>
    %mul3A_149 = arith.constant 0.707106769 : f32
    %mul3A_150 = vector.broadcast %mul3A_149 : f32 to vector<2528x64xf32>
    %mul3A_151 = arith.mulf %add3A_145, %mul3A_150 : vector<2528x64xf32>
    %erf3A_152 = math.erf %mul3A_151 : vector<2528x64xf32>
    %add3A_153 = arith.constant 1.000000e+00 : f32
    %add3A_154 = vector.broadcast %add3A_153 : f32 to vector<2528x64xf32>
    %add3A_155 = arith.addf %add3A_154, %erf3A_152 : vector<2528x64xf32>
    %mul3A_156 = arith.mulf %mul3A_148, %add3A_155 : vector<2528x64xf32>
    %get3A_157 = arith.constant 0 : index
    %get3A_158 = arith.constant 0 : index
    %get3A_159 = vector.load %arg16[%get3A_157, %get3A_158] : memref<64x128xf32, #tpu.memory_space<vmem>>, vector<64x128xf32>
    %dot_general3A_160 = arith.constant dense<0.000000e+00> : vector<2528x128xf32>
    %dot_general3A_161 = tpu.matmul %mul3A_156, %get3A_159, %dot_general3A_160 {dimension_numbers = #tpu.dot_dimension_numbers<[1], [0], [0], [1], [0, 0, 1, 1], [], []>, transpose_lhs_hint = false} : vector<2528x64xf32>, vector<64x128xf32>, vector<2528x128xf32> -> vector<2528x128xf32>
    %get3A_162 = arith.constant 0 : index
    %get3A_163 = arith.constant 0 : index
    %get3A_164 = vector.load %arg17[%get3A_162, %get3A_163] : memref<1x128xf32, #tpu.memory_space<vmem>>, vector<1x128xf32>
    %add3A_165 = vector.broadcast %get3A_164 : vector<1x128xf32> to vector<2528x128xf32>
    %add3A_166 = arith.addf %dot_general3A_161, %add3A_165 : vector<2528x128xf32>
    %swap3A = arith.constant 0 : index
    %swap3A_167 = arith.constant 0 : index
    %swap3A_168 = vector.load %arg18[%swap3A, %swap3A_167] : memref<2528x128xf32, #tpu.memory_space<vmem>>, vector<2528x128xf32>
    tpu.vector_store %arg18[%swap3A, %swap3A_167], %add3A_166 {strides = array<i32>} : memref<2528x128xf32, #tpu.memory_space<vmem>>, vector<2528x128xf32>,
    return
  }
  func.func @transform_0(%arg0: i32) -> (i32, i32) {
    %c0_i32 = arith.constant 0 : i32
    %c0_i32_0 = arith.constant 0 : i32
    return %arg0, %c0_i32 : i32, i32
  }
  func.func @transform_1(%arg0: i32) -> (i32, i32) {
    %c0_i32 = arith.constant 0 : i32
    %c0_i32_0 = arith.constant 0 : i32
    return %arg0, %c0_i32 : i32, i32
  }
  func.func @transform_2(%arg0: i32) -> (i32, i32) {
    %c0_i32 = arith.constant 0 : i32
    %c0_i32_0 = arith.constant 0 : i32
    return %arg0, %c0_i32 : i32, i32
  }
  func.func @transform_3(%arg0: i32) -> (i32, i32) {
    %c0_i32 = arith.constant 0 : i32
    %c0_i32_0 = arith.constant 0 : i32
    return %arg0, %c0_i32 : i32, i32
  }
  func.func @transform_4(%arg0: i32) -> (i32, i32) {
    %c0_i32 = arith.constant 0 : i32
    %c0_i32_0 = arith.constant 0 : i32
    return %arg0, %c0_i32 : i32, i32
  }
  func.func @transform_5(%arg0: i32) -> (i32, i32) {
    %c0_i32 = arith.constant 0 : i32
    %c0_i32_0 = arith.constant 0 : i32
    %c0_i32_1 = arith.constant 0 : i32
    return %c0_i32, %c0_i32_0 : i32, i32
  }
  func.func @transform_6(%arg0: i32) -> (i32, i32) {
    %c0_i32 = arith.constant 0 : i32
    %c0_i32_0 = arith.constant 0 : i32
    %c0_i32_1 = arith.constant 0 : i32
    return %c0_i32, %c0_i32_0 : i32, i32
  }
  func.func @transform_7(%arg0: i32) -> (i32, i32) {
    %c0_i32 = arith.constant 0 : i32
    %c0_i32_0 = arith.constant 0 : i32
    %c0_i32_1 = arith.constant 0 : i32
    return %c0_i32, %c0_i32_0 : i32, i32
  }
  func.func @transform_8(%arg0: i32) -> (i32, i32) {
    %c0_i32 = arith.constant 0 : i32
    %c0_i32_0 = arith.constant 0 : i32
    %c0_i32_1 = arith.constant 0 : i32
    return %c0_i32, %c0_i32_0 : i32, i32
  }
  func.func @transform_9(%arg0: i32) -> (i32, i32) {
    %c0_i32 = arith.constant 0 : i32
    %c0_i32_0 = arith.constant 0 : i32
    %c0_i32_1 = arith.constant 0 : i32
    return %c0_i32, %c0_i32_0 : i32, i32
  }
  func.func @transform_10(%arg0: i32) -> (i32, i32) {
    %c0_i32 = arith.constant 0 : i32
    %c0_i32_0 = arith.constant 0 : i32
    %c0_i32_1 = arith.constant 0 : i32
    return %c0_i32, %c0_i32_0 : i32, i32
  }
  func.func @transform_11(%arg0: i32) -> (i32, i32) {
    %c0_i32 = arith.constant 0 : i32
    %c0_i32_0 = arith.constant 0 : i32
    %c0_i32_1 = arith.constant 0 : i32
    return %c0_i32, %c0_i32_0 : i32, i32
  }
  func.func @transform_12(%arg0: i32) -> (i32, i32) {
    %c0_i32 = arith.constant 0 : i32
    %c0_i32_0 = arith.constant 0 : i32
    %c0_i32_1 = arith.constant 0 : i32
    return %c0_i32, %c0_i32_0 : i32, i32
  }
  func.func @transform_13(%arg0: i32) -> (i32, i32) {
    %c0_i32 = arith.constant 0 : i32
    %c0_i32_0 = arith.constant 0 : i32
    %c0_i32_1 = arith.constant 0 : i32
    return %c0_i32, %c0_i32_0 : i32, i32
  }
  func.func @transform_14(%arg0: i32) -> (i32, i32) {
    %c0_i32 = arith.constant 0 : i32
    %c0_i32_0 = arith.constant 0 : i32
    %c0_i32_1 = arith.constant 0 : i32
    return %c0_i32, %c0_i32_0 : i32, i32
  }
  func.func @transform_15(%arg0: i32) -> (i32, i32) {
    %c0_i32 = arith.constant 0 : i32
    %c0_i32_0 = arith.constant 0 : i32
    %c0_i32_1 = arith.constant 0 : i32
    return %c0_i32, %c0_i32_0 : i32, i32
  }
  func.func @transform_16(%arg0: i32) -> (i32, i32) {
    %c0_i32 = arith.constant 0 : i32
    %c0_i32_0 = arith.constant 0 : i32
    %c0_i32_1 = arith.constant 0 : i32
    return %c0_i32, %c0_i32_0 : i32, i32
  }
  func.func @transform_17(%arg0: i32) -> (i32, i32) {
    %c0_i32 = arith.constant 0 : i32
    %c0_i32_0 = arith.constant 0 : i32
    return %arg0, %c0_i32 : i32, i32
  }
}

</mosaic_0001>

<sc_bundles>
// kernel: kernel.10.cloned.1.call-start
scs
__scs_entry_jumppad:
0x0: {  	(pc) =	sbr.rel $0x88, $3  }
0x1: {  	(tag) =	ssettag $0x0;
	lr =	simm.s32 $0x1  }
0x2: {  	[smem:$0x3F71] =	sst lr;
	_ =	strace $0xD0000000  }
0x3: {  	_ = 	snop  }
0x4: {  	_ = 	snop  }
0x5: {  	_ = 	snop  }
0x6: {  	_ = 	snop  }
0x7: {  	_ = 	snop  }
__scs_overlays_trampoline_lowered:
0x8: {  	[smem:$0x3F80] =	sst s0  }
0x9: {  	[smem:$0x3F81] =	sst s1  }
0xa: {  	[smem:$0x3F82] =	sst s2  }
0xb: {  	[smem:$0x3F83] =	sst s3  }
0xc: {  	[smem:$0x3F84] =	sst s4  }
0xd: {  	[smem:$0x3F85] =	sst s5  }
0xe: {  	[smem:$0x3F86] =	sst s6  }
0xf: {  	[smem:$0x3F87] =	sst s7  }
0x10: {  	[smem:$0x3F88] =	sst s8  }
0x11: {  	[smem:$0x3F89] =	sst s9;
	s0 =	simm.s32 @!p0 $0x0  }
0x12: {  	s1 =	sld [smem:$0x3F6F];
	s0 =	simm.s32 @p0 $0x1  }
0x13: {  	[smem:$0x3F8A] =	sst s0;
	s0 =	simm.s32 @!p1 $0x0  }
0x14: {  	s2 =	sld [smem:$0x3F6E];
	s0 =	simm.s32 @p1 $0x1  }
0x15: {  	[smem:$0x3F8B] =	sst s0;
	s0 =	simm.s32 @!p2 $0x0  }
0x16: {  	s3 =	sld [smem:$0x3FDB];
	s0 =	simm.s32 @p2 $0x1  }
0x17: {  	s4 =	simm.s32 $0x1BF5;
	[smem:$0x3F8D] =	sst s0  }
0x18: {  	s0 =	sld [smem:$0x3F70];
	_ =	swait.ge [sflag:s4], $0x0  }
0x19: {  	s7 =	sld [smem:$0x3F71]  }
0x1a: {  	s8 =	sadd.s32 $0xFFFFE003, lr  }
0x1b: {  	s9 =	sadd.s32 $0xFFFFFEF7, lr;
	s5 =	simm.s32 $0xFFFFFFFF;
	p2 =	slt.u32 s8, $0xFFFFF086  }
0x1c: {  	p1 =	slt.u32 s9, $0xF7A;
	s5 =	simm.s32 @!p2 $0x0  }
0x1d: {  	s5 =	simm.s32 @p1 $0x1;
	p0 =	seq.s32 s7, s2  }
0x1e: {  	s7 =	smul.u32 @!p0 $0xF7A, s2;
	p2 =	seq.s32 @!p0 s5, $0x0  }
0x1f: {  	s9 =	smul.u32 $0xF7A, s1;
	s8 =	simm.s32 @!p0 $0x1BF5;
	p2 =	por !p2, p0  }
0x20: {  	[sflag:s8] =	ssyncset.s32 @!p0 $0xFFFFF086;
	s6 =	sadd.s32 @!p0 s3, s7;
	s7 =	simm.s32 @!p0 $0x108  }
0x21: {  	s3 =	sadd.s32 s3, s9;
	s6 =	sadd.s32 @!p0 $0x88, s6;
	s7 =	simm.s32 @p2 $0x1082  }
0x22: {  	[simem:s7], [sflag:s8] =	dma.local @!p0 [hbm:s6], $0xF7A  }
0x23: {  	s9 =	sor.u32 $0xD0000000, s2;
	s6 =	simm.s32 $0x108;
	_ =	swait.ge @!p0 [sflag:s8], $0x0  }
0x24: {  	s3 =	sadd.s32 $0x88, s3;
	s6 =	simm.s32 @!p1 $0x1082;
	[sflag:s4] =	ssyncset.s32 $0xFFFFF086  }
0x25: {  	[simem:s6], [sflag:s4] =	dma.local [hbm:s3], $0xF7A  }
0x26: {  	[smem:$0x3F71] =	sst s1;
	(tag) =	ssettag s2;
	_ =	strace s9  }
0x27: {  	s1 =	sld [smem:$0x3F81]  }
0x28: {  	s2 =	sld [smem:$0x3F82]  }
0x29: {  	s4 =	sld [smem:$0x3F84]  }
0x2a: {  	p0 =	seq.s32 s5, $0x0;
	s5 =	sld [smem:$0x3F85]  }
0x2b: {  	s6 =	sld [smem:$0x3F86]  }
0x2c: {  	s7 =	sld [smem:$0x3F87]  }
0x2d: {  	s3 =	simm.s32 $0x108;
	s8 =	sld [smem:$0x3F88]  }
0x2e: {  	s3 =	simm.s32 @!p0 $0x1082;
	s9 =	sld [smem:$0x3F89]  }
0x2f: {  	lr =	sadd.s32 s0, s3;
	s0 =	sld [smem:$0x3F80]  }
0x30: {  	s3 =	sld [smem:$0x3F83]  }
0x31: {  	[smem:$0x3F8C] =	sst s10  }
0x32: {  	s10 =	sld [smem:$0x3F8A];
	_ =	sdelay $0x3  }
0x33: {  	p0 =	seq.s32 s10, $0x1;
	s10 =	sld [smem:$0x3F8C];
	_ =	sdelay $0x3  }
0x34: {  	[smem:$0x3F8C] =	sst s10  }
0x35: {  	s10 =	sld [smem:$0x3F8B];
	_ =	sdelay $0x3  }
0x36: {  	p1 =	seq.s32 s10, $0x1;
	s10 =	sld [smem:$0x3F8C];
	_ =	sdelay $0x3  }
0x37: {  	[smem:$0x3F8C] =	sst s10  }
0x38: {  	s10 =	sld [smem:$0x3F8D]  }
0x39: {  	_ = 	snop;
	(pc) =	sbr.ind lr, $3  }
0x3a: {  	_ = 	snop  }
0x3b: {  	_ = 	snop  }
0x3c: {  	p2 =	seq.s32 s10, $0x1;
	s10 =	sld [smem:$0x3F8C]  }
0x3d: {  	_ =	shalt  }
0x3e: {  	_ =	shalt  }
0x3f: {  	_ =	shalt  }
0x40: {  	_ =	shalt  }
0x41: {  	_ =	shalt  }
0x42: {  	_ =	shalt  }
0x43: {  	_ =	shalt  }
0x44: {  	_ =	shalt  }
0x45: {  	_ =	shalt  }
0x46: {  	_ =	shalt  }
0x47: {  	_ =	shalt  }
0x48: {  	_ =	shalt  }
0x49: {  	_ =	shalt  }
0x4a: {  	_ =	shalt  }
0x4b: {  	_ =	shalt  }
0x4c: {  	_ =	shalt  }
0x4d: {  	_ =	shalt  }
0x4e: {  	_ =	shalt  }
0x4f: {  	_ =	shalt  }
0x50: {  	_ =	shalt  }
0x51: {  	_ =	shalt  }
0x52: {  	_ =	shalt  }
0x53: {  	_ =	shalt  }
0x54: {  	_ =	shalt  }
0x55: {  	_ =	shalt  }
0x56: {  	_ =	shalt  }
0x57: {  	_ =	shalt  }
0x58: {  	_ =	shalt  }
0x59: {  	_ =	shalt  }
0x5a: {  	_ =	shalt  }
0x5b: {  	_ =	shalt  }
0x5c: {  	_ =	shalt  }
0x5d: {  	_ =	shalt  }
0x5e: {  	_ =	shalt  }
0x5f: {  	_ =	shalt  }
0x60: {  	_ =	shalt  }
0x61: {  	_ =	shalt  }
0x62: {  	_ =	shalt  }
0x63: {  	_ =	shalt  }
0x64: {  	_ =	shalt  }
0x65: {  	_ =	shalt  }
0x66: {  	_ =	shalt  }
0x67: {  	_ =	shalt  }
0x68: {  	_ =	shalt  }
0x69: {  	_ =	shalt  }
0x6a: {  	_ =	shalt  }
0x6b: {  	_ =	shalt  }
0x6c: {  	_ =	shalt  }
0x6d: {  	_ =	shalt  }
0x6e: {  	_ =	shalt  }
0x6f: {  	_ =	shalt  }
0x70: {  	_ =	shalt  }
0x71: {  	_ =	shalt  }
0x72: {  	_ =	shalt  }
0x73: {  	_ =	shalt  }
0x74: {  	_ =	shalt  }
0x75: {  	_ =	shalt  }
0x76: {  	_ =	shalt  }
0x77: {  	_ =	shalt  }
0x78: {  	_ =	shalt  }
0x79: {  	_ =	shalt  }
0x7a: {  	_ =	shalt  }
0x7b: {  	_ =	shalt  }
0x7c: {  	_ =	shalt  }
0x7d: {  	_ =	shalt  }
0x7e: {  	_ =	shalt  }
0x7f: {  	_ =	shalt  }
0x80: {  	_ =	shalt  }
0x81: {  	_ =	shalt  }
0x82: {  	_ =	shalt  }
0x83: {  	_ =	shalt  }
0x84: {  	_ =	shalt  }
0x85: {  	_ =	shalt  }
0x86: {  	_ =	shalt  }
0x87: {  	_ =	shalt  }
.Lfunc_end0:
.L_simem_size_0:
called_computation_lowered:
.L_overlay_start_0:
0x88: {  	s2 =	sld [smem:$0x3FD9]  }
0x89: {  	s3 =	sld [smem:$0x3FFE];
	_ =	sdelay $0x1  }
0x8a: {  	s1 =	srdreg.scid  }
0x8b: {  	s0 =	sand.u32 $0x1, s1  }
0x8c: {  	s17 =	sshll.u32 s0, $0xA;
	s2 =	sadd.s32 s3, s2  }
0x8d: {  	s2 =	sadd.s32 s2, s17  }
0x8e: {  	[smem:$0x3F98] =	sst s2  }
0x8f: {  	_ = 	snop  }
0x90: {  	s18 =	sld [smem:$0x3FD0];
	(tm) =	ssettm $0x1  }
0x91: {  	s19 =	sld [smem:$0x3FFB];
	_ =	sdelay $0x3  }
0x92: {  	_ =	strace s19  }
0x93: {  	s2 =	sld [smem:$0x3FFC];
	_ =	sdelay $0x3  }
0x94: {  	_ =	strace s2  }
0x95: {  	s2 =	sld [smem:$0x3FFD];
	_ =	sdelay $0x3  }
0x96: {  	_ =	strace s2  }
0x97: {  	_ =	strace $0x8FFFFFFF  }
0x98: {  	s20 =	sld [smem:$0x3FDB];
	_ =	sdelay $0x1  }
0x99: {  	s4 =	simm.s32 $_scs_section_size  }
0x9a: {  	s5 =	simm.s32 $_size__tile_overlayer_lowered;
	s6 =	simm.s32 $_tile_overlayer_lowered  }
0x9b: {  	s7 =	simm.s32 $0x1BFF;
	s21 =	sshll.u32 s6, $0x1;
	s4 =	sadd.s32 s4, s20  }
0x9c: {  	s22 =	simm.s32 $0x0;
	s5 =	sshll.u32 s5, $0x1;
	s6 =	sadd.s32 s21, s4  }
0x9d: {  	[timem:s22], [sflag:s7] =	dma.local [hbm:s6], s5  }
0x9e: {  	_ =	swait.ge [sflag:s7], s5  }
0x9f: {  	s5 =	ssub.s32 $0x0, s5;
	[sflag:s7] =	ssyncset.done $0x0  }
0xa0: {  	[sflag:s7] =	ssyncadd.s32 s5;
	_ =	sdelay $0x1  }
0xa1: {  	s23 =	simm.s32 $0x1B8B  }
0xa2: {  	_ =	swait.ge [sflag:s23], $0x1  }
0xa3: {  	[sflag:s23] =	ssyncset.done $0x0  }
0xa4: {  	[sflag:s23] =	ssyncadd.s32 $0xFFFFFFFF  }
0xa5: {  	s5 =	sld [smem:$0x0]  }
0xa6: {  	s6 =	sand.u32 $0xFFFFFFFE, s1  }
0xa7: {  	p0 =	sne.s32 s1, s6  }
0xa8: {  	s6 =	sshll.u32 @p0 s6, $0xE  }
0xa9: {  	s6 =	sadd.s32 @p0 $0x11B8D, s6;
	s7 =	sshll.u32 @p0 s5, $0x11  }
0xaa: {  	s6 =	sor.u32 @p0 s7, s6  }
0xab: {  	[sflag:s6] =	ssyncadd.remote.s32 @p0 $0x1;
	_ =	sdelay $0x1  }
0xac: {  	s6 =	simm.s32 @p0 $0x1B8D  }
0xad: {  	_ =	swait.eq @p0 [sflag:s6], $0x1  }
0xae: {  	[sflag:s6] =	ssyncadd.s32 @p0 $0xFFFFFFFF  }
0xaf: {  	s7 =	sshll.u32 @!p0 s1, $0xE  }
0xb0: {  	s7 =	sor.u32 @!p0 $0x4000, s7;
	s6 =	simm.s32 @!p0 $0x1B8D  }
0xb1: {  	s5 =	sshll.u32 @!p0 s5, $0x11;
	s7 =	sadd.s32 @!p0 $0x11B8D, s7;
	_ =	swait.eq @!p0 [sflag:s6], $0x1  }
0xb2: {  	s5 =	sor.u32 @!p0 s5, s7;
	[sflag:s6] =	ssyncadd.s32 @!p0 $0xFFFFFFFF  }
0xb3: {  	s25 =	simm.s32 $0x1B8E;
	s24 =	sld [smem:$0x3FFE];
	[sflag:s5] =	ssyncadd.remote.s32 @!p0 $0x1  }
0xb4: {  	s26 =	simm.s32 $execute0_lowered;
	[smem:$0x3FD2] =	sst s25  }
0xb5: {  	s6 =	sshll.u32 s26, $0x1;
	_ =	strace $0x80000049;
	[dreg:$0x1] =	wrdreg $0xFFFFFFFF  }
0xb6: {  	s28 =	simm.s32 $_size_execute0_lowered;
	s4 =	sadd.s32 s4, s6;
	[dreg:$0x0] =	wrdreg $0x0  }
0xb7: {  	s6 =	sshll.u32 s28, $0x1;
	[dreg:$0x2] =	wrdreg s4  }
0xb8: {  	[dreg:$0x3] =	wrdreg s6  }
0xb9: {  	[dreg:$0x4] =	wrdreg $0xC0  }
0xba: {  	_ =	task [dreg:s22], $0x5FFFF  }
0xbb: {  	[dreg:$0x1] =	wrdreg $0xFFFFFFFF  }
0xbc: {  	[dreg:$0x0] =	wrdreg $0x60  }
0xbd: {  	[dreg:$0x2] =	wrdreg s24  }
0xbe: {  	[dreg:$0x3] =	wrdreg s18  }
0xbf: {  	[dreg:$0x4] =	wrdreg $0x0  }
0xc0: {  	[dreg:$0x5] =	wrdreg $0x9  }
0xc1: {  	_ =	task.clear_ibuf [dreg:s22], $0x6FFFF;
	_ =	strace $0x90000049  }
0xc2: {  	s29 =	simm.s32 $0x9;
	_ =	strace $0x8000004B  }
0xc3: {  	_ =	swait.ge [sflag:s29], $0x1  }
0xc4: {  	[sflag:s29] =	ssyncadd.s32 $0xFFFFFFFF  }
0xc5: {  	_ =	strace $0x9000004B  }
0xc6: {  	_ =	sfence  }
0xc7: {  	s30 =	sld [smem:$0x0];
	_ =	sdelay $0x2  }
0xc8: {  	s31 =	sshll.u32 s1, $0xD;
	s1 =	sshrl.u32 s1, $0x2  }
0xc9: {  	s4 =	sand.u32 $0x4000, s31;
	s1 =	sadd.s32 s1, s30  }
0xca: {  	s0 =	sor.u32 s4, s0;
	s1 =	sshll.u32 s1, $0x11  }
0xcb: {  	s0 =	sor.u32 s1, s0  }
0xcc: {  	s0 =	sadd.s32 $0x8F2B, s0  }
0xcd: {  	[sflag:s0] =	ssyncadd.remote.s32 $0x1  }
0xce: {  	_ =	sfence.sel $0xFFFF  }
0xcf: {  	[dreg:$0x0] =	wrdreg $0xFFFFFFFF;
	(pc) =	sbr.abs _section_cstart, $3  }
0xd0: {  	[dreg:$0x1] =	wrdreg $0xFFFFFFFF  }
0xd1: {  	_ =	task.clear_ibuf [dreg:s22], $0x2FFFF;
	_ =	strace $0x9FFFFFFF  }
0xd2: {  	(tm) =	ssettm $0x7FFFFFFF  }
0xd3: {  	_ =	shalt  }
tec
execute0_lowered:
.L_overlay_start_1:
0x0: {  	(tag) =	ssettag $0x1  }
0x1: {  	s10 =	rddreg [dreg:$0x0]  }
0x2: {  	s1 =	rddreg [dreg:$0x1]  }
0x3: {  	s2 =	rddreg [dreg:$0x2];
	s3 =	srdreg.scid;
	s4 =	simm.s32 $0x0  }
0x4: {  	s18 =	simm.s32 $0x50;
	s19 =	simm.s32 $0x16500;
	s20 =	simm.s32 $0x18D00  }
0x5: {  	s21 =	simm.s32 $0x13D00;
	s22 =	simm.s32 $0x1;
	s23 =	simm.s32 $0x1B500  }
0x6: {  	s24 =	simm.s32 $0x0;
	s16 =	sand.u32 $0x1, s3;
	s3 =	stileid.u32  }
0x7: {  	[smem:$0x7FF] =	sst s4;
	s5 =	sadd.s32 $0x2DE00, s10;
	s6 =	sadd.s32 $0xE2800, s10  }
0x8: {  	s7 =	sadd.s32 $0x69200, s10;
	s8 =	sadd.s32 $0x10A000, s10;
	s9 =	smul.u32 $0x13C000, s16  }
0x9: {  	s11 =	smul.u32 $0x13C00, s3;
	_ =	strace $0x8000004A;
	s12 =	ssub.s32 $0x2, s16  }
0xa: {  	s13 =	smul.u32 $0x4F000, s3;
	s31 =	sshll.u32 s3, $0x6;
	p0 =	seq.s32 s16, $0x0  }
0xb: {  	p1 =	sne.s32 s16, $0x0;
	s16 =	simm.s32 $0x13C00;
	s29 =	sshrl.u32 s12, $0x1  }
.Ltmp0:
0xc: {  	s9 =	sadd.s32 s11, s9;
	s15 =	ssub.s32 s12, s29;
	(pc) =	sbr.rel .LBB2_1-.Ltmp0, $4  }
0xd: {  	s30 =	sshrl.u32 s13, $0x2;
	s11 =	sshrl.u32 s9, $0x3;
	s9 =	sadd.s32 $0x90A00, s10  }
0xe: {  	s17 =	sadd.s32 s30, s2;
	s13 =	smax.u32 s15, $0x1;
	s15 =	simm.s32 $0x2  }
0xf: {  	s14 =	sadd.s32 s11, s10;
	s10 =	sor.u32 $0x1C02, s31;
	s11 =	smul.u32 $0x50A0, s3  }
0x10: {  	vm0 =	vmmov $0xff;
	v0 =	vimm.f32 $0.0e+00;
	s12 =	sadd.s32 $0x114200, s14;
	s14 =	sshrl.u32 s17, $0x3;
	s17 =	simm.s32 $0x13C80  }
.LBB2_14:
0x11: {  	s24 =	sadd.s32 $0x1, s24  }
0x12: {  	p2 =	sne.s32 s24, s13  }
.Ltmp1:
0x13: {  	[bflag:$0x0] =	sbarrier.arrive $0xFFFF;
	(pc) =	sbr.rel @!p2 .LBB2_15-.Ltmp1, $4  }
0x14: {  	[hbm:s12], [sflag:s10] =	dma.local [spmem:s14], $0x2780  }
0x15: {  	_ =	swait.ge [sflag:s15], $0x2780  }
0x16: {  	[sflag:s15] =	ssyncset.done $0x0  }
0x17: {  	[sflag:s15] =	ssyncadd.s32 $0xFFFFD880  }
.LBB2_1:
.Ltmp2:
0x18: {  	(pc) =	sbr.rel @p0 .LBB2_5-.Ltmp2, $4  }
0x19: {  	[spmem:s14], [sflag:s10] =	dma.local [hbm:s9], $0x2780  }
0x1a: {  	_ =	swait.ge [sflag:s15], $0x2780  }
0x1b: {  	[sflag:s15] =	ssyncset.done $0x0  }
0x1c: {  	[sflag:s15] =	ssyncadd.s32 $0xFFFFD880  }
0x1d: {  	s25 =	sshra.s32 s4, $0x2;
	s26 =	sadd.s32 $0x200, s4  }
.LBB2_3:
0x1e: {  	p2 =	sne.s32 s26, $0x9E00;
	[tilespmem:s25+$0x1B570] =	vst v0  }
0x1f: {  	[tilespmem:s25+$0x1B510] =	vst v0  }
.Ltmp3:
0x20: {  	[tilespmem:s25+$0x1B520] =	vst v0;
	(pc) =	sbr.rel @p2 .LBB2_3-.Ltmp3, $4  }
0x21: {  	[tilespmem:s25+$0x1B530] =	vst v0  }
0x22: {  	[tilespmem:s25+$0x1B540] =	vst v0  }
0x23: {  	[tilespmem:s25+$0x1B550] =	vst v0  }
0x24: {  	[tilespmem:s25+$0x1B560] =	vst v0;
	s25 =	sshra.s32 s26, $0x2;
	s26 =	sadd.s32 $0x200, s26  }
0x25: {  	[tilespmem:s25+$0x1B570] =	vst v0  }
0x26: {  	[tilespmem:s25+$0x1B510] =	vst v0  }
0x27: {  	[tilespmem:s25+$0x1B520] =	vst v0  }
0x28: {  	[tilespmem:s25+$0x1B530] =	vst v0  }
0x29: {  	[tilespmem:s25+$0x1B540] =	vst v0  }
0x2a: {  	[tilespmem:s25+$0x1B550] =	vst v0  }
0x2b: {  	[tilespmem:s25+$0x1B560] =	vst v0  }
.LBB2_5:
.Ltmp4:
0x2c: {  	(pc) =	sbr.rel .LBB2_6-.Ltmp4, $3  }
0x2d: {  	_ =	sdelay $0x1  }
0x2e: {  	[bflag:$0x0] =	sbarrier.arrive $0xFFFF  }
0x2f: {  	s25 =	simm.s32 $0x0  }
.LBB2_12:
0x30: {  	v1 =	vadd.f32 v2, v1;
	_ =	sdelay $0x1  }
0x31: {  	v2 =	vmul.f32 $2.000000030e-01, v1  }
0x32: {  	vm1 =	vge.f32 v1, $0.0e+00  }
0x33: {  	v3 =	vnsel vm0, $0x0, v3;
	v1 =	vsel vm1, v1, v2  }
0x34: {  	v2 =	vmul.f32 $1.442695020e+00, v3;
	v1 =	vnsel vm0, $0x0, v1  }
0x35: {  	v1 =	vmul.f32 $1.442695020e+00, v1  }
0x36: {  	(erf) = vpow2.f32 v2  }
0x37: {  	(erf) = vpow2.f32 v1;
	_ =	sdelay $0x5  }
0x38: {  	v1 =	vpop (erf)  }
0x39: {  	v2 =	vpop (erf);
	[tilespmem:s26+$0x1B500] =	vst v1  }
0x3a: {  	[tilespmem:s28+$0x1B500] =	vst v2;
	v1 =	vpop (erf)  }
0x3b: {  	[tilespmem:s29+$0x1B500] =	vst v1;
	v1 =	vpop (erf)  }
0x3c: {  	[tilespmem:s30+$0x1B500] =	vst v1  }
.LBB2_13:
0x3d: {  	s25 =	sadd.s32 $0x1, s25  }
0x3e: {  	p2 =	sne.s32 s25, $0x102  }
.Ltmp5:
0x3f: {  	_ = 	snop;
	(pc) =	sbr.rel @!p2 .LBB2_14-.Ltmp5, $4  }
0x40: {  	[spmem:s2] =	stream.indirect.scatter.add.f32 [tilespmem:s23], [sflag:$0x2], $0x80, s17, s18, $0xb8;
	[tilespmem:$0x1DD00] =	vst v63  }
0x41: {  	_ =	swait.ge [sflag:s15], $0x2800  }
0x42: {  	[sflag:s15] =	ssyncset.done $0x0  }
0x43: {  	[sflag:s15] =	ssyncadd.s32 $0xFFFFD800  }
.LBB2_6:
0x44: {  	s26 =	smul.u32 $0x50, s25;
	_ =	sdelay $0x1  }
0x45: {  	s26 =	sadd.s32 s11, s26  }
0x46: {  	s26 =	sshrl.u32 s26, $0x3  }
0x47: {  	s28 =	sadd.s32 s1, s26  }
0x48: {  	[tilespmem:s16], [sflag:$0x2] =	stream.linear.gather [hbm4b:s28+s4], $0x50, $0x38;
	[tilespmem:$0x1DD00] =	vst v63  }
0x49: {  	_ =	swait.ge [sflag:s15], $0x50  }
0x4a: {  	[sflag:s15] =	ssyncset.done $0x0  }
0x4b: {  	s26 =	sadd.s32 s8, s26;
	[sflag:s15] =	ssyncadd.s32 $0xFFFFFFB0  }
0x4c: {  	[tilespmem:s17], [sflag:$0x2] =	stream.linear.gather [hbm4b:s26+s4], $0x50, $0x38;
	[tilespmem:$0x1DD00] =	vst v63  }
0x4d: {  	_ =	swait.ge [sflag:s15], $0x50  }
.Ltmp6:
0x4e: {  	[sflag:s15] =	ssyncset.done $0x0;
	(pc) =	sbr.rel @p1 .LBB2_10-.Ltmp6, $4  }
0x4f: {  	[sflag:s15] =	ssyncadd.s32 $0xFFFFFFB0  }
0x50: {  	[tilespmem:s19], [sflag:$0x1] =	stream.indirect.gather [hbm4b:s6+s18], $0x80, s16, s18, $0xb8;
	[tilespmem:$0x1DD00] =	vst v63  }
0x51: {  	_ = 	snop  }
0x52: {  	[tilespmem:s20], [sflag:$0x1] =	stream.indirect.gather [hbm4b:s7+s18], $0x80, s17, s18, $0xb8;
	[tilespmem:$0x1DD00] =	vst v63  }
0x53: {  	[tilespmem:s21], [sflag:$0x1] =	stream.indirect.gather [hbm4b:s5+s18], $0x80, s16, s18, $0xb8;
	[tilespmem:$0x1DD00] =	vst v63  }
0x54: {  	_ =	swait.ge [sflag:s22], $0x2800  }
0x55: {  	[sflag:s22] =	ssyncset.done $0x0  }
0x56: {  	[sflag:s22] =	ssyncadd.s32 $0xFFFFD800  }
0x57: {  	_ =	swait.ge [sflag:s22], $0x2800  }
0x58: {  	[sflag:s22] =	ssyncset.done $0x0  }
0x59: {  	[sflag:s22] =	ssyncadd.s32 $0xFFFFD800  }
0x5a: {  	_ =	swait.ge [sflag:s22], $0x2800  }
0x5b: {  	[sflag:s22] =	ssyncset.done $0x0  }
0x5c: {  	s30 =	simm.s32 $0x0;
	[sflag:s22] =	ssyncadd.s32 $0xFFFFD800  }
0x5d: {  	v1 =	vld [tilespmem:s30+$0x16500]  }
0x5e: {  	v2 =	vld [tilespmem:s30+$0x18D00];
	_ =	sdelay $0x1  }
0x5f: {  	v17 =	vld [tilespmem:s30+$0x13D00]  }
0x60: {  	v18 =	vld [tilespmem:s30+$0x13D10]  }
0x61: {  	v21 =	vld [tilespmem:s30+$0x13D20]  }
0x62: {  	v23 =	vld [tilespmem:s30+$0x13D30];
	v1 =	vadd.f32 v2, v1  }
0x63: {  	v26 =	vld [tilespmem:s30+$0x13D40]  }
0x64: {  	v16 =	vld [tilespmem:s30+$0x13D50];
	v2 =	vmul.f32 $2.000000030e-01, v1  }
0x65: {  	s28 =	simm.s32 $0x80;
	v15 =	vld [tilespmem:s30+$0x13D60];
	vm1 =	vge.f32 v1, $0.0e+00  }
0x66: {  	v3 =	vld [tilespmem:s28+$0x16500];
	v1 =	vsel vm1, v1, v2  }
0x67: {  	v2 =	vld [tilespmem:s28+$0x18D00];
	v1 =	vmul.f32 $1.442695020e+00, v1  }
0x68: {  	v9 =	vld [tilespmem:s28+$0x13D00]  }
0x69: {  	v7 =	vld [tilespmem:s28+$0x13D10];
	(erf) = vpow2.f32 v1  }
0x6a: {  	v5 =	vld [tilespmem:s28+$0x13D20]  }
0x6b: {  	s26 =	simm.s32 $0x100;
	v8 =	vld [tilespmem:s28+$0x13D30]  }
0x6c: {  	v14 =	vld [tilespmem:s26+$0x16500];
	v1 =	vadd.f32 v2, v3  }
0x6d: {  	v19 =	vld [tilespmem:s26+$0x18D00]  }
0x6e: {  	v6 =	vld [tilespmem:s28+$0x13D40];
	v2 =	vmul.f32 $2.000000030e-01, v1  }
0x6f: {  	v4 =	vld [tilespmem:s28+$0x13D50];
	vm1 =	vge.f32 v1, $0.0e+00  }
0x70: {  	v10 =	vld [tilespmem:s30+$0x13D70];
	v2 =	vsel vm1, v1, v2  }
0x71: {  	v12 =	vld [tilespmem:s26+$0x13D20];
	v11 =	vmul.f32 $1.442695020e+00, v2  }
0x72: {  	v28 =	vadd.f32 v19, v14;
	v3 =	vld [tilespmem:s28+$0x13D60];
	v22 =	vpop (erf)  }
0x73: {  	v1 =	vld [tilespmem:s26+$0x13D00];
	(erf) = vpow2.f32 v11;
	v13 =	vbroadcast v22, $0x7  }
0x74: {  	v31 =	vmul.f32 $2.000000030e-01, v28;
	v2 =	vld [tilespmem:s26+$0x13D10];
	v24 =	vbroadcast v22, $0x0  }
0x75: {  	v11 =	vld [tilespmem:s26+$0x13D30];
	v25 =	vbroadcast v22, $0x1;
	v20 =	vmul.f32 v10, v13  }
0x76: {  	v27 =	vbroadcast v22, $0x2;
	v29 =	vbroadcast v22, $0x3;
	v10 =	vld [tilespmem:s26+$0x13D40]  }
0x77: {  	v30 =	vbroadcast v22, $0x4;
	v19 =	vbroadcast v22, $0x6;
	v13 =	vld [tilespmem:s26+$0x13D50];
	[tilespmem:s30+$0x1B570] =	vst v20  }
0x78: {  	v32 =	vmul.f32 v24, v17;
	v24 =	vmul.f32 v25, v18;
	v14 =	vld [tilespmem:s26+$0x13D60]  }
0x79: {  	s29 =	simm.s32 $0x180;
	vm1 =	vge.f32 v28, $0.0e+00;
	v23 =	vmul.f32 v23, v29;
	v20 =	vbroadcast v22, $0x5;
	v17 =	vld [tilespmem:s28+$0x13D70]  }
0x7a: {  	s31 =	simm.s32 $0x800;
	v25 =	vsel vm1, v28, v31;
	v22 =	vmul.f32 v27, v21;
	v21 =	vmul.f32 v26, v30;
	v18 =	vld [tilespmem:s29+$0x16500];
	[tilespmem:s30+$0x1B500] =	vst v32  }
.LBB2_8:
0x7b: {  	p2 =	seq.s32 s31, $0x9E00;
	v26 =	vld [tilespmem:s29+$0x18D00];
	v25 =	vmul.f32 $1.442695020e+00, v25;
	[tilespmem:s30+$0x1B510] =	vst v24;
	v20 =	vmul.f32 v16, v20;
	v27 =	vmovc v5;
	v5 =	vmovc v12;
	v28 =	vmov v8  }
0x7c: {  	v19 =	vmul.f32 v15, v19;
	v8 =	vmov v11;
	v30 =	vmov v6;
	v24 =	vld [tilespmem:s29+$0x13D00];
	v29 =	vpop (erf);
	[tilespmem:s30+$0x1B520] =	vst v22  }
0x7d: {  	v6 =	vmovc v10;
	v16 =	vmovc v4;
	v4 =	vmov v13;
	v31 =	vld [tilespmem:s29+$0x13D10];
	(erf) = vpow2.f32 v25;
	v22 =	vbroadcast v29, $0x7;
	[tilespmem:s30+$0x1B530] =	vst v23  }
0x7e: {  	v15 =	vmovc v3;
	v23 =	vbroadcast v29, $0x0;
	v25 =	vbroadcast v29, $0x1;
	v3 =	vmov v14;
	v12 =	vld [tilespmem:s29+$0x13D20];
	[tilespmem:s30+$0x1B540] =	vst v21  }
0x7f: {  	v21 =	vbroadcast v29, $0x2;
	v11 =	vld [tilespmem:s29+$0x13D30];
	v14 =	vmul.f32 v17, v22;
	[tilespmem:s30+$0x1B550] =	vst v20  }
.Ltmp7:
0x80: {  	v32 =	vbroadcast v29, $0x3;
	v33 =	vbroadcast v29, $0x4;
	v26 =	vadd.f32 v26, v18;
	v10 =	vld [tilespmem:s29+$0x13D40];
	[tilespmem:s30+$0x1B560] =	vst v19;
	s30 =	smov.u32 s28;
	s28 =	smov.u32 s26;
	(pc) =	sbr.rel @!p2 .LBB2_8-.Ltmp7, $4  }
0x81: {  	v20 =	vbroadcast v29, $0x5;
	v19 =	vbroadcast v29, $0x6;
	s26 =	smov.u32 s29;
	v13 =	vld [tilespmem:s29+$0x13D50];
	[tilespmem:s30+$0x1B570] =	vst v14  }
0x82: {  	v23 =	vmul.f32 v23, v9;
	v9 =	vmovc v1;
	v1 =	vmov v24;
	v29 =	vmul.f32 $2.000000030e-01, v26;
	v14 =	vld [tilespmem:s26+$0x13D60]  }
0x83: {  	v22 =	vmul.f32 v21, v27;
	s29 =	sshra.s32 s31, $0x2;
	v24 =	vmul.f32 v25, v7;
	v7 =	vmovc v2;
	vm1 =	vge.f32 v26, $0.0e+00;
	v2 =	vmovc v31;
	v17 =	vld [tilespmem:s28+$0x13D70]  }
0x84: {  	v21 =	vmul.f32 v30, v33;
	s31 =	sadd.s32 $0x200, s31;
	v18 =	vld [tilespmem:s29+$0x16500];
	v25 =	vsel vm1, v26, v29;
	[tilespmem:s30+$0x1B500] =	vst v23;
	v23 =	vmul.f32 v28, v32  }
0x85: {  	v26 =	vld [tilespmem:s29+$0x18D00]  }
0x86: {  	v25 =	vmul.f32 $1.442695020e+00, v25;
	_ =	sdelay $0x1  }
0x87: {  	[tilespmem:s30+$0x1B510] =	vst v24;
	v40 =	vpop (erf);
	(erf) = vpow2.f32 v25  }
0x88: {  	v16 =	vmul.f32 v16, v20;
	v24 =	vld [tilespmem:s29+$0x13D00];
	[tilespmem:s30+$0x1B520] =	vst v22  }
0x89: {  	v15 =	vmul.f32 v15, v19;
	v22 =	vld [tilespmem:s29+$0x13D10];
	[tilespmem:s30+$0x1B530] =	vst v23;
	v42 =	vbroadcast v40, $0x7;
	v18 =	vadd.f32 v26, v18  }
0x8a: {  	v43 =	vbroadcast v40, $0x0;
	v44 =	vbroadcast v40, $0x1;
	v23 =	vld [tilespmem:s29+$0x13D20];
	[tilespmem:s30+$0x1B540] =	vst v21  }
0x8b: {  	v41 =	vld [tilespmem:s29+$0x13D30];
	[tilespmem:s30+$0x1B550] =	vst v16;
	v17 =	vmul.f32 v17, v42;
	v47 =	vmul.f32 $2.000000030e-01, v18  }
0x8c: {  	v45 =	vbroadcast v40, $0x2;
	v27 =	vbroadcast v40, $0x3;
	v16 =	vld [tilespmem:s29+$0x13D40];
	[tilespmem:s30+$0x1B560] =	vst v15;
	vm1 =	vge.f32 v18, $0.0e+00  }
0x8d: {  	v28 =	vbroadcast v40, $0x4;
	v9 =	vmul.f32 v43, v9;
	v46 =	vld [tilespmem:s29+$0x13D50];
	[tilespmem:s28+$0x1B570] =	vst v17;
	v49 =	vsel vm1, v18, v47  }
0x8e: {  	v7 =	vmul.f32 v44, v7;
	v29 =	vld [tilespmem:s29+$0x13D60];
	v50 =	vmul.f32 $1.442695020e+00, v49  }
0x8f: {  	v48 =	vbroadcast v40, $0x5;
	v5 =	vmul.f32 v45, v5;
	v30 =	vld [tilespmem:s26+$0x13D70];
	[tilespmem:s28+$0x1B500] =	vst v9  }
0x90: {  	v8 =	vmul.f32 v8, v27;
	[tilespmem:s28+$0x1B510] =	vst v7;
	v52 =	vpop (erf);
	(erf) = vpow2.f32 v50  }
0x91: {  	v51 =	vbroadcast v40, $0x6;
	v6 =	vmul.f32 v6, v28;
	[tilespmem:s28+$0x1B520] =	vst v5  }
0x92: {  	v4 =	vmul.f32 v4, v48;
	[tilespmem:s28+$0x1B530] =	vst v8;
	v53 =	vbroadcast v52, $0x7  }
0x93: {  	v3 =	vmul.f32 v3, v51;
	[tilespmem:s28+$0x1B540] =	vst v6;
	v54 =	vbroadcast v52, $0x0  }
0x94: {  	[tilespmem:s28+$0x1B550] =	vst v4;
	v55 =	vbroadcast v52, $0x1;
	v5 =	vmul.f32 v30, v53  }
0x95: {  	[tilespmem:s28+$0x1B560] =	vst v3;
	v3 =	vbroadcast v52, $0x2;
	v1 =	vmul.f32 v54, v1  }
0x96: {  	v58 =	vbroadcast v52, $0x4;
	v2 =	vmul.f32 v55, v2;
	[tilespmem:s26+$0x1B570] =	vst v5  }
0x97: {  	v56 =	vbroadcast v52, $0x3;
	v3 =	vmul.f32 v3, v12;
	v57 =	vld [tilespmem:s29+$0x13D70];
	[tilespmem:s26+$0x1B500] =	vst v1  }
0x98: {  	v4 =	vmul.f32 v10, v58;
	v1 =	vbroadcast v52, $0x5;
	[tilespmem:s26+$0x1B510] =	vst v2  }
0x99: {  	v5 =	vmul.f32 v11, v56;
	v2 =	vbroadcast v52, $0x6;
	[tilespmem:s26+$0x1B520] =	vst v3;
	v59 =	vpop (erf)  }
0x9a: {  	[tilespmem:s26+$0x1B540] =	vst v4;
	v1 =	vmul.f32 v13, v1;
	v3 =	vbroadcast v59, $0x7  }
0x9b: {  	[tilespmem:s26+$0x1B530] =	vst v5;
	v2 =	vmul.f32 v14, v2;
	v60 =	vbroadcast v59, $0x0  }
0x9c: {  	[tilespmem:s26+$0x1B550] =	vst v1;
	v1 =	vbroadcast v59, $0x2;
	v3 =	vmul.f32 v57, v3  }
0x9d: {  	[tilespmem:s26+$0x1B560] =	vst v2;
	v61 =	vbroadcast v59, $0x1;
	v2 =	vmul.f32 v60, v24  }
0x9e: {  	v62 =	vbroadcast v59, $0x3;
	v1 =	vmul.f32 v1, v23;
	[tilespmem:s29+$0x1B570] =	vst v3  }
0x9f: {  	v63 =	vbroadcast v59, $0x4;
	v3 =	vmul.f32 v61, v22;
	[tilespmem:s29+$0x1B500] =	vst v2  }
0xa0: {  	v5 =	vmul.f32 v41, v62;
	v2 =	vbroadcast v59, $0x5;
	[tilespmem:s29+$0x1B520] =	vst v1  }
.Ltmp8:
0xa1: {  	v4 =	vmul.f32 v16, v63;
	[tilespmem:s29+$0x1B510] =	vst v3;
	v3 =	vbroadcast v59, $0x6;
	(pc) =	sbr.rel .LBB2_13-.Ltmp8, $4  }
0xa2: {  	[tilespmem:s29+$0x1B530] =	vst v5;
	v1 =	vmul.f32 v46, v2  }
0xa3: {  	[tilespmem:s29+$0x1B540] =	vst v4;
	v2 =	vmul.f32 v29, v3  }
0xa4: {  	[tilespmem:s29+$0x1B550] =	vst v1  }
0xa5: {  	[tilespmem:s29+$0x1B560] =	vst v2  }
.LBB2_10:
0xa6: {  	_ =	swait.ge [sflag:s22], $0x2800  }
0xa7: {  	[sflag:s22] =	ssyncset.done $0x0  }
0xa8: {  	[sflag:s22] =	ssyncadd.s32 $0xFFFFD800  }
0xa9: {  	_ =	swait.ge [sflag:s22], $0x2800  }
0xaa: {  	[sflag:s22] =	ssyncset.done $0x0  }
0xab: {  	s26 =	simm.s32 $0x0;
	[sflag:s22] =	ssyncadd.s32 $0xFFFFD800  }
0xac: {  	v1 =	vld [tilespmem:s26+$0x16500]  }
0xad: {  	s28 =	simm.s32 $0x80;
	v2 =	vld [tilespmem:s26+$0x18D00]  }
0xae: {  	v3 =	vld [tilespmem:s28+$0x16500]  }
0xaf: {  	v4 =	vld [tilespmem:s28+$0x18D00];
	_ =	sdelay $0x2  }
0xb0: {  	v1 =	vadd.f32 v2, v1;
	_ =	sdelay $0x1  }
0xb1: {  	v3 =	vadd.f32 v4, v3;
	v4 =	vmul.f32 $2.000000030e-01, v1  }
0xb2: {  	s29 =	simm.s32 $0x100;
	vm1 =	vge.f32 v1, $0.0e+00  }
0xb3: {  	v5 =	vld [tilespmem:s29+$0x16500];
	v1 =	vsel vm1, v1, v4  }
0xb4: {  	v2 =	vld [tilespmem:s29+$0x18D00];
	v1 =	vnsel vm0, $0x0, v1  }
0xb5: {  	v1 =	vmul.f32 $1.442695020e+00, v1  }
0xb6: {  	v6 =	vmul.f32 $2.000000030e-01, v3  }
0xb7: {  	vm1 =	vge.f32 v3, $0.0e+00;
	(erf) = vpow2.f32 v1  }
0xb8: {  	v3 =	vsel vm1, v3, v6  }
0xb9: {  	v4 =	vadd.f32 v2, v5;
	v2 =	vnsel vm0, $0x0, v3  }
0xba: {  	s30 =	simm.s32 $0x180;
	v2 =	vmul.f32 $1.442695020e+00, v2  }
0xbb: {  	v1 =	vld [tilespmem:s30+$0x16500]  }
0xbc: {  	(erf) = vpow2.f32 v2;
	v2 =	vld [tilespmem:s30+$0x18D00]  }
0xbd: {  	v3 =	vmul.f32 $2.000000030e-01, v4  }
0xbe: {  	vm1 =	vge.f32 v4, $0.0e+00  }
0xbf: {  	s31 =	simm.s32 $0x800;
	v3 =	vsel vm1, v4, v3  }
.LBB2_11:
0xc0: {  	s0 =	sshra.s32 s31, $0x2;
	v3 =	vnsel vm0, $0x0, v3;
	v4 =	vpop (erf);
	p2 =	sne.s32 s31, $0x9E00  }
.Ltmp9:
0xc1: {  	s31 =	sadd.s32 $0x200, s31;
	v5 =	vadd.f32 v2, v1;
	v1 =	vld [tilespmem:s0+$0x16500];
	v3 =	vmul.f32 $1.442695020e+00, v3;
	[tilespmem:s26+$0x1B500] =	vst v4;
	(pc) =	sbr.rel @p2 .LBB2_11-.Ltmp9, $4  }
0xc2: {  	s26 =	smov.u32 s28;
	s28 =	smov.u32 s29;
	s29 =	smov.u32 s30;
	v2 =	vld [tilespmem:s0+$0x18D00]  }
0xc3: {  	s30 =	smov.u32 s0;
	v4 =	vmul.f32 $2.000000030e-01, v5;
	(erf) = vpow2.f32 v3  }
0xc4: {  	vm1 =	vge.f32 v5, $0.0e+00  }
0xc5: {  	v3 =	vsel vm1, v5, v4  }
.Ltmp10:
0xc6: {  	_ = 	snop;
	(pc) =	sbr.rel .LBB2_12-.Ltmp10, $1  }
0xc7: {  	_ =	sdelay $0x3  }
.LBB2_15:
0xc8: {  	_ =	sfence.sel $0x180000  }
0xc9: {  	[bflag:$0x0] =	sbarrier.arrive $0xFFFF  }
0xca: {  	_ =	strace $0x9000004A  }
0xcb: {  	[bflag:$0x2] =	sbarrier.arrive $0xFFFF  }
0xcc: {  	p0 =	sne.s32 s3, $0x0;
	s0 =	rddreg [dreg:$0x3]  }
0xcd: {  	s0 =	sadd.s32 @!p0 $0x100000, s0  }
0xce: {  	[sflag:s0] =	ssyncadd.tile.s32 @!p0 $0x1;
	_ =	shalt  }
.Lfunc_end2:
_tile_overlayer_lowered:
.L_overlay_start_2:
0xcf: {  	(tag) =	ssettag $0x2  }
0xd0: {  	s0 =	rddreg [dreg:$0x0];
	s2 =	stileid.u32  }
0xd1: {  	s1 =	rddreg [dreg:$0x1];
	p0 =	sne.s32 s2, $0x0  }
0xd2: {  	s3 =	rddreg [dreg:$0x2];
	[bflag:$0x3] =	sbarrier.arrive $0xFFFF;
	s2 =	simm.s32 @!p0 $0x1C02  }
0xd3: {  	[timem:s3], [sflag:s2] =	dma.local @!p0 [hbm:s0], s1  }
0xd4: {  	s0 =	simm.s32 @!p0 $0x2  }
0xd5: {  	_ =	swait.ge @!p0 [sflag:s0], s1  }
0xd6: {  	s1 =	ssub.s32 @!p0 $0x0, s1;
	[sflag:s0] =	ssyncset.done @!p0 $0x0  }
0xd7: {  	[sflag:s0] =	ssyncadd.s32 @!p0 s1  }
0xd8: {  	[bflag:$0x3] =	sbarrier.arrive $0xFFFF  }
0xd9: {  	_ =	shalt  }

// kernel: kernel.13.cloned.1.call-start
scs
__scs_entry_jumppad:
0x0: {  	(pc) =	sbr.rel $0x88, $3  }
0x1: {  	(tag) =	ssettag $0x0;
	lr =	simm.s32 $0x1  }
0x2: {  	[smem:$0x3F71] =	sst lr;
	_ =	strace $0xD0000000  }
0x3: {  	_ = 	snop  }
0x4: {  	_ = 	snop  }
0x5: {  	_ = 	snop  }
0x6: {  	_ = 	snop  }
0x7: {  	_ = 	snop  }
__scs_overlays_trampoline_lowered:
0x8: {  	[smem:$0x3F80] =	sst s0  }
0x9: {  	[smem:$0x3F81] =	sst s1  }
0xa: {  	[smem:$0x3F82] =	sst s2  }
0xb: {  	[smem:$0x3F83] =	sst s3  }
0xc: {  	[smem:$0x3F84] =	sst s4  }
0xd: {  	[smem:$0x3F85] =	sst s5  }
0xe: {  	[smem:$0x3F86] =	sst s6  }
0xf: {  	[smem:$0x3F87] =	sst s7  }
0x10: {  	[smem:$0x3F88] =	sst s8  }
0x11: {  	[smem:$0x3F89] =	sst s9;
	s0 =	simm.s32 @!p0 $0x0  }
0x12: {  	s1 =	sld [smem:$0x3F6F];
	s0 =	simm.s32 @p0 $0x1  }
0x13: {  	[smem:$0x3F8A] =	sst s0;
	s0 =	simm.s32 @!p1 $0x0  }
0x14: {  	s2 =	sld [smem:$0x3F6E];
	s0 =	simm.s32 @p1 $0x1  }
0x15: {  	[smem:$0x3F8B] =	sst s0;
	s0 =	simm.s32 @!p2 $0x0  }
0x16: {  	s3 =	sld [smem:$0x3FDB];
	s0 =	simm.s32 @p2 $0x1  }
0x17: {  	s4 =	simm.s32 $0x1BF5;
	[smem:$0x3F8D] =	sst s0  }
0x18: {  	s0 =	sld [smem:$0x3F70];
	_ =	swait.ge [sflag:s4], $0x0  }
0x19: {  	s7 =	sld [smem:$0x3F71]  }
0x1a: {  	s8 =	sadd.s32 $0xFFFFE003, lr  }
0x1b: {  	s9 =	sadd.s32 $0xFFFFFEF7, lr;
	s5 =	simm.s32 $0xFFFFFFFF;
	p2 =	slt.u32 s8, $0xFFFFF086  }
0x1c: {  	p1 =	slt.u32 s9, $0xF7A;
	s5 =	simm.s32 @!p2 $0x0  }
0x1d: {  	s5 =	simm.s32 @p1 $0x1;
	p0 =	seq.s32 s7, s2  }
0x1e: {  	s7 =	smul.u32 @!p0 $0xF7A, s2;
	p2 =	seq.s32 @!p0 s5, $0x0  }
0x1f: {  	s9 =	smul.u32 $0xF7A, s1;
	s8 =	simm.s32 @!p0 $0x1BF5;
	p2 =	por !p2, p0  }
0x20: {  	[sflag:s8] =	ssyncset.s32 @!p0 $0xFFFFF086;
	s6 =	sadd.s32 @!p0 s3, s7;
	s7 =	simm.s32 @!p0 $0x108  }
0x21: {  	s3 =	sadd.s32 s3, s9;
	s6 =	sadd.s32 @!p0 $0x88, s6;
	s7 =	simm.s32 @p2 $0x1082  }
0x22: {  	[simem:s7], [sflag:s8] =	dma.local @!p0 [hbm:s6], $0xF7A  }
0x23: {  	s9 =	sor.u32 $0xD0000000, s2;
	s6 =	simm.s32 $0x108;
	_ =	swait.ge @!p0 [sflag:s8], $0x0  }
0x24: {  	s3 =	sadd.s32 $0x88, s3;
	s6 =	simm.s32 @!p1 $0x1082;
	[sflag:s4] =	ssyncset.s32 $0xFFFFF086  }
0x25: {  	[simem:s6], [sflag:s4] =	dma.local [hbm:s3], $0xF7A  }
0x26: {  	[smem:$0x3F71] =	sst s1;
	(tag) =	ssettag s2;
	_ =	strace s9  }
0x27: {  	s1 =	sld [smem:$0x3F81]  }
0x28: {  	s2 =	sld [smem:$0x3F82]  }
0x29: {  	s4 =	sld [smem:$0x3F84]  }
0x2a: {  	p0 =	seq.s32 s5, $0x0;
	s5 =	sld [smem:$0x3F85]  }
0x2b: {  	s6 =	sld [smem:$0x3F86]  }
0x2c: {  	s7 =	sld [smem:$0x3F87]  }
0x2d: {  	s3 =	simm.s32 $0x108;
	s8 =	sld [smem:$0x3F88]  }
0x2e: {  	s3 =	simm.s32 @!p0 $0x1082;
	s9 =	sld [smem:$0x3F89]  }
0x2f: {  	lr =	sadd.s32 s0, s3;
	s0 =	sld [smem:$0x3F80]  }
0x30: {  	s3 =	sld [smem:$0x3F83]  }
0x31: {  	[smem:$0x3F8C] =	sst s10  }
0x32: {  	s10 =	sld [smem:$0x3F8A];
	_ =	sdelay $0x3  }
0x33: {  	p0 =	seq.s32 s10, $0x1;
	s10 =	sld [smem:$0x3F8C];
	_ =	sdelay $0x3  }
0x34: {  	[smem:$0x3F8C] =	sst s10  }
0x35: {  	s10 =	sld [smem:$0x3F8B];
	_ =	sdelay $0x3  }
0x36: {  	p1 =	seq.s32 s10, $0x1;
	s10 =	sld [smem:$0x3F8C];
	_ =	sdelay $0x3  }
0x37: {  	[smem:$0x3F8C] =	sst s10  }
0x38: {  	s10 =	sld [smem:$0x3F8D]  }
0x39: {  	_ = 	snop;
	(pc) =	sbr.ind lr, $3  }
0x3a: {  	_ = 	snop  }
0x3b: {  	_ = 	snop  }
0x3c: {  	p2 =	seq.s32 s10, $0x1;
	s10 =	sld [smem:$0x3F8C]  }
0x3d: {  	_ =	shalt  }
0x3e: {  	_ =	shalt  }
0x3f: {  	_ =	shalt  }
0x40: {  	_ =	shalt  }
0x41: {  	_ =	shalt  }
0x42: {  	_ =	shalt  }
0x43: {  	_ =	shalt  }
0x44: {  	_ =	shalt  }
0x45: {  	_ =	shalt  }
0x46: {  	_ =	shalt  }
0x47: {  	_ =	shalt  }
0x48: {  	_ =	shalt  }
0x49: {  	_ =	shalt  }
0x4a: {  	_ =	shalt  }
0x4b: {  	_ =	shalt  }
0x4c: {  	_ =	shalt  }
0x4d: {  	_ =	shalt  }
0x4e: {  	_ =	shalt  }
0x4f: {  	_ =	shalt  }
0x50: {  	_ =	shalt  }
0x51: {  	_ =	shalt  }
0x52: {  	_ =	shalt  }
0x53: {  	_ =	shalt  }
0x54: {  	_ =	shalt  }
0x55: {  	_ =	shalt  }
0x56: {  	_ =	shalt  }
0x57: {  	_ =	shalt  }
0x58: {  	_ =	shalt  }
0x59: {  	_ =	shalt  }
0x5a: {  	_ =	shalt  }
0x5b: {  	_ =	shalt  }
0x5c: {  	_ =	shalt  }
0x5d: {  	_ =	shalt  }
0x5e: {  	_ =	shalt  }
0x5f: {  	_ =	shalt  }
0x60: {  	_ =	shalt  }
0x61: {  	_ =	shalt  }
0x62: {  	_ =	shalt  }
0x63: {  	_ =	shalt  }
0x64: {  	_ =	shalt  }
0x65: {  	_ =	shalt  }
0x66: {  	_ =	shalt  }
0x67: {  	_ =	shalt  }
0x68: {  	_ =	shalt  }
0x69: {  	_ =	shalt  }
0x6a: {  	_ =	shalt  }
0x6b: {  	_ =	shalt  }
0x6c: {  	_ =	shalt  }
0x6d: {  	_ =	shalt  }
0x6e: {  	_ =	shalt  }
0x6f: {  	_ =	shalt  }
0x70: {  	_ =	shalt  }
0x71: {  	_ =	shalt  }
0x72: {  	_ =	shalt  }
0x73: {  	_ =	shalt  }
0x74: {  	_ =	shalt  }
0x75: {  	_ =	shalt  }
0x76: {  	_ =	shalt  }
0x77: {  	_ =	shalt  }
0x78: {  	_ =	shalt  }
0x79: {  	_ =	shalt  }
0x7a: {  	_ =	shalt  }
0x7b: {  	_ =	shalt  }
0x7c: {  	_ =	shalt  }
0x7d: {  	_ =	shalt  }
0x7e: {  	_ =	shalt  }
0x7f: {  	_ =	shalt  }
0x80: {  	_ =	shalt  }
0x81: {  	_ =	shalt  }
0x82: {  	_ =	shalt  }
0x83: {  	_ =	shalt  }
0x84: {  	_ =	shalt  }
0x85: {  	_ =	shalt  }
0x86: {  	_ =	shalt  }
0x87: {  	_ =	shalt  }
.Lfunc_end0:
.L_simem_size_0:
called_computation.1_lowered:
.L_overlay_start_0:
0x88: {  	s2 =	sld [smem:$0x3FD9]  }
0x89: {  	s3 =	sld [smem:$0x3FFE];
	_ =	sdelay $0x1  }
0x8a: {  	s1 =	srdreg.scid  }
0x8b: {  	s0 =	sand.u32 $0x1, s1  }
0x8c: {  	s16 =	sshll.u32 s0, $0xA;
	s2 =	sadd.s32 s3, s2  }
0x8d: {  	s2 =	sadd.s32 s2, s16  }
0x8e: {  	[smem:$0x3F98] =	sst s2  }
0x8f: {  	_ = 	snop  }
0x90: {  	(tm) =	ssettm $0x1  }
0x91: {  	s17 =	sld [smem:$0x3FFB];
	_ =	sdelay $0x3  }
0x92: {  	_ =	strace s17  }
0x93: {  	s2 =	sld [smem:$0x3FFC];
	_ =	sdelay $0x3  }
0x94: {  	_ =	strace s2  }
0x95: {  	s2 =	sld [smem:$0x3FFD];
	_ =	sdelay $0x3  }
0x96: {  	_ =	strace s2  }
0x97: {  	_ =	strace $0x8FFFFFFF  }
0x98: {  	s18 =	sld [smem:$0x3FDB];
	_ =	sdelay $0x1  }
0x99: {  	s19 =	simm.s32 $_scs_section_size  }
0x9a: {  	s4 =	simm.s32 $_size__tile_overlayer_lowered;
	s5 =	simm.s32 $_tile_overlayer_lowered  }
0x9b: {  	s22 =	simm.s32 $0x1BFF;
	s21 =	sshll.u32 s5, $0x1;
	s2 =	sadd.s32 s19, s18  }
0x9c: {  	s6 =	simm.s32 $0x0;
	s20 =	sshll.u32 s4, $0x1;
	s4 =	sadd.s32 s21, s2  }
0x9d: {  	[timem:s6], [sflag:s22] =	dma.local [hbm:s4], s20  }
0x9e: {  	_ =	swait.ge [sflag:s22], s20  }
0x9f: {  	s3 =	ssub.s32 $0x0, s20;
	[sflag:s22] =	ssyncset.done $0x0  }
0xa0: {  	[sflag:s22] =	ssyncadd.s32 s3;
	_ =	sdelay $0x1  }
0xa1: {  	s23 =	simm.s32 $0x1B8B  }
0xa2: {  	_ =	swait.ge [sflag:s23], $0x1  }
0xa3: {  	[sflag:s23] =	ssyncset.done $0x0  }
0xa4: {  	s25 =	simm.s32 $0x1B8E;
	s24 =	sld [smem:$0x3FFE];
	[sflag:s23] =	ssyncadd.s32 $0xFFFFFFFF  }
0xa5: {  	s26 =	simm.s32 $execute0_lowered;
	[smem:$0x3FD2] =	sst s25  }
0xa6: {  	s4 =	sshll.u32 s26, $0x1;
	_ =	strace $0x80000046;
	[dreg:$0x1] =	wrdreg $0xFFFFFFFF  }
0xa7: {  	s28 =	simm.s32 $_size_execute0_lowered;
	s2 =	sadd.s32 s2, s4;
	[dreg:$0x0] =	wrdreg $0x0  }
0xa8: {  	s4 =	sshll.u32 s28, $0x1;
	[dreg:$0x2] =	wrdreg s2  }
0xa9: {  	[dreg:$0x3] =	wrdreg s4  }
0xaa: {  	[dreg:$0x4] =	wrdreg $0xC0  }
0xab: {  	_ =	task [dreg:s6], $0x5FFFF  }
0xac: {  	[dreg:$0x1] =	wrdreg $0xFFFFFFFF  }
0xad: {  	[dreg:$0x0] =	wrdreg $0x60  }
0xae: {  	[dreg:$0x2] =	wrdreg s24  }
0xaf: {  	[dreg:$0x3] =	wrdreg $0x0  }
0xb0: {  	[dreg:$0x4] =	wrdreg $0xA  }
0xb1: {  	_ =	task.clear_ibuf [dreg:s6], $0x5FFFF;
	_ =	strace $0x90000046  }
0xb2: {  	s29 =	simm.s32 $0xA;
	_ =	strace $0x80000048  }
0xb3: {  	_ =	swait.ge [sflag:s29], $0x1  }
0xb4: {  	[sflag:s29] =	ssyncadd.s32 $0xFFFFFFFF  }
0xb5: {  	_ =	strace $0x90000048  }
0xb6: {  	_ =	sfence  }
0xb7: {  	s30 =	sld [smem:$0x0];
	_ =	sdelay $0x2  }
0xb8: {  	s31 =	sshll.u32 s1, $0xD;
	s1 =	sshrl.u32 s1, $0x2  }
0xb9: {  	s3 =	sand.u32 $0x4000, s31;
	s1 =	sadd.s32 s1, s30  }
0xba: {  	s0 =	sor.u32 s3, s0;
	s1 =	sshll.u32 s1, $0x11  }
0xbb: {  	s0 =	sor.u32 s1, s0  }
0xbc: {  	s0 =	sadd.s32 $0x8F2B, s0  }
0xbd: {  	[sflag:s0] =	ssyncadd.remote.s32 $0x1  }
0xbe: {  	_ =	sfence.sel $0xFFFF  }
0xbf: {  	[dreg:$0x0] =	wrdreg $0xFFFFFFFF;
	(pc) =	sbr.abs _section_cstart, $3  }
0xc0: {  	[dreg:$0x1] =	wrdreg $0xFFFFFFFF  }
0xc1: {  	_ =	task.clear_ibuf [dreg:s6], $0x2FFFF;
	_ =	strace $0x9FFFFFFF  }
0xc2: {  	(tm) =	ssettm $0x7FFFFFFF  }
0xc3: {  	_ =	shalt  }
tec
execute0_lowered:
.L_overlay_start_1:
0x0: {  	(tag) =	ssettag $0x1  }
0x1: {  	s7 =	rddreg [dreg:$0x0];
	s0 =	stileid.u32  }
0x2: {  	s1 =	srdreg.scid;
	s2 =	rddreg [dreg:$0x1]  }
0x3: {  	s3 =	simm.s32 $0x0;
	s13 =	simm.s32 $0x2;
	s14 =	simm.s32 $0x16500  }
0x4: {  	s16 =	simm.s32 $0x3;
	s17 =	simm.s32 $0x0;
	s5 =	smul.u32 $0x9C4, s0  }
0x5: {  	s15 =	sand.u32 $0x1, s1;
	[smem:$0x7FF] =	sst s3;
	s8 =	smul.u32 $0x13C00, s0  }
0x6: {  	s4 =	sadd.s32 $0x6600, s7;
	s9 =	smul.u32 $0x4F000, s0;
	s31 =	sshll.u32 s0, $0x6  }
0x7: {  	s6 =	smul.u32 $0x13C000, s15;
	_ =	strace $0x80000047;
	s10 =	ssub.s32 $0x2, s15  }
0x8: {  	p0 =	sne.s32 s15, $0x0;
	s15 =	simm.s32 $0x13C80;
	s11 =	sadd.s32 s5, s7  }
0x9: {  	s5 =	sadd.s32 $0x90A00, s7;
	s30 =	sshrl.u32 s10, $0x1;
	s9 =	sshrl.u32 s9, $0x2  }
0xa: {  	s8 =	sadd.s32 s8, s6;
	s6 =	sadd.s32 $0x93200, s7;
	s10 =	ssub.s32 s10, s30  }
0xb: {  	s12 =	sadd.s32 s9, s2;
	s8 =	sshrl.u32 s8, $0x3;
	s9 =	smax.u32 s10, $0x1  }
0xc: {  	s10 =	sadd.s32 $0x5F400, s11;
	s11 =	sadd.s32 $0x55600, s11;
	s8 =	sadd.s32 s8, s7  }
0xd: {  	s12 =	sshrl.u32 s12, $0x3;
	s7 =	sor.u32 $0x1C02, s31;
	s8 =	sadd.s32 $0x93800, s8  }
.LBB2_1:
0xe: {  	[spmem:s12], [sflag:s7] =	dma.local [hbm:s5], $0x2780  }
0xf: {  	_ =	swait.ge [sflag:s13], $0x2780  }
0x10: {  	[sflag:s13] =	ssyncset.done $0x0  }
0x11: {  	[sflag:s13] =	ssyncadd.s32 $0xFFFFD880  }
0x12: {  	[tilespmem:s14], [sflag:$0x2] =	stream.linear.gather [hbm4b:s6+s3], $0x2800, $0x38;
	[tilespmem:$0x18D00] =	vst v63  }
0x13: {  	_ =	swait.ge [sflag:s13], $0x2800  }
0x14: {  	[sflag:s13] =	ssyncset.done $0x0  }
0x15: {  	[sflag:s13] =	ssyncadd.s32 $0xFFFFD800  }
0x16: {  	s18 =	sadd.s32 $0x0, s11;
	[bflag:$0x0] =	sbarrier.arrive $0xFFFF  }
0x17: {  	[tilespmem:s15], [sflag:$0x3] =	stream.linear.gather [hbm4b:s18+s3], $0x50, $0x38;
	[tilespmem:$0x18D00] =	vst v63  }
0x18: {  	_ =	swait.ge [sflag:s16], $0x50  }
0x19: {  	s19 =	simm.s32 @!p0 $0x3;
	s20 =	simm.s32 @p0 $0x50;
	[sflag:s16] =	ssyncset.done $0x0  }
0x1a: {  	s21 =	simm.s32 @p0 $0x13C80;
	s18 =	simm.s32 @p0 $0x16500;
	[sflag:s16] =	ssyncadd.s32 $0xFFFFFFB0  }
0x1b: {  	[spmem:s2] =	stream.indirect.scatter.add.f32 @p0 [tilespmem:s18], [sflag:$0x2], $0x80, s21, s20, $0xb8;
	[tilespmem:$0x18D00] =	vst v63  }
0x1c: {  	s24 =	sadd.s32 @!p0 $0x0, s10;
	s22 =	simm.s32 @!p0 $0x0;
	s23 =	simm.s32 @!p0 $0x13C00  }
0x1d: {  	[tilespmem:s23], [sflag:$0x3] =	stream.linear.gather @!p0 [hbm4b:s24+s22], $0x50, $0x38;
	[tilespmem:$0x18D00] =	vst v63  }
0x1e: {  	_ =	swait.ge @!p0 [sflag:s19], $0x50  }
0x1f: {  	s25 =	simm.s32 @!p0 $0x50;
	[sflag:s19] =	ssyncset.done @!p0 $0x0  }
0x20: {  	s26 =	simm.s32 @!p0 $0x13D00;
	s24 =	simm.s32 @!p0 $0x1;
	[sflag:s19] =	ssyncadd.s32 @!p0 $0xFFFFFFB0  }
0x21: {  	[tilespmem:s26], [sflag:$0x1] =	stream.indirect.gather @!p0 [hbm4b:s4+s25], $0x80, s23, s25, $0xb8;
	[tilespmem:$0x18D00] =	vst v63  }
0x22: {  	_ =	swait.ge @!p0 [sflag:s24], $0x2800  }
0x23: {  	s28 =	simm.s32 @!p0 $0x3;
	[sflag:s24] =	ssyncset.done @!p0 $0x0  }
0x24: {  	s30 =	simm.s32 @!p0 $0x13C80;
	s28 =	simm.s32 @p0 $0x2;
	[sflag:s24] =	ssyncadd.s32 @!p0 $0xFFFFD800  }
0x25: {  	[spmem:s2] =	stream.indirect.scatter.add.f32 @!p0 [tilespmem:s26], [sflag:$0x3], $0x80, s30, s25, $0xb8;
	[tilespmem:$0x18D00] =	vst v63  }
0x26: {  	_ =	swait.ge [sflag:s28], $0x2800  }
0x27: {  	s29 =	simm.s32 $0xA;
	s31 =	simm.s32 $0x14;
	[sflag:s28] =	ssyncset.done $0x0  }
.LBB2_2:
0x28: {  	s1 =	sadd.s32 s29, s11  }
0x29: {  	[sflag:s28] =	ssyncadd.s32 $0xFFFFD800;
	s0 =	smov.u32 s31;
	s31 =	sadd.s32 $0xA, s31  }
0x2a: {  	[tilespmem:s15], [sflag:$0x3] =	stream.linear.gather [hbm4b:s1+s3], $0x50, $0x38;
	[tilespmem:$0x18D00] =	vst v63  }
0x2b: {  	p1 =	sne.s32 s31, $0x9C4;
	_ =	swait.ge [sflag:s16], $0x50  }
0x2c: {  	[sflag:s16] =	ssyncset.done $0x0  }
0x2d: {  	[sflag:s16] =	ssyncadd.s32 $0xFFFFFFB0  }
0x2e: {  	[spmem:s2] =	stream.indirect.scatter.add.f32 @p0 [tilespmem:s18], [sflag:$0x2], $0x80, s21, s20, $0xb8;
	[tilespmem:$0x18D00] =	vst v63  }
0x2f: {  	s1 =	sadd.s32 @!p0 s29, s10  }
0x30: {  	[tilespmem:s23], [sflag:$0x3] =	stream.linear.gather @!p0 [hbm4b:s1+s22], $0x50, $0x38;
	[tilespmem:$0x18D00] =	vst v63  }
0x31: {  	s29 =	smov.u32 s0;
	_ =	swait.ge @!p0 [sflag:s19], $0x50  }
0x32: {  	[sflag:s19] =	ssyncset.done @!p0 $0x0  }
0x33: {  	[sflag:s19] =	ssyncadd.s32 @!p0 $0xFFFFFFB0  }
0x34: {  	[tilespmem:s26], [sflag:$0x1] =	stream.indirect.gather @!p0 [hbm4b:s4+s25], $0x80, s23, s25, $0xb8;
	[tilespmem:$0x18D00] =	vst v63  }
0x35: {  	_ =	swait.ge @!p0 [sflag:s24], $0x2800  }
.Ltmp0:
0x36: {  	[sflag:s24] =	ssyncset.done @!p0 $0x0;
	(pc) =	sbr.rel @p1 .LBB2_2-.Ltmp0, $4  }
0x37: {  	[sflag:s24] =	ssyncadd.s32 @!p0 $0xFFFFD800  }
0x38: {  	[spmem:s2] =	stream.indirect.scatter.add.f32 @!p0 [tilespmem:s26], [sflag:$0x3], $0x80, s30, s25, $0xb8;
	[tilespmem:$0x18D00] =	vst v63  }
0x39: {  	_ =	swait.ge [sflag:s28], $0x2800  }
0x3a: {  	[sflag:s28] =	ssyncset.done $0x0  }
0x3b: {  	s0 =	sadd.s32 s29, s11;
	[sflag:s28] =	ssyncadd.s32 $0xFFFFD800  }
0x3c: {  	[tilespmem:s15], [sflag:$0x3] =	stream.linear.gather [hbm4b:s0+s3], $0x50, $0x38;
	[tilespmem:$0x18D00] =	vst v63  }
0x3d: {  	_ =	swait.ge [sflag:s16], $0x50  }
0x3e: {  	s1 =	simm.s32 @!p0 $0x3;
	s18 =	simm.s32 @p0 $0x50;
	[sflag:s16] =	ssyncset.done $0x0  }
0x3f: {  	s19 =	simm.s32 @p0 $0x13C80;
	s0 =	simm.s32 @p0 $0x16500;
	[sflag:s16] =	ssyncadd.s32 $0xFFFFFFB0  }
0x40: {  	[spmem:s2] =	stream.indirect.scatter.add.f32 @p0 [tilespmem:s0], [sflag:$0x2], $0x80, s19, s18, $0xb8;
	[tilespmem:$0x18D00] =	vst v63  }
0x41: {  	s0 =	sadd.s32 @!p0 s29, s10;
	s18 =	simm.s32 @!p0 $0x0;
	s19 =	simm.s32 @!p0 $0x13C00  }
0x42: {  	[tilespmem:s19], [sflag:$0x3] =	stream.linear.gather @!p0 [hbm4b:s0+s18], $0x50, $0x38;
	[tilespmem:$0x18D00] =	vst v63  }
0x43: {  	_ =	swait.ge @!p0 [sflag:s1], $0x50  }
0x44: {  	s20 =	simm.s32 @!p0 $0x13D00;
	[sflag:s1] =	ssyncset.done @!p0 $0x0  }
0x45: {  	s0 =	simm.s32 @!p0 $0x1;
	s18 =	simm.s32 @!p0 $0x50;
	[sflag:s1] =	ssyncadd.s32 @!p0 $0xFFFFFFB0  }
0x46: {  	[tilespmem:s20], [sflag:$0x1] =	stream.indirect.gather @!p0 [hbm4b:s4+s18], $0x80, s19, s18, $0xb8;
	[tilespmem:$0x18D00] =	vst v63  }
0x47: {  	_ =	swait.ge @!p0 [sflag:s0], $0x2800  }
0x48: {  	[sflag:s0] =	ssyncset.done @!p0 $0x0  }
0x49: {  	s1 =	simm.s32 @p0 $0x2;
	[sflag:s0] =	ssyncadd.s32 @!p0 $0xFFFFD800;
	s0 =	simm.s32 @!p0 $0x13C80  }
0x4a: {  	[spmem:s2] =	stream.indirect.scatter.add.f32 @!p0 [tilespmem:s20], [sflag:$0x3], $0x80, s0, s18, $0xb8;
	[tilespmem:$0x18D00] =	vst v63  }
0x4b: {  	_ =	swait.ge [sflag:s1], $0x2800  }
0x4c: {  	s17 =	sadd.s32 $0x1, s17;
	[sflag:s1] =	ssyncset.done $0x0  }
0x4d: {  	p1 =	sne.s32 s17, s9;
	[sflag:s1] =	ssyncadd.s32 $0xFFFFD800  }
.Ltmp1:
0x4e: {  	[bflag:$0x0] =	sbarrier.arrive $0xFFFF;
	(pc) =	sbr.rel @p1 .LBB2_1-.Ltmp1, $4  }
0x4f: {  	[hbm:s8], [sflag:s7] =	dma.local [spmem:s12], $0x2780  }
0x50: {  	_ =	swait.ge [sflag:s13], $0x2780  }
0x51: {  	[sflag:s13] =	ssyncset.done $0x0  }
0x52: {  	[sflag:s13] =	ssyncadd.s32 $0xFFFFD880  }
0x53: {  	_ =	sfence.sel $0x180000  }
0x54: {  	[bflag:$0x0] =	sbarrier.arrive $0xFFFF  }
0x55: {  	_ =	strace $0x90000047  }
0x56: {  	s0 =	stileid.u32;
	[bflag:$0x2] =	sbarrier.arrive $0xFFFF  }
0x57: {  	p0 =	sne.s32 s0, $0x0;
	s0 =	rddreg [dreg:$0x2]  }
0x58: {  	s0 =	sadd.s32 @!p0 $0x100000, s0  }
0x59: {  	[sflag:s0] =	ssyncadd.tile.s32 @!p0 $0x1;
	_ =	shalt  }
.Lfunc_end2:
_tile_overlayer_lowered:
.L_overlay_start_2:
0x5a: {  	(tag) =	ssettag $0x2  }
0x5b: {  	s0 =	rddreg [dreg:$0x0];
	s2 =	stileid.u32  }
0x5c: {  	s1 =	rddreg [dreg:$0x1];
	p0 =	sne.s32 s2, $0x0  }
0x5d: {  	s3 =	rddreg [dreg:$0x2];
	[bflag:$0x3] =	sbarrier.arrive $0xFFFF;
	s2 =	simm.s32 @!p0 $0x1C02  }
0x5e: {  	[timem:s3], [sflag:s2] =	dma.local @!p0 [hbm:s0], s1  }
0x5f: {  	s0 =	simm.s32 @!p0 $0x2  }
0x60: {  	_ =	swait.ge @!p0 [sflag:s0], s1  }
0x61: {  	s1 =	ssub.s32 @!p0 $0x0, s1;
	[sflag:s0] =	ssyncset.done @!p0 $0x0  }
0x62: {  	[sflag:s0] =	ssyncadd.s32 @!p0 s1  }
0x63: {  	[bflag:$0x3] =	sbarrier.arrive $0xFFFF  }
0x64: {  	_ =	shalt  }

// kernel: kernel.16.cloned.1.call-start
scs
__scs_entry_jumppad:
0x0: {  	(pc) =	sbr.rel $0x88, $3  }
0x1: {  	(tag) =	ssettag $0x0;
	lr =	simm.s32 $0x1  }
0x2: {  	[smem:$0x3F71] =	sst lr;
	_ =	strace $0xD0000000  }
0x3: {  	_ = 	snop  }
0x4: {  	_ = 	snop  }
0x5: {  	_ = 	snop  }
0x6: {  	_ = 	snop  }
0x7: {  	_ = 	snop  }
__scs_overlays_trampoline_lowered:
0x8: {  	[smem:$0x3F80] =	sst s0  }
0x9: {  	[smem:$0x3F81] =	sst s1  }
0xa: {  	[smem:$0x3F82] =	sst s2  }
0xb: {  	[smem:$0x3F83] =	sst s3  }
0xc: {  	[smem:$0x3F84] =	sst s4  }
0xd: {  	[smem:$0x3F85] =	sst s5  }
0xe: {  	[smem:$0x3F86] =	sst s6  }
0xf: {  	[smem:$0x3F87] =	sst s7  }
0x10: {  	[smem:$0x3F88] =	sst s8  }
0x11: {  	[smem:$0x3F89] =	sst s9;
	s0 =	simm.s32 @!p0 $0x0  }
0x12: {  	s1 =	sld [smem:$0x3F6F];
	s0 =	simm.s32 @p0 $0x1  }
0x13: {  	[smem:$0x3F8A] =	sst s0;
	s0 =	simm.s32 @!p1 $0x0  }
0x14: {  	s2 =	sld [smem:$0x3F6E];
	s0 =	simm.s32 @p1 $0x1  }
0x15: {  	[smem:$0x3F8B] =	sst s0;
	s0 =	simm.s32 @!p2 $0x0  }
0x16: {  	s3 =	sld [smem:$0x3FDB];
	s0 =	simm.s32 @p2 $0x1  }
0x17: {  	s4 =	simm.s32 $0x1BF5;
	[smem:$0x3F8D] =	sst s0  }
0x18: {  	s0 =	sld [smem:$0x3F70];
	_ =	swait.ge [sflag:s4], $0x0  }
0x19: {  	s7 =	sld [smem:$0x3F71]  }
0x1a: {  	s8 =	sadd.s32 $0xFFFFE003, lr  }
0x1b: {  	s9 =	sadd.s32 $0xFFFFFEF7, lr;
	s5 =	simm.s32 $0xFFFFFFFF;
	p2 =	slt.u32 s8, $0xFFFFF086  }
0x1c: {  	p1 =	slt.u32 s9, $0xF7A;
	s5 =	simm.s32 @!p2 $0x0  }
0x1d: {  	s5 =	simm.s32 @p1 $0x1;
	p0 =	seq.s32 s7, s2  }
0x1e: {  	s7 =	smul.u32 @!p0 $0xF7A, s2;
	p2 =	seq.s32 @!p0 s5, $0x0  }
0x1f: {  	s9 =	smul.u32 $0xF7A, s1;
	s8 =	simm.s32 @!p0 $0x1BF5;
	p2 =	por !p2, p0  }
0x20: {  	[sflag:s8] =	ssyncset.s32 @!p0 $0xFFFFF086;
	s6 =	sadd.s32 @!p0 s3, s7;
	s7 =	simm.s32 @!p0 $0x108  }
0x21: {  	s3 =	sadd.s32 s3, s9;
	s6 =	sadd.s32 @!p0 $0x88, s6;
	s7 =	simm.s32 @p2 $0x1082  }
0x22: {  	[simem:s7], [sflag:s8] =	dma.local @!p0 [hbm:s6], $0xF7A  }
0x23: {  	s9 =	sor.u32 $0xD0000000, s2;
	s6 =	simm.s32 $0x108;
	_ =	swait.ge @!p0 [sflag:s8], $0x0  }
0x24: {  	s3 =	sadd.s32 $0x88, s3;
	s6 =	simm.s32 @!p1 $0x1082;
	[sflag:s4] =	ssyncset.s32 $0xFFFFF086  }
0x25: {  	[simem:s6], [sflag:s4] =	dma.local [hbm:s3], $0xF7A  }
0x26: {  	[smem:$0x3F71] =	sst s1;
	(tag) =	ssettag s2;
	_ =	strace s9  }
0x27: {  	s1 =	sld [smem:$0x3F81]  }
0x28: {  	s2 =	sld [smem:$0x3F82]  }
0x29: {  	s4 =	sld [smem:$0x3F84]  }
0x2a: {  	p0 =	seq.s32 s5, $0x0;
	s5 =	sld [smem:$0x3F85]  }
0x2b: {  	s6 =	sld [smem:$0x3F86]  }
0x2c: {  	s7 =	sld [smem:$0x3F87]  }
0x2d: {  	s3 =	simm.s32 $0x108;
	s8 =	sld [smem:$0x3F88]  }
0x2e: {  	s3 =	simm.s32 @!p0 $0x1082;
	s9 =	sld [smem:$0x3F89]  }
0x2f: {  	lr =	sadd.s32 s0, s3;
	s0 =	sld [smem:$0x3F80]  }
0x30: {  	s3 =	sld [smem:$0x3F83]  }
0x31: {  	[smem:$0x3F8C] =	sst s10  }
0x32: {  	s10 =	sld [smem:$0x3F8A];
	_ =	sdelay $0x3  }
0x33: {  	p0 =	seq.s32 s10, $0x1;
	s10 =	sld [smem:$0x3F8C];
	_ =	sdelay $0x3  }
0x34: {  	[smem:$0x3F8C] =	sst s10  }
0x35: {  	s10 =	sld [smem:$0x3F8B];
	_ =	sdelay $0x3  }
0x36: {  	p1 =	seq.s32 s10, $0x1;
	s10 =	sld [smem:$0x3F8C];
	_ =	sdelay $0x3  }
0x37: {  	[smem:$0x3F8C] =	sst s10  }
0x38: {  	s10 =	sld [smem:$0x3F8D]  }
0x39: {  	_ = 	snop;
	(pc) =	sbr.ind lr, $3  }
0x3a: {  	_ = 	snop  }
0x3b: {  	_ = 	snop  }
0x3c: {  	p2 =	seq.s32 s10, $0x1;
	s10 =	sld [smem:$0x3F8C]  }
0x3d: {  	_ =	shalt  }
0x3e: {  	_ =	shalt  }
0x3f: {  	_ =	shalt  }
0x40: {  	_ =	shalt  }
0x41: {  	_ =	shalt  }
0x42: {  	_ =	shalt  }
0x43: {  	_ =	shalt  }
0x44: {  	_ =	shalt  }
0x45: {  	_ =	shalt  }
0x46: {  	_ =	shalt  }
0x47: {  	_ =	shalt  }
0x48: {  	_ =	shalt  }
0x49: {  	_ =	shalt  }
0x4a: {  	_ =	shalt  }
0x4b: {  	_ =	shalt  }
0x4c: {  	_ =	shalt  }
0x4d: {  	_ =	shalt  }
0x4e: {  	_ =	shalt  }
0x4f: {  	_ =	shalt  }
0x50: {  	_ =	shalt  }
0x51: {  	_ =	shalt  }
0x52: {  	_ =	shalt  }
0x53: {  	_ =	shalt  }
0x54: {  	_ =	shalt  }
0x55: {  	_ =	shalt  }
0x56: {  	_ =	shalt  }
0x57: {  	_ =	shalt  }
0x58: {  	_ =	shalt  }
0x59: {  	_ =	shalt  }
0x5a: {  	_ =	shalt  }
0x5b: {  	_ =	shalt  }
0x5c: {  	_ =	shalt  }
0x5d: {  	_ =	shalt  }
0x5e: {  	_ =	shalt  }
0x5f: {  	_ =	shalt  }
0x60: {  	_ =	shalt  }
0x61: {  	_ =	shalt  }
0x62: {  	_ =	shalt  }
0x63: {  	_ =	shalt  }
0x64: {  	_ =	shalt  }
0x65: {  	_ =	shalt  }
0x66: {  	_ =	shalt  }
0x67: {  	_ =	shalt  }
0x68: {  	_ =	shalt  }
0x69: {  	_ =	shalt  }
0x6a: {  	_ =	shalt  }
0x6b: {  	_ =	shalt  }
0x6c: {  	_ =	shalt  }
0x6d: {  	_ =	shalt  }
0x6e: {  	_ =	shalt  }
0x6f: {  	_ =	shalt  }
0x70: {  	_ =	shalt  }
0x71: {  	_ =	shalt  }
0x72: {  	_ =	shalt  }
0x73: {  	_ =	shalt  }
0x74: {  	_ =	shalt  }
0x75: {  	_ =	shalt  }
0x76: {  	_ =	shalt  }
0x77: {  	_ =	shalt  }
0x78: {  	_ =	shalt  }
0x79: {  	_ =	shalt  }
0x7a: {  	_ =	shalt  }
0x7b: {  	_ =	shalt  }
0x7c: {  	_ =	shalt  }
0x7d: {  	_ =	shalt  }
0x7e: {  	_ =	shalt  }
0x7f: {  	_ =	shalt  }
0x80: {  	_ =	shalt  }
0x81: {  	_ =	shalt  }
0x82: {  	_ =	shalt  }
0x83: {  	_ =	shalt  }
0x84: {  	_ =	shalt  }
0x85: {  	_ =	shalt  }
0x86: {  	_ =	shalt  }
0x87: {  	_ =	shalt  }
.Lfunc_end0:
.L_simem_size_0:
called_computation.2_lowered:
.L_overlay_start_0:
0x88: {  	s2 =	sld [smem:$0x3FD9]  }
0x89: {  	s3 =	sld [smem:$0x3FFE];
	_ =	sdelay $0x1  }
0x8a: {  	s1 =	srdreg.scid  }
0x8b: {  	s0 =	sand.u32 $0x1, s1  }
0x8c: {  	s17 =	sshll.u32 s0, $0xA;
	s2 =	sadd.s32 s3, s2  }
0x8d: {  	s2 =	sadd.s32 s2, s17  }
0x8e: {  	[smem:$0x3F98] =	sst s2  }
0x8f: {  	_ = 	snop  }
0x90: {  	s2 =	sld [smem:$0x3FD0];
	(tm) =	ssettm $0x1  }
0x91: {  	s18 =	sld [smem:$0x3FFB];
	_ =	sdelay $0x3  }
0x92: {  	_ =	strace s18  }
0x93: {  	s3 =	sld [smem:$0x3FFC];
	_ =	sdelay $0x3  }
0x94: {  	_ =	strace s3  }
0x95: {  	s3 =	sld [smem:$0x3FFD];
	_ =	sdelay $0x3  }
0x96: {  	_ =	strace s3  }
0x97: {  	_ =	strace $0x8FFFFFFF  }
0x98: {  	s19 =	sld [smem:$0x3FDB];
	_ =	sdelay $0x1  }
0x99: {  	s4 =	simm.s32 $_scs_section_size  }
0x9a: {  	s5 =	simm.s32 $_size__tile_overlayer_lowered;
	s6 =	simm.s32 $_tile_overlayer_lowered  }
0x9b: {  	s22 =	simm.s32 $0x1BFF;
	s21 =	sshll.u32 s6, $0x1;
	s3 =	sadd.s32 s4, s19  }
0x9c: {  	s7 =	simm.s32 $0x0;
	s20 =	sshll.u32 s5, $0x1;
	s5 =	sadd.s32 s21, s3  }
0x9d: {  	[timem:s7], [sflag:s22] =	dma.local [hbm:s5], s20  }
0x9e: {  	_ =	swait.ge [sflag:s22], s20  }
0x9f: {  	s4 =	ssub.s32 $0x0, s20;
	[sflag:s22] =	ssyncset.done $0x0  }
0xa0: {  	[sflag:s22] =	ssyncadd.s32 s4;
	_ =	sdelay $0x1  }
0xa1: {  	s23 =	simm.s32 $0x1B8B  }
0xa2: {  	_ =	swait.ge [sflag:s23], $0x1  }
0xa3: {  	[sflag:s23] =	ssyncset.done $0x0  }
0xa4: {  	s25 =	simm.s32 $0x1B8E;
	s24 =	sld [smem:$0x3FFE];
	[sflag:s23] =	ssyncadd.s32 $0xFFFFFFFF  }
0xa5: {  	s26 =	simm.s32 $execute0_lowered;
	[smem:$0x3FD2] =	sst s25  }
0xa6: {  	s5 =	sshll.u32 s26, $0x1;
	_ =	strace $0x8000004C;
	[dreg:$0x1] =	wrdreg $0xFFFFFFFF  }
0xa7: {  	s28 =	simm.s32 $_size_execute0_lowered;
	s3 =	sadd.s32 s3, s5;
	[dreg:$0x0] =	wrdreg $0x0  }
0xa8: {  	s5 =	sshll.u32 s28, $0x1;
	[dreg:$0x2] =	wrdreg s3  }
0xa9: {  	[dreg:$0x3] =	wrdreg s5  }
0xaa: {  	[dreg:$0x4] =	wrdreg $0xC0  }
0xab: {  	_ =	task [dreg:s7], $0x5FFFF  }
0xac: {  	[dreg:$0x1] =	wrdreg $0xFFFFFFFF  }
0xad: {  	[dreg:$0x0] =	wrdreg $0x60  }
0xae: {  	[dreg:$0x2] =	wrdreg s24  }
0xaf: {  	[dreg:$0x3] =	wrdreg s2  }
0xb0: {  	[dreg:$0x4] =	wrdreg $0x0  }
0xb1: {  	[dreg:$0x5] =	wrdreg $0x9  }
0xb2: {  	_ =	task.clear_ibuf [dreg:s7], $0x6FFFF;
	_ =	strace $0x9000004C  }
0xb3: {  	s29 =	simm.s32 $0x9;
	_ =	strace $0x8000004E  }
0xb4: {  	_ =	swait.ge [sflag:s29], $0x1  }
0xb5: {  	[sflag:s29] =	ssyncadd.s32 $0xFFFFFFFF  }
0xb6: {  	_ =	strace $0x9000004E  }
0xb7: {  	_ =	sfence  }
0xb8: {  	s30 =	sld [smem:$0x0];
	_ =	sdelay $0x2  }
0xb9: {  	s31 =	sshll.u32 s1, $0xD;
	s1 =	sshrl.u32 s1, $0x2  }
0xba: {  	s3 =	sand.u32 $0x4000, s31;
	s1 =	sadd.s32 s1, s30  }
0xbb: {  	s0 =	sor.u32 s3, s0;
	s1 =	sshll.u32 s1, $0x11  }
0xbc: {  	s0 =	sor.u32 s1, s0  }
0xbd: {  	s0 =	sadd.s32 $0x8F2B, s0  }
0xbe: {  	[sflag:s0] =	ssyncadd.remote.s32 $0x1  }
0xbf: {  	_ =	sfence.sel $0xFFFF  }
0xc0: {  	[dreg:$0x0] =	wrdreg $0xFFFFFFFF;
	(pc) =	sbr.abs _section_cstart, $3  }
0xc1: {  	[dreg:$0x1] =	wrdreg $0xFFFFFFFF  }
0xc2: {  	_ =	task.clear_ibuf [dreg:s7], $0x2FFFF;
	_ =	strace $0x9FFFFFFF  }
0xc3: {  	(tm) =	ssettm $0x7FFFFFFF  }
tec
execute0_lowered:
.L_overlay_start_1:
0x0: {  	(tag) =	ssettag $0x1  }
0x1: {  	s6 =	rddreg [dreg:$0x0]  }
0x2: {  	s10 =	rddreg [dreg:$0x1]  }
0x3: {  	s0 =	srdreg.scid;
	s2 =	rddreg [dreg:$0x2]  }
0x4: {  	s1 =	rddreg [dreg:$0x3];
	s7 =	sand.u32 $0x1, s0  }
0x5: {  	s3 =	simm.s32 $0x0;
	s0 =	stileid.u32;
	s4 =	smul.u32 $0x28500, s7  }
0x6: {  	s15 =	simm.s32 $0x50;
	s16 =	simm.s32 $0x13D00;
	s5 =	smul.u32 $0x2850, s0  }
0x7: {  	s17 =	simm.s32 $0x1;
	[smem:$0x7FF] =	sst s3;
	s8 =	smul.u32 $0x13C000, s7  }
0x8: {  	s18 =	simm.s32 $0x0;
	s9 =	smul.u32 $0x13C00, s0;
	_ =	strace $0x8000004D  }
0x9: {  	s12 =	smul.u32 $0x4F000, s0;
	s31 =	ssub.s32 $0x2, s7;
	s13 =	sshll.u32 s0, $0x6  }
0xa: {  	s7 =	sshrl.u32 s31, $0x1;
	s5 =	sadd.s32 s5, s4;
	s4 =	sadd.s32 $0x114200, s6  }
0xb: {  	s29 =	sadd.s32 s9, s8;
	s12 =	sshrl.u32 s12, $0x2;
	s14 =	ssub.s32 s31, s7  }
0xc: {  	s11 =	sshrl.u32 s5, $0x3;
	s8 =	sshrl.u32 s29, $0x3;
	s5 =	sadd.s32 $0x90A00, s6  }
0xd: {  	s12 =	sadd.s32 s12, s2;
	s30 =	sadd.s32 s11, s6;
	s8 =	sadd.s32 s8, s6  }
0xe: {  	s6 =	sor.u32 $0x1C02, s13;
	s10 =	sadd.s32 s11, s10;
	s11 =	sshrl.u32 s12, $0x3  }
0xf: {  	s12 =	simm.s32 $0x2;
	s13 =	simm.s32 $0x13C00;
	s7 =	sadd.s32 $0x93200, s8  }
0x10: {  	s8 =	smax.u32 s14, $0x1;
	s9 =	sadd.s32 $0x10A000, s30;
	s14 =	simm.s32 $0x13C80  }
.LBB2_1:
0x11: {  	[spmem:s11], [sflag:s6] =	dma.local [hbm:s5], $0x2780  }
0x12: {  	_ =	swait.ge [sflag:s12], $0x2780  }
0x13: {  	[sflag:s12] =	ssyncset.done $0x0  }
0x14: {  	[sflag:s12] =	ssyncadd.s32 $0xFFFFD880  }
0x15: {  	s19 =	sadd.s32 $0x0, s10;
	[bflag:$0x0] =	sbarrier.arrive $0xFFFF  }
0x16: {  	[tilespmem:s13], [sflag:$0x2] =	stream.linear.gather [hbm4b:s19+s3], $0x50, $0x38;
	[tilespmem:$0x16500] =	vst v63  }
0x17: {  	_ =	swait.ge [sflag:s12], $0x50  }
0x18: {  	[sflag:s12] =	ssyncset.done $0x0  }
0x19: {  	s31 =	sadd.s32 $0x0, s9;
	[sflag:s12] =	ssyncadd.s32 $0xFFFFFFB0  }
0x1a: {  	[tilespmem:s14], [sflag:$0x2] =	stream.linear.gather [hbm4b:s31+s3], $0x50, $0x38;
	[tilespmem:$0x16500] =	vst v63  }
0x1b: {  	_ =	swait.ge [sflag:s12], $0x50  }
0x1c: {  	[sflag:s12] =	ssyncset.done $0x0  }
0x1d: {  	[sflag:s12] =	ssyncadd.s32 $0xFFFFFFB0  }
0x1e: {  	[tilespmem:s16], [sflag:$0x1] =	stream.indirect.gather [hbm4b:s4+s15], $0x80, s13, s15, $0xb8;
	[tilespmem:$0x16500] =	vst v63  }
0x1f: {  	_ =	swait.ge [sflag:s17], $0x2800  }
0x20: {  	[sflag:s17] =	ssyncset.done $0x0  }
0x21: {  	[sflag:s17] =	ssyncadd.s32 $0xFFFFD800  }
0x22: {  	[spmem:s2] =	stream.indirect.scatter.add.f32 [tilespmem:s16], [sflag:$0x2], $0x80, s14, s15, $0xb8;
	[tilespmem:$0x16500] =	vst v63  }
0x23: {  	_ =	swait.ge [sflag:s12], $0x2800  }
0x24: {  	s20 =	simm.s32 $0x14;
	s19 =	simm.s32 $0xA;
	[sflag:s12] =	ssyncset.done $0x0  }
.LBB2_2:
0x25: {  	s21 =	sadd.s32 s19, s10  }
0x26: {  	[sflag:s12] =	ssyncadd.s32 $0xFFFFD800;
	s22 =	smov.u32 s20;
	s23 =	sadd.s32 $0xA, s20  }
0x27: {  	[tilespmem:s13], [sflag:$0x2] =	stream.linear.gather [hbm4b:s21+s3], $0x50, $0x38;
	[tilespmem:$0x16500] =	vst v63  }
0x28: {  	p0 =	sne.s32 s20, $0x500;
	_ =	swait.ge [sflag:s12], $0x50  }
0x29: {  	[sflag:s12] =	ssyncset.done $0x0  }
0x2a: {  	s20 =	sadd.s32 s19, s9;
	s19 =	smov.u32 s22;
	[sflag:s12] =	ssyncadd.s32 $0xFFFFFFB0  }
0x2b: {  	[tilespmem:s14], [sflag:$0x2] =	stream.linear.gather [hbm4b:s20+s3], $0x50, $0x38;
	[tilespmem:$0x16500] =	vst v63  }
0x2c: {  	_ =	swait.ge [sflag:s12], $0x50  }
0x2d: {  	[sflag:s12] =	ssyncset.done $0x0  }
0x2e: {  	[sflag:s12] =	ssyncadd.s32 $0xFFFFFFB0  }
0x2f: {  	[tilespmem:s16], [sflag:$0x1] =	stream.indirect.gather [hbm4b:s4+s15], $0x80, s13, s15, $0xb8;
	[tilespmem:$0x16500] =	vst v63  }
0x30: {  	_ =	swait.ge [sflag:s17], $0x2800  }
.Ltmp0:
0x31: {  	[sflag:s17] =	ssyncset.done $0x0;
	(pc) =	sbr.rel @p0 .LBB2_2-.Ltmp0, $4  }
0x32: {  	[sflag:s17] =	ssyncadd.s32 $0xFFFFD800  }
0x33: {  	[spmem:s2] =	stream.indirect.scatter.add.f32 [tilespmem:s16], [sflag:$0x2], $0x80, s14, s15, $0xb8;
	[tilespmem:$0x16500] =	vst v63  }
0x34: {  	_ =	swait.ge [sflag:s12], $0x2800  }
0x35: {  	s20 =	smov.u32 s23;
	[sflag:s12] =	ssyncset.done $0x0  }
0x36: {  	s20 =	sadd.s32 s19, s10;
	[sflag:s12] =	ssyncadd.s32 $0xFFFFD800  }
0x37: {  	[tilespmem:s13], [sflag:$0x2] =	stream.linear.gather [hbm4b:s20+s3], $0x50, $0x38;
	[tilespmem:$0x16500] =	vst v63  }
0x38: {  	_ =	swait.ge [sflag:s12], $0x50  }
0x39: {  	[sflag:s12] =	ssyncset.done $0x0  }
0x3a: {  	s31 =	sadd.s32 s19, s9;
	[sflag:s12] =	ssyncadd.s32 $0xFFFFFFB0  }
0x3b: {  	[tilespmem:s14], [sflag:$0x2] =	stream.linear.gather [hbm4b:s31+s3], $0x50, $0x38;
	[tilespmem:$0x16500] =	vst v63  }
0x3c: {  	_ =	swait.ge [sflag:s12], $0x50  }
0x3d: {  	[sflag:s12] =	ssyncset.done $0x0  }
0x3e: {  	[sflag:s12] =	ssyncadd.s32 $0xFFFFFFB0  }
0x3f: {  	[tilespmem:s16], [sflag:$0x1] =	stream.indirect.gather [hbm4b:s4+s15], $0x80, s13, s15, $0xb8;
	[tilespmem:$0x16500] =	vst v63  }
0x40: {  	_ =	swait.ge [sflag:s17], $0x2800  }
0x41: {  	[sflag:s17] =	ssyncset.done $0x0  }
0x42: {  	[sflag:s17] =	ssyncadd.s32 $0xFFFFD800  }
0x43: {  	[spmem:s2] =	stream.indirect.scatter.add.f32 [tilespmem:s16], [sflag:$0x2], $0x80, s14, s15, $0xb8;
	[tilespmem:$0x16500] =	vst v63  }
0x44: {  	_ =	swait.ge [sflag:s12], $0x2800  }
0x45: {  	s18 =	sadd.s32 $0x1, s18;
	[sflag:s12] =	ssyncset.done $0x0  }
0x46: {  	p0 =	sne.s32 s18, s8;
	[sflag:s12] =	ssyncadd.s32 $0xFFFFD800  }
.Ltmp1:
0x47: {  	[bflag:$0x0] =	sbarrier.arrive $0xFFFF;
	(pc) =	sbr.rel @p0 .LBB2_1-.Ltmp1, $4  }
0x48: {  	[hbm:s7], [sflag:s6] =	dma.local [spmem:s11], $0x2780  }
0x49: {  	_ =	swait.ge [sflag:s12], $0x2780  }
0x4a: {  	[sflag:s12] =	ssyncset.done $0x0  }
0x4b: {  	[sflag:s12] =	ssyncadd.s32 $0xFFFFD880  }
0x4c: {  	_ =	sfence.sel $0x180000  }
0x4d: {  	[bflag:$0x0] =	sbarrier.arrive $0xFFFF  }
0x4e: {  	p0 =	sne.s32 s0, $0x0;
	_ =	strace $0x9000004D  }
0x4f: {  	s0 =	sadd.s32 @!p0 $0x100000, s1;
	[bflag:$0x2] =	sbarrier.arrive $0xFFFF  }
0x50: {  	[sflag:s0] =	ssyncadd.tile.s32 @!p0 $0x1;
	_ =	shalt  }
.Lfunc_end2:
_tile_overlayer_lowered:
.L_overlay_start_2:
0x51: {  	(tag) =	ssettag $0x2  }
0x52: {  	s0 =	rddreg [dreg:$0x0];
	s2 =	stileid.u32  }
0x53: {  	s1 =	rddreg [dreg:$0x1];
	p0 =	sne.s32 s2, $0x0  }
0x54: {  	s3 =	rddreg [dreg:$0x2];
	[bflag:$0x3] =	sbarrier.arrive $0xFFFF;
	s2 =	simm.s32 @!p0 $0x1C02  }
0x55: {  	[timem:s3], [sflag:s2] =	dma.local @!p0 [hbm:s0], s1  }
0x56: {  	s0 =	simm.s32 @!p0 $0x2  }
0x57: {  	_ =	swait.ge @!p0 [sflag:s0], s1  }
0x58: {  	s1 =	ssub.s32 @!p0 $0x0, s1;
	[sflag:s0] =	ssyncset.done @!p0 $0x0  }
0x59: {  	[sflag:s0] =	ssyncadd.s32 @!p0 s1  }
0x5a: {  	[bflag:$0x3] =	sbarrier.arrive $0xFFFF  }
0x5b: {  	_ =	shalt  }

// kernel: kernel.19.cloned.1.call-start
scs
__scs_entry_jumppad:
0x0: {  	(pc) =	sbr.rel $0x88, $3  }
0x1: {  	(tag) =	ssettag $0x0;
	lr =	simm.s32 $0x1  }
0x2: {  	[smem:$0x3F71] =	sst lr;
	_ =	strace $0xD0000000  }
0x3: {  	_ = 	snop  }
0x4: {  	_ = 	snop  }
0x5: {  	_ = 	snop  }
0x6: {  	_ = 	snop  }
0x7: {  	_ = 	snop  }
__scs_overlays_trampoline_lowered:
0x8: {  	[smem:$0x3F80] =	sst s0  }
0x9: {  	[smem:$0x3F81] =	sst s1  }
0xa: {  	[smem:$0x3F82] =	sst s2  }
0xb: {  	[smem:$0x3F83] =	sst s3  }
0xc: {  	[smem:$0x3F84] =	sst s4  }
0xd: {  	[smem:$0x3F85] =	sst s5  }
0xe: {  	[smem:$0x3F86] =	sst s6  }
0xf: {  	[smem:$0x3F87] =	sst s7  }
0x10: {  	[smem:$0x3F88] =	sst s8  }
0x11: {  	[smem:$0x3F89] =	sst s9;
	s0 =	simm.s32 @!p0 $0x0  }
0x12: {  	s1 =	sld [smem:$0x3F6F];
	s0 =	simm.s32 @p0 $0x1  }
0x13: {  	[smem:$0x3F8A] =	sst s0;
	s0 =	simm.s32 @!p1 $0x0  }
0x14: {  	s2 =	sld [smem:$0x3F6E];
	s0 =	simm.s32 @p1 $0x1  }
0x15: {  	[smem:$0x3F8B] =	sst s0;
	s0 =	simm.s32 @!p2 $0x0  }
0x16: {  	s3 =	sld [smem:$0x3FDB];
	s0 =	simm.s32 @p2 $0x1  }
0x17: {  	s4 =	simm.s32 $0x1BF5;
	[smem:$0x3F8D] =	sst s0  }
0x18: {  	s0 =	sld [smem:$0x3F70];
	_ =	swait.ge [sflag:s4], $0x0  }
0x19: {  	s7 =	sld [smem:$0x3F71]  }
0x1a: {  	s8 =	sadd.s32 $0xFFFFE003, lr  }
0x1b: {  	s9 =	sadd.s32 $0xFFFFFEF7, lr;
	s5 =	simm.s32 $0xFFFFFFFF;
	p2 =	slt.u32 s8, $0xFFFFF086  }
0x1c: {  	p1 =	slt.u32 s9, $0xF7A;
	s5 =	simm.s32 @!p2 $0x0  }
0x1d: {  	s5 =	simm.s32 @p1 $0x1;
	p0 =	seq.s32 s7, s2  }
0x1e: {  	s7 =	smul.u32 @!p0 $0xF7A, s2;
	p2 =	seq.s32 @!p0 s5, $0x0  }
0x1f: {  	s9 =	smul.u32 $0xF7A, s1;
	s8 =	simm.s32 @!p0 $0x1BF5;
	p2 =	por !p2, p0  }
0x20: {  	[sflag:s8] =	ssyncset.s32 @!p0 $0xFFFFF086;
	s6 =	sadd.s32 @!p0 s3, s7;
	s7 =	simm.s32 @!p0 $0x108  }
0x21: {  	s3 =	sadd.s32 s3, s9;
	s6 =	sadd.s32 @!p0 $0x88, s6;
	s7 =	simm.s32 @p2 $0x1082  }
0x22: {  	[simem:s7], [sflag:s8] =	dma.local @!p0 [hbm:s6], $0xF7A  }
0x23: {  	s9 =	sor.u32 $0xD0000000, s2;
	s6 =	simm.s32 $0x108;
	_ =	swait.ge @!p0 [sflag:s8], $0x0  }
0x24: {  	s3 =	sadd.s32 $0x88, s3;
	s6 =	simm.s32 @!p1 $0x1082;
	[sflag:s4] =	ssyncset.s32 $0xFFFFF086  }
0x25: {  	[simem:s6], [sflag:s4] =	dma.local [hbm:s3], $0xF7A  }
0x26: {  	[smem:$0x3F71] =	sst s1;
	(tag) =	ssettag s2;
	_ =	strace s9  }
0x27: {  	s1 =	sld [smem:$0x3F81]  }
0x28: {  	s2 =	sld [smem:$0x3F82]  }
0x29: {  	s4 =	sld [smem:$0x3F84]  }
0x2a: {  	p0 =	seq.s32 s5, $0x0;
	s5 =	sld [smem:$0x3F85]  }
0x2b: {  	s6 =	sld [smem:$0x3F86]  }
0x2c: {  	s7 =	sld [smem:$0x3F87]  }
0x2d: {  	s3 =	simm.s32 $0x108;
	s8 =	sld [smem:$0x3F88]  }
0x2e: {  	s3 =	simm.s32 @!p0 $0x1082;
	s9 =	sld [smem:$0x3F89]  }
0x2f: {  	lr =	sadd.s32 s0, s3;
	s0 =	sld [smem:$0x3F80]  }
0x30: {  	s3 =	sld [smem:$0x3F83]  }
0x31: {  	[smem:$0x3F8C] =	sst s10  }
0x32: {  	s10 =	sld [smem:$0x3F8A];
	_ =	sdelay $0x3  }
0x33: {  	p0 =	seq.s32 s10, $0x1;
	s10 =	sld [smem:$0x3F8C];
	_ =	sdelay $0x3  }
0x34: {  	[smem:$0x3F8C] =	sst s10  }
0x35: {  	s10 =	sld [smem:$0x3F8B];
	_ =	sdelay $0x3  }
0x36: {  	p1 =	seq.s32 s10, $0x1;
	s10 =	sld [smem:$0x3F8C];
	_ =	sdelay $0x3  }
0x37: {  	[smem:$0x3F8C] =	sst s10  }
0x38: {  	s10 =	sld [smem:$0x3F8D]  }
0x39: {  	_ = 	snop;
	(pc) =	sbr.ind lr, $3  }
0x3a: {  	_ = 	snop  }
0x3b: {  	_ = 	snop  }
0x3c: {  	p2 =	seq.s32 s10, $0x1;
	s10 =	sld [smem:$0x3F8C]  }
0x3d: {  	_ =	shalt  }
0x3e: {  	_ =	shalt  }
0x3f: {  	_ =	shalt  }
0x40: {  	_ =	shalt  }
0x41: {  	_ =	shalt  }
0x42: {  	_ =	shalt  }
0x43: {  	_ =	shalt  }
0x44: {  	_ =	shalt  }
0x45: {  	_ =	shalt  }
0x46: {  	_ =	shalt  }
0x47: {  	_ =	shalt  }
0x48: {  	_ =	shalt  }
0x49: {  	_ =	shalt  }
0x4a: {  	_ =	shalt  }
0x4b: {  	_ =	shalt  }
0x4c: {  	_ =	shalt  }
0x4d: {  	_ =	shalt  }
0x4e: {  	_ =	shalt  }
0x4f: {  	_ =	shalt  }
0x50: {  	_ =	shalt  }
0x51: {  	_ =	shalt  }
0x52: {  	_ =	shalt  }
0x53: {  	_ =	shalt  }
0x54: {  	_ =	shalt  }
0x55: {  	_ =	shalt  }
0x56: {  	_ =	shalt  }
0x57: {  	_ =	shalt  }
0x58: {  	_ =	shalt  }
0x59: {  	_ =	shalt  }
0x5a: {  	_ =	shalt  }
0x5b: {  	_ =	shalt  }
0x5c: {  	_ =	shalt  }
0x5d: {  	_ =	shalt  }
0x5e: {  	_ =	shalt  }
0x5f: {  	_ =	shalt  }
0x60: {  	_ =	shalt  }
0x61: {  	_ =	shalt  }
0x62: {  	_ =	shalt  }
0x63: {  	_ =	shalt  }
0x64: {  	_ =	shalt  }
0x65: {  	_ =	shalt  }
0x66: {  	_ =	shalt  }
0x67: {  	_ =	shalt  }
0x68: {  	_ =	shalt  }
0x69: {  	_ =	shalt  }
0x6a: {  	_ =	shalt  }
0x6b: {  	_ =	shalt  }
0x6c: {  	_ =	shalt  }
0x6d: {  	_ =	shalt  }
0x6e: {  	_ =	shalt  }
0x6f: {  	_ =	shalt  }
0x70: {  	_ =	shalt  }
0x71: {  	_ =	shalt  }
0x72: {  	_ =	shalt  }
0x73: {  	_ =	shalt  }
0x74: {  	_ =	shalt  }
0x75: {  	_ =	shalt  }
0x76: {  	_ =	shalt  }
0x77: {  	_ =	shalt  }
0x78: {  	_ =	shalt  }
0x79: {  	_ =	shalt  }
0x7a: {  	_ =	shalt  }
0x7b: {  	_ =	shalt  }
0x7c: {  	_ =	shalt  }
0x7d: {  	_ =	shalt  }
0x7e: {  	_ =	shalt  }
0x7f: {  	_ =	shalt  }
0x80: {  	_ =	shalt  }
0x81: {  	_ =	shalt  }
0x82: {  	_ =	shalt  }
0x83: {  	_ =	shalt  }
0x84: {  	_ =	shalt  }
0x85: {  	_ =	shalt  }
0x86: {  	_ =	shalt  }
0x87: {  	_ =	shalt  }
.Lfunc_end0:
.L_simem_size_0:
called_computation.3_lowered:
.L_overlay_start_0:
0x88: {  	s2 =	sld [smem:$0x3FD9]  }
0x89: {  	s3 =	sld [smem:$0x3FFE];
	_ =	sdelay $0x1  }
0x8a: {  	s1 =	srdreg.scid  }
0x8b: {  	s0 =	sand.u32 $0x1, s1  }
0x8c: {  	s17 =	sshll.u32 s0, $0xA;
	s2 =	sadd.s32 s3, s2  }
0x8d: {  	s2 =	sadd.s32 s2, s17  }
0x8e: {  	[smem:$0x3F98] =	sst s2  }
0x8f: {  	_ = 	snop  }
0x90: {  	s2 =	sld [smem:$0x3FD0];
	(tm) =	ssettm $0x1  }
0x91: {  	s18 =	sld [smem:$0x3FFB];
	_ =	sdelay $0x3  }
0x92: {  	_ =	strace s18  }
0x93: {  	s3 =	sld [smem:$0x3FFC];
	_ =	sdelay $0x3  }
0x94: {  	_ =	strace s3  }
0x95: {  	s3 =	sld [smem:$0x3FFD];
	_ =	sdelay $0x3  }
0x96: {  	_ =	strace s3  }
0x97: {  	_ =	strace $0x8FFFFFFF  }
0x98: {  	s19 =	sld [smem:$0x3FDB];
	_ =	sdelay $0x1  }
0x99: {  	s4 =	simm.s32 $_scs_section_size  }
0x9a: {  	s5 =	simm.s32 $_size__tile_overlayer_lowered;
	s6 =	simm.s32 $_tile_overlayer_lowered  }
0x9b: {  	s22 =	simm.s32 $0x1BFF;
	s21 =	sshll.u32 s6, $0x1;
	s3 =	sadd.s32 s4, s19  }
0x9c: {  	s7 =	simm.s32 $0x0;
	s20 =	sshll.u32 s5, $0x1;
	s5 =	sadd.s32 s21, s3  }
0x9d: {  	[timem:s7], [sflag:s22] =	dma.local [hbm:s5], s20  }
0x9e: {  	_ =	swait.ge [sflag:s22], s20  }
0x9f: {  	s4 =	ssub.s32 $0x0, s20;
	[sflag:s22] =	ssyncset.done $0x0  }
0xa0: {  	[sflag:s22] =	ssyncadd.s32 s4;
	_ =	sdelay $0x1  }
0xa1: {  	s23 =	simm.s32 $0x1B8B  }
0xa2: {  	_ =	swait.ge [sflag:s23], $0x1  }
0xa3: {  	[sflag:s23] =	ssyncset.done $0x0  }
0xa4: {  	s25 =	simm.s32 $0x1B8E;
	s24 =	sld [smem:$0x3FFE];
	[sflag:s23] =	ssyncadd.s32 $0xFFFFFFFF  }
0xa5: {  	s26 =	simm.s32 $execute0_lowered;
	[smem:$0x3FD2] =	sst s25  }
0xa6: {  	s5 =	sshll.u32 s26, $0x1;
	_ =	strace $0x8000004F;
	[dreg:$0x1] =	wrdreg $0xFFFFFFFF  }
0xa7: {  	s28 =	simm.s32 $_size_execute0_lowered;
	s3 =	sadd.s32 s3, s5;
	[dreg:$0x0] =	wrdreg $0x0  }
0xa8: {  	s5 =	sshll.u32 s28, $0x1;
	[dreg:$0x2] =	wrdreg s3  }
0xa9: {  	[dreg:$0x3] =	wrdreg s5  }
0xaa: {  	[dreg:$0x4] =	wrdreg $0xC0  }
0xab: {  	_ =	task [dreg:s7], $0x5FFFF  }
0xac: {  	[dreg:$0x1] =	wrdreg $0xFFFFFFFF  }
0xad: {  	[dreg:$0x0] =	wrdreg $0x60  }
0xae: {  	[dreg:$0x2] =	wrdreg s24  }
0xaf: {  	[dreg:$0x3] =	wrdreg s2  }
0xb0: {  	[dreg:$0x4] =	wrdreg $0x0  }
0xb1: {  	[dreg:$0x5] =	wrdreg $0x9  }
0xb2: {  	_ =	task.clear_ibuf [dreg:s7], $0x6FFFF;
	_ =	strace $0x9000004F  }
0xb3: {  	s29 =	simm.s32 $0x9;
	_ =	strace $0x80000051  }
0xb4: {  	_ =	swait.ge [sflag:s29], $0x1  }
0xb5: {  	[sflag:s29] =	ssyncadd.s32 $0xFFFFFFFF  }
0xb6: {  	_ =	strace $0x90000051  }
0xb7: {  	_ =	sfence  }
0xb8: {  	s30 =	sld [smem:$0x0];
	_ =	sdelay $0x2  }
0xb9: {  	s31 =	sshll.u32 s1, $0xD;
	s1 =	sshrl.u32 s1, $0x2  }
0xba: {  	s3 =	sand.u32 $0x4000, s31;
	s1 =	sadd.s32 s1, s30  }
0xbb: {  	s0 =	sor.u32 s3, s0;
	s1 =	sshll.u32 s1, $0x11  }
0xbc: {  	s0 =	sor.u32 s1, s0  }
0xbd: {  	s0 =	sadd.s32 $0x8F2B, s0  }
0xbe: {  	[sflag:s0] =	ssyncadd.remote.s32 $0x1  }
0xbf: {  	_ =	sfence.sel $0xFFFF  }
0xc0: {  	[dreg:$0x0] =	wrdreg $0xFFFFFFFF;
	(pc) =	sbr.abs _section_cstart, $3  }
0xc1: {  	[dreg:$0x1] =	wrdreg $0xFFFFFFFF  }
0xc2: {  	_ =	task.clear_ibuf [dreg:s7], $0x2FFFF;
	_ =	strace $0x9FFFFFFF  }
0xc3: {  	(tm) =	ssettm $0x7FFFFFFF  }
tec
execute0_lowered:
.L_overlay_start_1:
0x0: {  	(tag) =	ssettag $0x1  }
0x1: {  	s10 =	rddreg [dreg:$0x0]  }
0x2: {  	s1 =	rddreg [dreg:$0x1]  }
0x3: {  	s2 =	rddreg [dreg:$0x2];
	s3 =	srdreg.scid;
	s4 =	simm.s32 $0x0  }
0x4: {  	s18 =	simm.s32 $0x50;
	s19 =	simm.s32 $0x16500;
	s20 =	simm.s32 $0x18D00  }
0x5: {  	s21 =	simm.s32 $0x13D00;
	s22 =	simm.s32 $0x1;
	s23 =	simm.s32 $0x1B500  }
0x6: {  	s24 =	simm.s32 $0x0;
	s16 =	sand.u32 $0x1, s3;
	s3 =	stileid.u32  }
0x7: {  	[smem:$0x7FF] =	sst s4;
	s5 =	sadd.s32 $0x93200, s10;
	s6 =	sadd.s32 $0xBAA00, s10  }
0x8: {  	s7 =	sadd.s32 $0xE2200, s10;
	s8 =	sadd.s32 $0x10A000, s10;
	s9 =	smul.u32 $0x13C000, s16  }
0x9: {  	s11 =	smul.u32 $0x13C00, s3;
	_ =	strace $0x80000050;
	s12 =	ssub.s32 $0x2, s16  }
0xa: {  	s13 =	smul.u32 $0x4F000, s3;
	s31 =	sshll.u32 s3, $0x6;
	p0 =	seq.s32 s16, $0x0  }
0xb: {  	p1 =	sne.s32 s16, $0x0;
	s16 =	simm.s32 $0x13C00;
	s29 =	sshrl.u32 s12, $0x1  }
.Ltmp0:
0xc: {  	s9 =	sadd.s32 s11, s9;
	s15 =	ssub.s32 s12, s29;
	(pc) =	sbr.rel .LBB2_1-.Ltmp0, $4  }
0xd: {  	s30 =	sshrl.u32 s13, $0x2;
	s11 =	sshrl.u32 s9, $0x3;
	s9 =	sadd.s32 $0x90A00, s10  }
0xe: {  	s17 =	sadd.s32 s30, s2;
	s13 =	smax.u32 s15, $0x1;
	s15 =	simm.s32 $0x2  }
0xf: {  	s14 =	sadd.s32 s11, s10;
	s10 =	sor.u32 $0x1C02, s31;
	s11 =	smul.u32 $0x50A0, s3  }
0x10: {  	vm0 =	vmmov $0xff;
	v0 =	vimm.f32 $0.0e+00;
	s12 =	sadd.s32 $0x6600, s14;
	s14 =	sshrl.u32 s17, $0x3;
	s17 =	simm.s32 $0x13C80  }
.LBB2_14:
0x11: {  	s24 =	sadd.s32 $0x1, s24  }
0x12: {  	p2 =	sne.s32 s24, s13  }
.Ltmp1:
0x13: {  	[bflag:$0x0] =	sbarrier.arrive $0xFFFF;
	(pc) =	sbr.rel @!p2 .LBB2_15-.Ltmp1, $4  }
0x14: {  	[hbm:s12], [sflag:s10] =	dma.local [spmem:s14], $0x2780  }
0x15: {  	_ =	swait.ge [sflag:s15], $0x2780  }
0x16: {  	[sflag:s15] =	ssyncset.done $0x0  }
0x17: {  	[sflag:s15] =	ssyncadd.s32 $0xFFFFD880  }
.LBB2_1:
.Ltmp2:
0x18: {  	(pc) =	sbr.rel @p0 .LBB2_5-.Ltmp2, $4  }
0x19: {  	[spmem:s14], [sflag:s10] =	dma.local [hbm:s9], $0x2780  }
0x1a: {  	_ =	swait.ge [sflag:s15], $0x2780  }
0x1b: {  	[sflag:s15] =	ssyncset.done $0x0  }
0x1c: {  	[sflag:s15] =	ssyncadd.s32 $0xFFFFD880  }
0x1d: {  	s25 =	sshra.s32 s4, $0x2;
	s26 =	sadd.s32 $0x200, s4  }
.LBB2_3:
0x1e: {  	p2 =	sne.s32 s26, $0x9E00;
	[tilespmem:s25+$0x1B570] =	vst v0  }
0x1f: {  	[tilespmem:s25+$0x1B510] =	vst v0  }
.Ltmp3:
0x20: {  	[tilespmem:s25+$0x1B520] =	vst v0;
	(pc) =	sbr.rel @p2 .LBB2_3-.Ltmp3, $4  }
0x21: {  	[tilespmem:s25+$0x1B530] =	vst v0  }
0x22: {  	[tilespmem:s25+$0x1B540] =	vst v0  }
0x23: {  	[tilespmem:s25+$0x1B550] =	vst v0  }
0x24: {  	[tilespmem:s25+$0x1B560] =	vst v0;
	s25 =	sshra.s32 s26, $0x2;
	s26 =	sadd.s32 $0x200, s26  }
0x25: {  	[tilespmem:s25+$0x1B570] =	vst v0  }
0x26: {  	[tilespmem:s25+$0x1B510] =	vst v0  }
0x27: {  	[tilespmem:s25+$0x1B520] =	vst v0  }
0x28: {  	[tilespmem:s25+$0x1B530] =	vst v0  }
0x29: {  	[tilespmem:s25+$0x1B540] =	vst v0  }
0x2a: {  	[tilespmem:s25+$0x1B550] =	vst v0  }
0x2b: {  	[tilespmem:s25+$0x1B560] =	vst v0  }
.LBB2_5:
.Ltmp4:
0x2c: {  	(pc) =	sbr.rel .LBB2_6-.Ltmp4, $3  }
0x2d: {  	_ =	sdelay $0x1  }
0x2e: {  	[bflag:$0x0] =	sbarrier.arrive $0xFFFF  }
0x2f: {  	s25 =	simm.s32 $0x0  }
.LBB2_12:
0x30: {  	v1 =	vadd.f32 v2, v1;
	_ =	sdelay $0x1  }
0x31: {  	v2 =	vmul.f32 $2.000000030e-01, v1  }
0x32: {  	vm1 =	vge.f32 v1, $0.0e+00  }
0x33: {  	v3 =	vnsel vm0, $0x0, v3;
	v1 =	vsel vm1, v1, v2  }
0x34: {  	v2 =	vmul.f32 $1.442695020e+00, v3;
	v1 =	vnsel vm0, $0x0, v1  }
0x35: {  	v1 =	vmul.f32 $1.442695020e+00, v1  }
0x36: {  	(erf) = vpow2.f32 v2  }
0x37: {  	(erf) = vpow2.f32 v1;
	_ =	sdelay $0x5  }
0x38: {  	v1 =	vpop (erf)  }
0x39: {  	v2 =	vpop (erf);
	[tilespmem:s26+$0x1B500] =	vst v1  }
0x3a: {  	[tilespmem:s28+$0x1B500] =	vst v2;
	v1 =	vpop (erf)  }
0x3b: {  	[tilespmem:s29+$0x1B500] =	vst v1;
	v1 =	vpop (erf)  }
0x3c: {  	[tilespmem:s30+$0x1B500] =	vst v1  }
.LBB2_13:
0x3d: {  	s25 =	sadd.s32 $0x1, s25  }
0x3e: {  	p2 =	sne.s32 s25, $0x102  }
.Ltmp5:
0x3f: {  	_ = 	snop;
	(pc) =	sbr.rel @!p2 .LBB2_14-.Ltmp5, $4  }
0x40: {  	[spmem:s2] =	stream.indirect.scatter.add.f32 [tilespmem:s23], [sflag:$0x2], $0x80, s17, s18, $0xb8;
	[tilespmem:$0x1DD00] =	vst v63  }
0x41: {  	_ =	swait.ge [sflag:s15], $0x2800  }
0x42: {  	[sflag:s15] =	ssyncset.done $0x0  }
0x43: {  	[sflag:s15] =	ssyncadd.s32 $0xFFFFD800  }
.LBB2_6:
0x44: {  	s26 =	smul.u32 $0x50, s25;
	_ =	sdelay $0x1  }
0x45: {  	s26 =	sadd.s32 s11, s26  }
0x46: {  	s26 =	sshrl.u32 s26, $0x3  }
0x47: {  	s28 =	sadd.s32 s1, s26  }
0x48: {  	[tilespmem:s16], [sflag:$0x2] =	stream.linear.gather [hbm4b:s28+s4], $0x50, $0x38;
	[tilespmem:$0x1DD00] =	vst v63  }
0x49: {  	_ =	swait.ge [sflag:s15], $0x50  }
0x4a: {  	[sflag:s15] =	ssyncset.done $0x0  }
0x4b: {  	s26 =	sadd.s32 s8, s26;
	[sflag:s15] =	ssyncadd.s32 $0xFFFFFFB0  }
0x4c: {  	[tilespmem:s17], [sflag:$0x2] =	stream.linear.gather [hbm4b:s26+s4], $0x50, $0x38;
	[tilespmem:$0x1DD00] =	vst v63  }
0x4d: {  	_ =	swait.ge [sflag:s15], $0x50  }
.Ltmp6:
0x4e: {  	[sflag:s15] =	ssyncset.done $0x0;
	(pc) =	sbr.rel @p1 .LBB2_10-.Ltmp6, $4  }
0x4f: {  	[sflag:s15] =	ssyncadd.s32 $0xFFFFFFB0  }
0x50: {  	[tilespmem:s19], [sflag:$0x1] =	stream.indirect.gather [hbm4b:s6+s18], $0x80, s16, s18, $0xb8;
	[tilespmem:$0x1DD00] =	vst v63  }
0x51: {  	_ = 	snop  }
0x52: {  	[tilespmem:s20], [sflag:$0x1] =	stream.indirect.gather [hbm4b:s7+s18], $0x80, s17, s18, $0xb8;
	[tilespmem:$0x1DD00] =	vst v63  }
0x53: {  	[tilespmem:s21], [sflag:$0x1] =	stream.indirect.gather [hbm4b:s5+s18], $0x80, s16, s18, $0xb8;
	[tilespmem:$0x1DD00] =	vst v63  }
0x54: {  	_ =	swait.ge [sflag:s22], $0x2800  }
0x55: {  	[sflag:s22] =	ssyncset.done $0x0  }
0x56: {  	[sflag:s22] =	ssyncadd.s32 $0xFFFFD800  }
0x57: {  	_ =	swait.ge [sflag:s22], $0x2800  }
0x58: {  	[sflag:s22] =	ssyncset.done $0x0  }
0x59: {  	[sflag:s22] =	ssyncadd.s32 $0xFFFFD800  }
0x5a: {  	_ =	swait.ge [sflag:s22], $0x2800  }
0x5b: {  	[sflag:s22] =	ssyncset.done $0x0  }
0x5c: {  	s30 =	simm.s32 $0x0;
	[sflag:s22] =	ssyncadd.s32 $0xFFFFD800  }
0x5d: {  	v1 =	vld [tilespmem:s30+$0x16500]  }
0x5e: {  	v2 =	vld [tilespmem:s30+$0x18D00];
	_ =	sdelay $0x1  }
0x5f: {  	v17 =	vld [tilespmem:s30+$0x13D00]  }
0x60: {  	v18 =	vld [tilespmem:s30+$0x13D10]  }
0x61: {  	v21 =	vld [tilespmem:s30+$0x13D20]  }
0x62: {  	v23 =	vld [tilespmem:s30+$0x13D30];
	v1 =	vadd.f32 v2, v1  }
0x63: {  	v26 =	vld [tilespmem:s30+$0x13D40]  }
0x64: {  	v16 =	vld [tilespmem:s30+$0x13D50];
	v2 =	vmul.f32 $2.000000030e-01, v1  }
0x65: {  	s28 =	simm.s32 $0x80;
	v15 =	vld [tilespmem:s30+$0x13D60];
	vm1 =	vge.f32 v1, $0.0e+00  }
0x66: {  	v3 =	vld [tilespmem:s28+$0x16500];
	v1 =	vsel vm1, v1, v2  }
0x67: {  	v2 =	vld [tilespmem:s28+$0x18D00];
	v1 =	vmul.f32 $1.442695020e+00, v1  }
0x68: {  	v9 =	vld [tilespmem:s28+$0x13D00]  }
0x69: {  	v7 =	vld [tilespmem:s28+$0x13D10];
	(erf) = vpow2.f32 v1  }
0x6a: {  	v5 =	vld [tilespmem:s28+$0x13D20]  }
0x6b: {  	s26 =	simm.s32 $0x100;
	v8 =	vld [tilespmem:s28+$0x13D30]  }
0x6c: {  	v14 =	vld [tilespmem:s26+$0x16500];
	v1 =	vadd.f32 v2, v3  }
0x6d: {  	v19 =	vld [tilespmem:s26+$0x18D00]  }
0x6e: {  	v6 =	vld [tilespmem:s28+$0x13D40];
	v2 =	vmul.f32 $2.000000030e-01, v1  }
0x6f: {  	v4 =	vld [tilespmem:s28+$0x13D50];
	vm1 =	vge.f32 v1, $0.0e+00  }
0x70: {  	v10 =	vld [tilespmem:s30+$0x13D70];
	v2 =	vsel vm1, v1, v2  }
0x71: {  	v12 =	vld [tilespmem:s26+$0x13D20];
	v11 =	vmul.f32 $1.442695020e+00, v2  }
0x72: {  	v28 =	vadd.f32 v19, v14;
	v3 =	vld [tilespmem:s28+$0x13D60];
	v22 =	vpop (erf)  }
0x73: {  	v1 =	vld [tilespmem:s26+$0x13D00];
	(erf) = vpow2.f32 v11;
	v13 =	vbroadcast v22, $0x7  }
0x74: {  	v31 =	vmul.f32 $2.000000030e-01, v28;
	v2 =	vld [tilespmem:s26+$0x13D10];
	v24 =	vbroadcast v22, $0x0  }
0x75: {  	v11 =	vld [tilespmem:s26+$0x13D30];
	v25 =	vbroadcast v22, $0x1;
	v20 =	vmul.f32 v10, v13  }
0x76: {  	v27 =	vbroadcast v22, $0x2;
	v29 =	vbroadcast v22, $0x3;
	v10 =	vld [tilespmem:s26+$0x13D40]  }
0x77: {  	v30 =	vbroadcast v22, $0x4;
	v19 =	vbroadcast v22, $0x6;
	v13 =	vld [tilespmem:s26+$0x13D50];
	[tilespmem:s30+$0x1B570] =	vst v20  }
0x78: {  	v32 =	vmul.f32 v24, v17;
	v24 =	vmul.f32 v25, v18;
	v14 =	vld [tilespmem:s26+$0x13D60]  }
0x79: {  	s29 =	simm.s32 $0x180;
	vm1 =	vge.f32 v28, $0.0e+00;
	v23 =	vmul.f32 v23, v29;
	v20 =	vbroadcast v22, $0x5;
	v17 =	vld [tilespmem:s28+$0x13D70]  }
0x7a: {  	s31 =	simm.s32 $0x800;
	v25 =	vsel vm1, v28, v31;
	v22 =	vmul.f32 v27, v21;
	v21 =	vmul.f32 v26, v30;
	v18 =	vld [tilespmem:s29+$0x16500];
	[tilespmem:s30+$0x1B500] =	vst v32  }
.LBB2_8:
0x7b: {  	p2 =	seq.s32 s31, $0x9E00;
	v26 =	vld [tilespmem:s29+$0x18D00];
	v25 =	vmul.f32 $1.442695020e+00, v25;
	[tilespmem:s30+$0x1B510] =	vst v24;
	v20 =	vmul.f32 v16, v20;
	v27 =	vmovc v5;
	v5 =	vmovc v12;
	v28 =	vmov v8  }
0x7c: {  	v19 =	vmul.f32 v15, v19;
	v8 =	vmov v11;
	v30 =	vmov v6;
	v24 =	vld [tilespmem:s29+$0x13D00];
	v29 =	vpop (erf);
	[tilespmem:s30+$0x1B520] =	vst v22  }
0x7d: {  	v6 =	vmovc v10;
	v16 =	vmovc v4;
	v4 =	vmov v13;
	v31 =	vld [tilespmem:s29+$0x13D10];
	(erf) = vpow2.f32 v25;
	v22 =	vbroadcast v29, $0x7;
	[tilespmem:s30+$0x1B530] =	vst v23  }
0x7e: {  	v15 =	vmovc v3;
	v23 =	vbroadcast v29, $0x0;
	v25 =	vbroadcast v29, $0x1;
	v3 =	vmov v14;
	v12 =	vld [tilespmem:s29+$0x13D20];
	[tilespmem:s30+$0x1B540] =	vst v21  }
0x7f: {  	v21 =	vbroadcast v29, $0x2;
	v11 =	vld [tilespmem:s29+$0x13D30];
	v14 =	vmul.f32 v17, v22;
	[tilespmem:s30+$0x1B550] =	vst v20  }
.Ltmp7:
0x80: {  	v32 =	vbroadcast v29, $0x3;
	v33 =	vbroadcast v29, $0x4;
	v26 =	vadd.f32 v26, v18;
	v10 =	vld [tilespmem:s29+$0x13D40];
	[tilespmem:s30+$0x1B560] =	vst v19;
	s30 =	smov.u32 s28;
	s28 =	smov.u32 s26;
	(pc) =	sbr.rel @!p2 .LBB2_8-.Ltmp7, $4  }
0x81: {  	v20 =	vbroadcast v29, $0x5;
	v19 =	vbroadcast v29, $0x6;
	s26 =	smov.u32 s29;
	v13 =	vld [tilespmem:s29+$0x13D50];
	[tilespmem:s30+$0x1B570] =	vst v14  }
0x82: {  	v23 =	vmul.f32 v23, v9;
	v9 =	vmovc v1;
	v1 =	vmov v24;
	v29 =	vmul.f32 $2.000000030e-01, v26;
	v14 =	vld [tilespmem:s26+$0x13D60]  }
0x83: {  	v22 =	vmul.f32 v21, v27;
	s29 =	sshra.s32 s31, $0x2;
	v24 =	vmul.f32 v25, v7;
	v7 =	vmovc v2;
	vm1 =	vge.f32 v26, $0.0e+00;
	v2 =	vmovc v31;
	v17 =	vld [tilespmem:s28+$0x13D70]  }
0x84: {  	v21 =	vmul.f32 v30, v33;
	s31 =	sadd.s32 $0x200, s31;
	v18 =	vld [tilespmem:s29+$0x16500];
	v25 =	vsel vm1, v26, v29;
	[tilespmem:s30+$0x1B500] =	vst v23;
	v23 =	vmul.f32 v28, v32  }
0x85: {  	v26 =	vld [tilespmem:s29+$0x18D00]  }
0x86: {  	v25 =	vmul.f32 $1.442695020e+00, v25;
	_ =	sdelay $0x1  }
0x87: {  	[tilespmem:s30+$0x1B510] =	vst v24;
	v40 =	vpop (erf);
	(erf) = vpow2.f32 v25  }
0x88: {  	v16 =	vmul.f32 v16, v20;
	v24 =	vld [tilespmem:s29+$0x13D00];
	[tilespmem:s30+$0x1B520] =	vst v22  }
0x89: {  	v15 =	vmul.f32 v15, v19;
	v22 =	vld [tilespmem:s29+$0x13D10];
	[tilespmem:s30+$0x1B530] =	vst v23;
	v42 =	vbroadcast v40, $0x7;
	v18 =	vadd.f32 v26, v18  }
0x8a: {  	v43 =	vbroadcast v40, $0x0;
	v44 =	vbroadcast v40, $0x1;
	v23 =	vld [tilespmem:s29+$0x13D20];
	[tilespmem:s30+$0x1B540] =	vst v21  }
0x8b: {  	v41 =	vld [tilespmem:s29+$0x13D30];
	[tilespmem:s30+$0x1B550] =	vst v16;
	v17 =	vmul.f32 v17, v42;
	v47 =	vmul.f32 $2.000000030e-01, v18  }
0x8c: {  	v45 =	vbroadcast v40, $0x2;
	v27 =	vbroadcast v40, $0x3;
	v16 =	vld [tilespmem:s29+$0x13D40];
	[tilespmem:s30+$0x1B560] =	vst v15;
	vm1 =	vge.f32 v18, $0.0e+00  }
0x8d: {  	v28 =	vbroadcast v40, $0x4;
	v9 =	vmul.f32 v43, v9;
	v46 =	vld [tilespmem:s29+$0x13D50];
	[tilespmem:s28+$0x1B570] =	vst v17;
	v49 =	vsel vm1, v18, v47  }
0x8e: {  	v7 =	vmul.f32 v44, v7;
	v29 =	vld [tilespmem:s29+$0x13D60];
	v50 =	vmul.f32 $1.442695020e+00, v49  }
0x8f: {  	v48 =	vbroadcast v40, $0x5;
	v5 =	vmul.f32 v45, v5;
	v30 =	vld [tilespmem:s26+$0x13D70];
	[tilespmem:s28+$0x1B500] =	vst v9  }
0x90: {  	v8 =	vmul.f32 v8, v27;
	[tilespmem:s28+$0x1B510] =	vst v7;
	v52 =	vpop (erf);
	(erf) = vpow2.f32 v50  }
0x91: {  	v51 =	vbroadcast v40, $0x6;
	v6 =	vmul.f32 v6, v28;
	[tilespmem:s28+$0x1B520] =	vst v5  }
0x92: {  	v4 =	vmul.f32 v4, v48;
	[tilespmem:s28+$0x1B530] =	vst v8;
	v53 =	vbroadcast v52, $0x7  }
0x93: {  	v3 =	vmul.f32 v3, v51;
	[tilespmem:s28+$0x1B540] =	vst v6;
	v54 =	vbroadcast v52, $0x0  }
0x94: {  	[tilespmem:s28+$0x1B550] =	vst v4;
	v55 =	vbroadcast v52, $0x1;
	v5 =	vmul.f32 v30, v53  }
0x95: {  	[tilespmem:s28+$0x1B560] =	vst v3;
	v3 =	vbroadcast v52, $0x2;
	v1 =	vmul.f32 v54, v1  }
0x96: {  	v58 =	vbroadcast v52, $0x4;
	v2 =	vmul.f32 v55, v2;
	[tilespmem:s26+$0x1B570] =	vst v5  }
0x97: {  	v56 =	vbroadcast v52, $0x3;
	v3 =	vmul.f32 v3, v12;
	v57 =	vld [tilespmem:s29+$0x13D70];
	[tilespmem:s26+$0x1B500] =	vst v1  }
0x98: {  	v4 =	vmul.f32 v10, v58;
	v1 =	vbroadcast v52, $0x5;
	[tilespmem:s26+$0x1B510] =	vst v2  }
0x99: {  	v5 =	vmul.f32 v11, v56;
	v2 =	vbroadcast v52, $0x6;
	[tilespmem:s26+$0x1B520] =	vst v3;
	v59 =	vpop (erf)  }
0x9a: {  	[tilespmem:s26+$0x1B540] =	vst v4;
	v1 =	vmul.f32 v13, v1;
	v3 =	vbroadcast v59, $0x7  }
0x9b: {  	[tilespmem:s26+$0x1B530] =	vst v5;
	v2 =	vmul.f32 v14, v2;
	v60 =	vbroadcast v59, $0x0  }
0x9c: {  	[tilespmem:s26+$0x1B550] =	vst v1;
	v1 =	vbroadcast v59, $0x2;
	v3 =	vmul.f32 v57, v3  }
0x9d: {  	[tilespmem:s26+$0x1B560] =	vst v2;
	v61 =	vbroadcast v59, $0x1;
	v2 =	vmul.f32 v60, v24  }
0x9e: {  	v62 =	vbroadcast v59, $0x3;
	v1 =	vmul.f32 v1, v23;
	[tilespmem:s29+$0x1B570] =	vst v3  }
0x9f: {  	v63 =	vbroadcast v59, $0x4;
	v3 =	vmul.f32 v61, v22;
	[tilespmem:s29+$0x1B500] =	vst v2  }
0xa0: {  	v5 =	vmul.f32 v41, v62;
	v2 =	vbroadcast v59, $0x5;
	[tilespmem:s29+$0x1B520] =	vst v1  }
.Ltmp8:
0xa1: {  	v4 =	vmul.f32 v16, v63;
	[tilespmem:s29+$0x1B510] =	vst v3;
	v3 =	vbroadcast v59, $0x6;
	(pc) =	sbr.rel .LBB2_13-.Ltmp8, $4  }
0xa2: {  	[tilespmem:s29+$0x1B530] =	vst v5;
	v1 =	vmul.f32 v46, v2  }
0xa3: {  	[tilespmem:s29+$0x1B540] =	vst v4;
	v2 =	vmul.f32 v29, v3  }
0xa4: {  	[tilespmem:s29+$0x1B550] =	vst v1  }
0xa5: {  	[tilespmem:s29+$0x1B560] =	vst v2  }
.LBB2_10:
0xa6: {  	_ =	swait.ge [sflag:s22], $0x2800  }
0xa7: {  	[sflag:s22] =	ssyncset.done $0x0  }
0xa8: {  	[sflag:s22] =	ssyncadd.s32 $0xFFFFD800  }
0xa9: {  	_ =	swait.ge [sflag:s22], $0x2800  }
0xaa: {  	[sflag:s22] =	ssyncset.done $0x0  }
0xab: {  	s26 =	simm.s32 $0x0;
	[sflag:s22] =	ssyncadd.s32 $0xFFFFD800  }
0xac: {  	v1 =	vld [tilespmem:s26+$0x16500]  }
0xad: {  	s28 =	simm.s32 $0x80;
	v2 =	vld [tilespmem:s26+$0x18D00]  }
0xae: {  	v3 =	vld [tilespmem:s28+$0x16500]  }
0xaf: {  	v4 =	vld [tilespmem:s28+$0x18D00];
	_ =	sdelay $0x2  }
0xb0: {  	v1 =	vadd.f32 v2, v1;
	_ =	sdelay $0x1  }
0xb1: {  	v3 =	vadd.f32 v4, v3;
	v4 =	vmul.f32 $2.000000030e-01, v1  }
0xb2: {  	s29 =	simm.s32 $0x100;
	vm1 =	vge.f32 v1, $0.0e+00  }
0xb3: {  	v5 =	vld [tilespmem:s29+$0x16500];
	v1 =	vsel vm1, v1, v4  }
0xb4: {  	v2 =	vld [tilespmem:s29+$0x18D00];
	v1 =	vnsel vm0, $0x0, v1  }
0xb5: {  	v1 =	vmul.f32 $1.442695020e+00, v1  }
0xb6: {  	v6 =	vmul.f32 $2.000000030e-01, v3  }
0xb7: {  	vm1 =	vge.f32 v3, $0.0e+00;
	(erf) = vpow2.f32 v1  }
0xb8: {  	v3 =	vsel vm1, v3, v6  }
0xb9: {  	v4 =	vadd.f32 v2, v5;
	v2 =	vnsel vm0, $0x0, v3  }
0xba: {  	s30 =	simm.s32 $0x180;
	v2 =	vmul.f32 $1.442695020e+00, v2  }
0xbb: {  	v1 =	vld [tilespmem:s30+$0x16500]  }
0xbc: {  	(erf) = vpow2.f32 v2;
	v2 =	vld [tilespmem:s30+$0x18D00]  }
0xbd: {  	v3 =	vmul.f32 $2.000000030e-01, v4  }
0xbe: {  	vm1 =	vge.f32 v4, $0.0e+00  }
0xbf: {  	s31 =	simm.s32 $0x800;
	v3 =	vsel vm1, v4, v3  }
.LBB2_11:
0xc0: {  	s0 =	sshra.s32 s31, $0x2;
	v3 =	vnsel vm0, $0x0, v3;
	v4 =	vpop (erf);
	p2 =	sne.s32 s31, $0x9E00  }
.Ltmp9:
0xc1: {  	s31 =	sadd.s32 $0x200, s31;
	v5 =	vadd.f32 v2, v1;
	v1 =	vld [tilespmem:s0+$0x16500];
	v3 =	vmul.f32 $1.442695020e+00, v3;
	[tilespmem:s26+$0x1B500] =	vst v4;
	(pc) =	sbr.rel @p2 .LBB2_11-.Ltmp9, $4  }
0xc2: {  	s26 =	smov.u32 s28;
	s28 =	smov.u32 s29;
	s29 =	smov.u32 s30;
	v2 =	vld [tilespmem:s0+$0x18D00]  }
0xc3: {  	s30 =	smov.u32 s0;
	v4 =	vmul.f32 $2.000000030e-01, v5;
	(erf) = vpow2.f32 v3  }
0xc4: {  	vm1 =	vge.f32 v5, $0.0e+00  }
0xc5: {  	v3 =	vsel vm1, v5, v4  }
.Ltmp10:
0xc6: {  	_ = 	snop;
	(pc) =	sbr.rel .LBB2_12-.Ltmp10, $1  }
0xc7: {  	_ =	sdelay $0x3  }
.LBB2_15:
0xc8: {  	_ =	sfence.sel $0x180000  }
0xc9: {  	[bflag:$0x0] =	sbarrier.arrive $0xFFFF  }
0xca: {  	_ =	strace $0x90000050  }
0xcb: {  	[bflag:$0x2] =	sbarrier.arrive $0xFFFF  }
0xcc: {  	p0 =	sne.s32 s3, $0x0;
	s0 =	rddreg [dreg:$0x3]  }
0xcd: {  	s0 =	sadd.s32 @!p0 $0x100000, s0  }
0xce: {  	[sflag:s0] =	ssyncadd.tile.s32 @!p0 $0x1;
	_ =	shalt  }
.Lfunc_end2:
_tile_overlayer_lowered:
.L_overlay_start_2:
0xcf: {  	(tag) =	ssettag $0x2  }
0xd0: {  	s0 =	rddreg [dreg:$0x0];
	s2 =	stileid.u32  }
0xd1: {  	s1 =	rddreg [dreg:$0x1];
	p0 =	sne.s32 s2, $0x0  }
0xd2: {  	s3 =	rddreg [dreg:$0x2];
	[bflag:$0x3] =	sbarrier.arrive $0xFFFF;
	s2 =	simm.s32 @!p0 $0x1C02  }
0xd3: {  	[timem:s3], [sflag:s2] =	dma.local @!p0 [hbm:s0], s1  }
0xd4: {  	s0 =	simm.s32 @!p0 $0x2  }
0xd5: {  	_ =	swait.ge @!p0 [sflag:s0], s1  }
0xd6: {  	s1 =	ssub.s32 @!p0 $0x0, s1;
	[sflag:s0] =	ssyncset.done @!p0 $0x0  }
0xd7: {  	[sflag:s0] =	ssyncadd.s32 @!p0 s1  }
0xd8: {  	[bflag:$0x3] =	sbarrier.arrive $0xFFFF  }
0xd9: {  	_ =	shalt  }

</sc_bundles>
